<compile_context>
chip_gen: v7x
topology: tpu7x:2x2x1
jax: 0.10.2.dev20260603
libtpu: 0.0.44.dev20260713+nightly
codegen_flags: <defaults>
</compile_context>

<pallas_src>
import functools

import jax
import jax.numpy as jnp
from jax import lax
from jax.experimental import pallas as pl
from jax.experimental.pallas import tpu as pltpu
from jax.experimental.pallas import tpu_sc as plsc

N = 10000
E = 320000
D = 128

NC = 2
NS = 16
DH = D // NC
C = 80
CH = -(-E // (NS * C))
EPAD = NS * CH * C - E
NPAD = 10240
DEGW = 8
ROWS_PER_TILE = NPAD // NS


NB = 8


def _sc_aggregate_body(xh_hbm, src_hbm, dst_hbm, agg_out, deg_out,
                       src_v, dst_v, bufs, ones_v, zeros_v, agg_sh, deg_sh,
                       gsems, ssems, dsem):
    cid = lax.axis_index("c")
    sid = lax.axis_index("s")

    pltpu.sync_copy(src_hbm.at[sid], src_v)
    pltpu.sync_copy(dst_hbm.at[sid], dst_v)

    zeros16 = jnp.zeros((16,), jnp.float32)
    ones16 = jnp.ones((16,), jnp.float32)

    def fill_row(r, _):
        def fill_col(k, _):
            bufs[0][r, pl.ds(k * 16, 16)] = zeros16
            return 0
        lax.fori_loop(0, DH // 16, fill_col, 0)
        return 0
    lax.fori_loop(0, C, fill_row, 0)

    lanes = lax.iota(jnp.int32, 16)

    def fill_deg(i, _):
        flat = i * 16 + lanes
        ridx = lax.shift_right_logical(flat, 3)
        cidx = lax.bitwise_and(flat, 7)
        plsc.store_scatter(ones_v, [ridx, cidx], ones16)
        plsc.store_scatter(zeros_v, [ridx, cidx], zeros16)
        return 0
    lax.fori_loop(0, C * DEGW // 16, fill_deg, 0)

    for j in range(ROWS_PER_TILE // C):
        pltpu.sync_copy(bufs[0], agg_sh.at[pl.ds(sid * ROWS_PER_TILE + j * C, C)])
        pltpu.sync_copy(zeros_v, deg_sh.at[pl.ds(sid * ROWS_PER_TILE + j * C, C)])
    plsc.subcore_barrier()

    xv = xh_hbm.at[cid]

    def _gather(j, b):
        pltpu.async_copy(xv.at[src_v.at[j]], bufs[b], gsems[b])

    def _wait_gather(j, b):
        pltpu.make_async_copy(xv.at[src_v.at[j]], bufs[b], gsems[b]).wait()

    def _scatter(j, b):
        pltpu.async_copy(bufs[b], agg_sh.at[dst_v.at[j]], ssems[b], add=True)

    def _wait_scatter(b):
        pltpu.make_async_copy(bufs[b], agg_sh.at[dst_v.at[0]],
                              ssems[b]).wait()

    def _deg_fire(j):
        pltpu.async_copy(ones_v, deg_sh.at[dst_v.at[j]], dsem, add=True)

    def _deg_wait():
        pltpu.make_async_copy(ones_v, deg_sh.at[dst_v.at[0]], dsem).wait()

    FA = NB // 2
    for b in range(FA):
        _gather(b, b)

    def octet(q, _):
        for b in range(NB):
            j = NB * q + b
            jn = j + FA
            bn = (b + FA) % NB

            @pl.when(jn < CH)
            def _fire():
                @pl.when(j >= FA)
                def _drain_prev():
                    _wait_scatter(bn)
                _gather(jn, bn)
            _wait_gather(j, b)
            _scatter(j, b)

            @pl.when(cid == (b % 2))
            def _deg():
                @pl.when(j >= 2)
                def _drain_deg():
                    _deg_wait()
                _deg_fire(j)
        return 0
    lax.fori_loop(0, CH // NB, octet, 0)
    for t in range(CH % NB):
        j = (CH // NB) * NB + t
        b = j % NB
        _wait_gather(j, b)
        _scatter(j, b)

        @pl.when(cid == (j % 2))
        def _deg_tail():
            _deg_wait()
            _deg_fire(j)

    for b in range(NB):
        _wait_scatter(b)
    _deg_wait()

    plsc.subcore_barrier()

    pltpu.sync_copy(agg_sh.at[pl.ds(sid * ROWS_PER_TILE, ROWS_PER_TILE)],
                    agg_out.at[cid, pl.ds(sid * ROWS_PER_TILE, ROWS_PER_TILE)])
    pltpu.sync_copy(deg_sh.at[pl.ds(sid * ROWS_PER_TILE, ROWS_PER_TILE)],
                    deg_out.at[cid, pl.ds(sid * ROWS_PER_TILE, ROWS_PER_TILE)])


_sc_aggregate = functools.partial(
    pl.kernel,
    out_type=(jax.ShapeDtypeStruct((NC, NPAD, DH), jnp.float32),
              jax.ShapeDtypeStruct((NC, NPAD, DEGW), jnp.float32)),
    mesh=plsc.VectorSubcoreMesh(core_axis_name="c", subcore_axis_name="s",
                                num_cores=NC, num_subcores=NS),
    scratch_types=[
        pltpu.VMEM((CH, C), jnp.int32),
        pltpu.VMEM((CH, C), jnp.int32),
        tuple(pltpu.VMEM((C, DH), jnp.float32) for _ in range(NB)),
        pltpu.VMEM((C, DEGW), jnp.float32),
        pltpu.VMEM((C, DEGW), jnp.float32),
        pltpu.VMEM_SHARED((NPAD, DH), jnp.float32),
        pltpu.VMEM_SHARED((NPAD, DEGW), jnp.float32),
        tuple(pltpu.SemaphoreType.DMA for _ in range(NB)),
        tuple(pltpu.SemaphoreType.DMA for _ in range(NB)),
        pltpu.SemaphoreType.DMA,
    ],
    compiler_params=pltpu.CompilerParams(use_tc_tiling_on_sc=False,
                                         needs_layout_passes=False),
)(_sc_aggregate_body)


R = 2000
GSTEPS = N // R


def _tc_hr_body(x_ref, wr_ref, bl_ref, o_ref):
    dn = (((1,), (1,)), ((), ()))
    o_ref[...] = (lax.dot_general(x_ref[...], wr_ref[...], dn,
                                  precision=lax.Precision.HIGHEST,
                                  preferred_element_type=jnp.float32)
                  + bl_ref[...][None, :])


_tc_hr = pl.pallas_call(
    _tc_hr_body,
    grid=(GSTEPS,),
    in_specs=[
        pl.BlockSpec((R, D), lambda i: (i, 0)),
        pl.BlockSpec((D, D), lambda i: (0, 0)),
        pl.BlockSpec((D,), lambda i: (0,)),
    ],
    out_specs=pl.BlockSpec((R, D), lambda i: (i, 0)),
    out_shape=jax.ShapeDtypeStruct((N, D), jnp.float32),
)


def _tc_finish_body(aggp_ref, degp_ref, hr_ref, x_ref, wl_ref,
                    g_ref, b_ref, o_ref, h_scr, st_scr):
    i = pl.program_id(0)
    blk = jnp.where(i < GSTEPS, i, i - GSTEPS)
    row0 = pl.multiple_of(blk * R, R)

    @pl.when(i < GSTEPS)
    def _phase_h():
        agg = jnp.concatenate([aggp_ref[0], aggp_ref[1]], axis=1)
        deg = (degp_ref[0] + degp_ref[1])[:, 0:1]
        mean_agg = agg * (1.0 / jnp.maximum(deg, 1.0))
        dn = (((1,), (1,)), ((), ()))
        h = (lax.dot_general(mean_agg, wl_ref[...], dn,
                             precision=lax.Precision.HIGHEST,
                             preferred_element_type=jnp.float32)
             + hr_ref[...])
        h_scr[pl.ds(row0, R), :] = h
        s1 = jnp.sum(h, axis=0, keepdims=True)
        s2 = jnp.sum(h * h, axis=0, keepdims=True)
        part = jnp.concatenate(
            [s1, s2, jnp.zeros((6, D), jnp.float32)], axis=0)

        @pl.when(i == 0)
        def _init():
            st_scr[...] = part

        @pl.when(i > 0)
        def _acc():
            st_scr[...] += part
        o_ref[...] = h

    @pl.when(i >= GSTEPS)
    def _phase_norm():
        h = h_scr[pl.ds(row0, R), :]
        mu = st_scr[0:1, :] * (1.0 / N)
        var = st_scr[1:2, :] * (1.0 / N) - mu * mu
        hn = ((h - mu) * lax.rsqrt(var + 1e-5) * g_ref[...][None, :]
              + b_ref[...][None, :])
        o_ref[...] = jnp.maximum(hn, 0.0) + x_ref[...]


_tc_finish = pl.pallas_call(
    _tc_finish_body,
    grid=(2 * GSTEPS,),
    in_specs=[
        pl.BlockSpec((NC, R, DH), lambda i: (0, jnp.minimum(i, GSTEPS - 1), 0)),
        pl.BlockSpec((NC, R, DEGW), lambda i: (0, jnp.minimum(i, GSTEPS - 1), 0)),
        pl.BlockSpec((R, D), lambda i: (jnp.minimum(i, GSTEPS - 1), 0)),
        pl.BlockSpec((R, D), lambda i: (jnp.maximum(i, GSTEPS) - GSTEPS, 0)),
        pl.BlockSpec((D, D), lambda i: (0, 0)),
        pl.BlockSpec((D,), lambda i: (0,)),
        pl.BlockSpec((D,), lambda i: (0,)),
    ],
    out_specs=pl.BlockSpec((R, D), lambda i: (jnp.maximum(i, GSTEPS) - GSTEPS, 0)),
    out_shape=jax.ShapeDtypeStruct((N, D), jnp.float32),
    scratch_shapes=[
        pltpu.VMEM((N, D), jnp.float32),
        pltpu.VMEM((8, D), jnp.float32),
    ],
)


def kernel(x, edge_index, W_l, b_l, W_r, gamma, beta):
    src = jnp.concatenate(
        [edge_index[0].astype(jnp.int32), jnp.zeros((EPAD,), jnp.int32)])
    dst = jnp.concatenate(
        [edge_index[1].astype(jnp.int32),
         N + (jnp.arange(EPAD, dtype=jnp.int32) % (NPAD - N))])
    src = src.reshape(NS, CH, C)
    dst = dst.reshape(NS, CH, C)
    xh = x.reshape(N, NC, DH).transpose(1, 0, 2)
    aggp, degp = _sc_aggregate(xh, src, dst)
    hr = _tc_hr(x, W_r, b_l)
    return _tc_finish(aggp, degp, hr, x, W_l, gamma, beta)

# --- scband reference (transcript-rebuilt; emitter-appended) ---
"""Pipeline reference for scband-graph-sagelayer-48455821034228 (READ-ONLY COPY).

The authoritative reference and input builder live on the scoring server;
editing this copy changes nothing except your own understanding.
"""

import jax, jax.numpy as jnp
import numpy as np

N = 10000
E = 320000
D = 128


def setup_inputs(seed: int = 0) -> dict:
    key = jax.random.key(seed)
    k1, k2, k3, k4, k5, k6, k7 = jax.random.split(key, 7)
    x = jax.random.normal(k1, (N, D), dtype=jnp.float32)
    edge_index = jax.random.randint(k2, (2, E), 0, N).astype(jnp.int64)
    scale = 1.0 / np.sqrt(D)
    W_l = jax.random.uniform(k3, (D, D), dtype=jnp.float32, minval=-scale, maxval=scale)
    b_l = jax.random.uniform(k4, (D,), dtype=jnp.float32, minval=-scale, maxval=scale)
    W_r = jax.random.uniform(k5, (D, D), dtype=jnp.float32, minval=-scale, maxval=scale)
    gamma = jnp.ones((D,), dtype=jnp.float32)
    beta = jnp.zeros((D,), dtype=jnp.float32)
    return {"x": x, "edge_index": edge_index, "W_l": W_l, "b_l": b_l, "W_r": W_r, "gamma": gamma, "beta": beta}


def reference(x, edge_index, W_l, b_l, W_r, gamma, beta):
    # SAGEConv with mean aggregation: out = lin_l(mean_{j in N(i)} x_j) + lin_r(x_i)
    src = edge_index[0]
    dst = edge_index[1]
    msgs = jnp.take(x, src, axis=0)
    agg = jax.ops.segment_sum(msgs, dst, num_segments=N)
    deg = jax.ops.segment_sum(jnp.ones((E,), dtype=x.dtype), dst, num_segments=N)
    agg = agg / jnp.maximum(deg, 1.0)[:, None]
    h = agg @ W_l.T + b_l + x @ W_r.T
    # BatchNorm1d (training-mode batch statistics over the node dimension)
    mean = jnp.mean(h, axis=0)
    var = jnp.var(h, axis=0)
    h = (h - mean) / jnp.sqrt(var + 1e-5) * gamma + beta
    h = jax.nn.relu(h)
    # residual (input_dim == output_dim -> identity add)
    h = h + x
    # dropout is identity in eval/deterministic mode
    return h

if __name__ == "__main__":
    import jax
    _d = setup_inputs()
    print(jax.jit(kernel)(*tuple(_d.values())))

</pallas_src>

<mosaic_0001>
#map = affine_map<(d0, d1) -> (0, 0, 0)>
module attributes {stable_mosaic.version = 14 : i64} {
  func.func @_sc_aggregate_body(%arg0: i32, %arg1: i32, %arg2: memref<2x10000x64xf32, #tpu.memory_space<hbm>>, %arg3: memref<16x250x80xi32, #tpu.memory_space<hbm>>, %arg4: memref<16x250x80xi32, #tpu.memory_space<hbm>>, %arg5: memref<2x10240x64xf32, #tpu.memory_space<hbm>>, %arg6: memref<2x10240x8xf32, #tpu.memory_space<hbm>>, %arg7: memref<250x80xi32, #tpu.memory_space<vmem>>, %arg8: memref<250x80xi32, #tpu.memory_space<vmem>>, %arg9: memref<80x64xf32, #tpu.memory_space<vmem>>, %arg10: memref<80x64xf32, #tpu.memory_space<vmem>>, %arg11: memref<80x64xf32, #tpu.memory_space<vmem>>, %arg12: memref<80x64xf32, #tpu.memory_space<vmem>>, %arg13: memref<80x64xf32, #tpu.memory_space<vmem>>, %arg14: memref<80x64xf32, #tpu.memory_space<vmem>>, %arg15: memref<80x64xf32, #tpu.memory_space<vmem>>, %arg16: memref<80x64xf32, #tpu.memory_space<vmem>>, %arg17: memref<80x8xf32, #tpu.memory_space<vmem>>, %arg18: memref<80x8xf32, #tpu.memory_space<vmem>>, %arg19: memref<10240x64xf32, #tpu.memory_space<vmem_shared>>, %arg20: memref<10240x8xf32, #tpu.memory_space<vmem_shared>>, %arg21: memref<!tpu.dma_semaphore, #tpu.memory_space<semaphore_mem>>, %arg22: memref<!tpu.dma_semaphore, #tpu.memory_space<semaphore_mem>>, %arg23: memref<!tpu.dma_semaphore, #tpu.memory_space<semaphore_mem>>, %arg24: memref<!tpu.dma_semaphore, #tpu.memory_space<semaphore_mem>>, %arg25: memref<!tpu.dma_semaphore, #tpu.memory_space<semaphore_mem>>, %arg26: memref<!tpu.dma_semaphore, #tpu.memory_space<semaphore_mem>>, %arg27: memref<!tpu.dma_semaphore, #tpu.memory_space<semaphore_mem>>, %arg28: memref<!tpu.dma_semaphore, #tpu.memory_space<semaphore_mem>>, %arg29: memref<!tpu.dma_semaphore, #tpu.memory_space<semaphore_mem>>, %arg30: memref<!tpu.dma_semaphore, #tpu.memory_space<semaphore_mem>>, %arg31: memref<!tpu.dma_semaphore, #tpu.memory_space<semaphore_mem>>, %arg32: memref<!tpu.dma_semaphore, #tpu.memory_space<semaphore_mem>>, %arg33: memref<!tpu.dma_semaphore, #tpu.memory_space<semaphore_mem>>, %arg34: memref<!tpu.dma_semaphore, #tpu.memory_space<semaphore_mem>>, %arg35: memref<!tpu.dma_semaphore, #tpu.memory_space<semaphore_mem>>, %arg36: memref<!tpu.dma_semaphore, #tpu.memory_space<semaphore_mem>>, %arg37: memref<!tpu.dma_semaphore, #tpu.memory_space<semaphore_mem>>) attributes {dimension_semantics = [#tpu.dimension_semantics<core_parallel>, #tpu.dimension_semantics<subcore_parallel>], iteration_bounds = array<i64: 2, 16>, scalar_prefetch = 0 : i64, scratch_operands = 31 : i64, tpu.core_type = #tpu.core_type<sc_vector_subcore>, window_params = [{transform_indices = #map}, {transform_indices = #map}, {transform_indices = #map}, {transform_indices = #map}, {transform_indices = #map}]} {
    "tpu.region"() ({
      %run_scoped3A = tpu.sem_alloc : memref<!tpu.dma_semaphore, #tpu.memory_space<semaphore_mem>>
      %dma_start3A_242 = arith.constant 0 : i32
      %dma_start3A_243 = arith.constant 0 : i32
      %dma_start3A_244 = tpu.memref_slice %arg3[%arg1, %dma_start3A_242, %dma_start3A_243] : memref<16x250x80xi32, #tpu.memory_space<hbm>> -> memref<1x250x80xi32, #tpu.memory_space<hbm>>
      %dma_start3A_245 = tpu.memref_squeeze %dma_start3A_244 : memref<1x250x80xi32, #tpu.memory_space<hbm>> -> memref<250x80xi32, #tpu.memory_space<hbm>>
      %dma_start3A_246 = arith.constant 0 : i32
      %dma_start3A_247 = arith.constant 0 : i32
      %dma_start3A_248 = tpu.memref_slice %arg3[%arg1, %dma_start3A_246, %dma_start3A_247] : memref<16x250x80xi32, #tpu.memory_space<hbm>> -> memref<1x250x80xi32, #tpu.memory_space<hbm>>
      %dma_start3A_249 = tpu.memref_squeeze %dma_start3A_248 : memref<1x250x80xi32, #tpu.memory_space<hbm>> -> memref<250x80xi32, #tpu.memory_space<hbm>>
      tpu.enqueue_dma source(%dma_start3A_249 : memref<250x80xi32, #tpu.memory_space<hbm>>) target(%arg7 : memref<250x80xi32, #tpu.memory_space<vmem>>) target_semaphore(%run_scoped3A : memref<!tpu.dma_semaphore, #tpu.memory_space<semaphore_mem>>)
      %dma_wait3A_250 = arith.constant 0 : i32
      %dma_wait3A_251 = arith.constant 0 : i32
      %dma_wait3A_252 = tpu.memref_slice %arg3[%arg1, %dma_wait3A_250, %dma_wait3A_251] : memref<16x250x80xi32, #tpu.memory_space<hbm>> -> memref<1x250x80xi32, #tpu.memory_space<hbm>>
      %dma_wait3A_253 = tpu.memref_squeeze %dma_wait3A_252 : memref<1x250x80xi32, #tpu.memory_space<hbm>> -> memref<250x80xi32, #tpu.memory_space<hbm>>
      %dma_wait3A_254 = arith.constant 0 : i32
      %dma_wait3A_255 = arith.constant 0 : i32
      %dma_wait3A_256 = tpu.memref_slice %arg3[%arg1, %dma_wait3A_254, %dma_wait3A_255] : memref<16x250x80xi32, #tpu.memory_space<hbm>> -> memref<1x250x80xi32, #tpu.memory_space<hbm>>
      %dma_wait3A_257 = tpu.memref_squeeze %dma_wait3A_256 : memref<1x250x80xi32, #tpu.memory_space<hbm>> -> memref<250x80xi32, #tpu.memory_space<hbm>>
      tpu.wait_dma2 semaphore(%run_scoped3A : memref<!tpu.dma_semaphore, #tpu.memory_space<semaphore_mem>>) src(%dma_wait3A_257 : memref<250x80xi32, #tpu.memory_space<hbm>>) dst(%arg7 : memref<250x80xi32, #tpu.memory_space<vmem>>)
      tpu.yield
    }) : () -> ()
    "tpu.region"() ({
      %run_scoped3A = tpu.sem_alloc : memref<!tpu.dma_semaphore, #tpu.memory_space<semaphore_mem>>
      %dma_start3A_242 = arith.constant 0 : i32
      %dma_start3A_243 = arith.constant 0 : i32
      %dma_start3A_244 = tpu.memref_slice %arg4[%arg1, %dma_start3A_242, %dma_start3A_243] : memref<16x250x80xi32, #tpu.memory_space<hbm>> -> memref<1x250x80xi32, #tpu.memory_space<hbm>>
      %dma_start3A_245 = tpu.memref_squeeze %dma_start3A_244 : memref<1x250x80xi32, #tpu.memory_space<hbm>> -> memref<250x80xi32, #tpu.memory_space<hbm>>
      %dma_start3A_246 = arith.constant 0 : i32
      %dma_start3A_247 = arith.constant 0 : i32
      %dma_start3A_248 = tpu.memref_slice %arg4[%arg1, %dma_start3A_246, %dma_start3A_247] : memref<16x250x80xi32, #tpu.memory_space<hbm>> -> memref<1x250x80xi32, #tpu.memory_space<hbm>>
      %dma_start3A_249 = tpu.memref_squeeze %dma_start3A_248 : memref<1x250x80xi32, #tpu.memory_space<hbm>> -> memref<250x80xi32, #tpu.memory_space<hbm>>
      tpu.enqueue_dma source(%dma_start3A_249 : memref<250x80xi32, #tpu.memory_space<hbm>>) target(%arg8 : memref<250x80xi32, #tpu.memory_space<vmem>>) target_semaphore(%run_scoped3A : memref<!tpu.dma_semaphore, #tpu.memory_space<semaphore_mem>>)
      %dma_wait3A_250 = arith.constant 0 : i32
      %dma_wait3A_251 = arith.constant 0 : i32
      %dma_wait3A_252 = tpu.memref_slice %arg4[%arg1, %dma_wait3A_250, %dma_wait3A_251] : memref<16x250x80xi32, #tpu.memory_space<hbm>> -> memref<1x250x80xi32, #tpu.memory_space<hbm>>
      %dma_wait3A_253 = tpu.memref_squeeze %dma_wait3A_252 : memref<1x250x80xi32, #tpu.memory_space<hbm>> -> memref<250x80xi32, #tpu.memory_space<hbm>>
      %dma_wait3A_254 = arith.constant 0 : i32
      %dma_wait3A_255 = arith.constant 0 : i32
      %dma_wait3A_256 = tpu.memref_slice %arg4[%arg1, %dma_wait3A_254, %dma_wait3A_255] : memref<16x250x80xi32, #tpu.memory_space<hbm>> -> memref<1x250x80xi32, #tpu.memory_space<hbm>>
      %dma_wait3A_257 = tpu.memref_squeeze %dma_wait3A_256 : memref<1x250x80xi32, #tpu.memory_space<hbm>> -> memref<250x80xi32, #tpu.memory_space<hbm>>
      tpu.wait_dma2 semaphore(%run_scoped3A : memref<!tpu.dma_semaphore, #tpu.memory_space<semaphore_mem>>) src(%dma_wait3A_257 : memref<250x80xi32, #tpu.memory_space<hbm>>) dst(%arg8 : memref<250x80xi32, #tpu.memory_space<vmem>>)
      tpu.yield
    }) : () -> ()
    %broadcast_in_dim3A = arith.constant 0.000000e+00 : f32
    %broadcast_in_dim3A_0 = vector.broadcast %broadcast_in_dim3A : f32 to vector<16xf32>
    %broadcast_in_dim3A_1 = arith.constant 1.000000e+00 : f32
    %broadcast_in_dim3A_2 = vector.broadcast %broadcast_in_dim3A_1 : f32 to vector<16xf32>
    %scan3A = arith.constant 0 : i32
    %scan3A_3 = arith.constant 0 : i32
    %scan3A_4 = arith.constant 80 : i32
    %scan3A_5 = arith.addi %scan3A_3, %scan3A_4 : i32
    %scan3A_6 = arith.constant 1 : i32
    %scan3A_7 = scf.for %scan3A_242 = %scan3A_3 to %scan3A_5 step %scan3A_6 iter_args(%scan3A_243 = %scan3A) -> (i32)  : i32 {
      %scan3A_244 = arith.constant 0 : i32
      %scan3A_245 = arith.constant 0 : i32
      %scan3A_246 = arith.constant 4 : i32
      %scan3A_247 = arith.addi %scan3A_245, %scan3A_246 : i32
      %scan3A_248 = arith.constant 1 : i32
      %scan3A_249 = scf.for %scan3A_252 = %scan3A_245 to %scan3A_247 step %scan3A_248 iter_args(%scan3A_253 = %scan3A_244) -> (i32)  : i32 {
        %mul3A_254 = arith.constant 16 : i32
        %mul3A_255 = arith.muli %scan3A_252, %mul3A_254 : i32
        %swap3A = arith.index_cast %scan3A_242 : i32 to index
        %swap3A_256 = arith.index_cast %mul3A_255 : i32 to index
        %swap3A_257 = tpu.vector_load %arg9[%swap3A, %swap3A_256] {strides = array<i32>} : memref<80x64xf32, #tpu.memory_space<vmem>>, vector<16xf32>,
        tpu.vector_store %arg9[%swap3A, %swap3A_256], %broadcast_in_dim3A_0 {strides = array<i32>} : memref<80x64xf32, #tpu.memory_space<vmem>>, vector<16xf32>,
        %scan3A_258 = arith.constant 0 : i32
        scf.yield %scan3A_258 : i32
      }
      %scan3A_250 = arith.constant 4 : i32
      %scan3A_251 = arith.constant 0 : i32
      scf.yield %scan3A_251 : i32
    }
    %scan3A_8 = arith.constant 80 : i32
    %iota3A = tpu.iota {dimensions = array<i32: 0>} : vector<16xi32>
    %scan3A_9 = arith.constant 0 : i32
    %scan3A_10 = arith.constant 0 : i32
    %scan3A_11 = arith.constant 40 : i32
    %scan3A_12 = arith.addi %scan3A_10, %scan3A_11 : i32
    %scan3A_13 = arith.constant 1 : i32
    %scan3A_14 = scf.for %scan3A_242 = %scan3A_10 to %scan3A_12 step %scan3A_13 iter_args(%scan3A_243 = %scan3A_9) -> (i32)  : i32 {
      %mul3A_244 = arith.constant 16 : i32
      %mul3A_245 = arith.muli %scan3A_242, %mul3A_244 : i32
      %add3A_246 = vector.broadcast %mul3A_245 : i32 to vector<16xi32>
      %add3A_247 = arith.addi %add3A_246, %iota3A : vector<16xi32>
      %shift_right_logical3A = arith.constant 3 : i32
      %shift_right_logical3A_248 = vector.broadcast %shift_right_logical3A : i32 to vector<16xi32>
      %shift_right_logical3A_249 = arith.shrui %add3A_247, %shift_right_logical3A_248 : vector<16xi32>
      %and3A = arith.constant 7 : i32
      %and3A_250 = vector.broadcast %and3A : i32 to vector<16xi32>
      %and3A_251 = arith.andi %add3A_247, %and3A_250 : vector<16xi32>
      tpu.vector_store_idx %arg17[%shift_right_logical3A_249, %and3A_251], %broadcast_in_dim3A_2 : memref<80x8xf32, #tpu.memory_space<vmem>>[vector<16xi32>, vector<16xi32>], vector<16xf32>,
      tpu.vector_store_idx %arg18[%shift_right_logical3A_249, %and3A_251], %broadcast_in_dim3A_0 : memref<80x8xf32, #tpu.memory_space<vmem>>[vector<16xi32>, vector<16xi32>], vector<16xf32>,
      %scan3A_252 = arith.constant 0 : i32
      scf.yield %scan3A_252 : i32
    }
    %scan3A_15 = arith.constant 40 : i32
    %mul3A = arith.constant 640 : i32
    %mul3A_16 = arith.muli %arg1, %mul3A : i32
    %add3A = arith.constant 0 : i32
    %add3A_17 = arith.addi %mul3A_16, %add3A : i32
    "tpu.region"() ({
      %run_scoped3A = tpu.sem_alloc : memref<!tpu.dma_semaphore, #tpu.memory_space<semaphore_mem>>
      %dma_start3A_242 = arith.constant 0 : i32
      %dma_start3A_243 = tpu.memref_slice %arg19[%add3A_17, %dma_start3A_242] : memref<10240x64xf32, #tpu.memory_space<vmem_shared>> -> memref<80x64xf32, #tpu.memory_space<vmem_shared>>
      %dma_start3A_244 = arith.constant 0 : i32
      %dma_start3A_245 = tpu.memref_slice %arg19[%add3A_17, %dma_start3A_244] : memref<10240x64xf32, #tpu.memory_space<vmem_shared>> -> memref<80x64xf32, #tpu.memory_space<vmem_shared>>
      tpu.enqueue_dma source(%arg9 : memref<80x64xf32, #tpu.memory_space<vmem>>) target(%dma_start3A_245 : memref<80x64xf32, #tpu.memory_space<vmem_shared>>) target_semaphore(%run_scoped3A : memref<!tpu.dma_semaphore, #tpu.memory_space<semaphore_mem>>)
      %dma_wait3A_246 = arith.constant 0 : i32
      %dma_wait3A_247 = tpu.memref_slice %arg19[%add3A_17, %dma_wait3A_246] : memref<10240x64xf32, #tpu.memory_space<vmem_shared>> -> memref<80x64xf32, #tpu.memory_space<vmem_shared>>
      %dma_wait3A_248 = arith.constant 0 : i32
      %dma_wait3A_249 = tpu.memref_slice %arg19[%add3A_17, %dma_wait3A_248] : memref<10240x64xf32, #tpu.memory_space<vmem_shared>> -> memref<80x64xf32, #tpu.memory_space<vmem_shared>>
      tpu.wait_dma2 semaphore(%run_scoped3A : memref<!tpu.dma_semaphore, #tpu.memory_space<semaphore_mem>>) src(%arg9 : memref<80x64xf32, #tpu.memory_space<vmem>>) dst(%dma_wait3A_249 : memref<80x64xf32, #tpu.memory_space<vmem_shared>>)
      tpu.yield
    }) : () -> ()
    %mul3A_18 = arith.constant 640 : i32
    %mul3A_19 = arith.muli %arg1, %mul3A_18 : i32
    %add3A_20 = arith.constant 0 : i32
    %add3A_21 = arith.addi %mul3A_19, %add3A_20 : i32
    "tpu.region"() ({
      %run_scoped3A = tpu.sem_alloc : memref<!tpu.dma_semaphore, #tpu.memory_space<semaphore_mem>>
      %dma_start3A_242 = arith.constant 0 : i32
      %dma_start3A_243 = tpu.memref_slice %arg20[%add3A_21, %dma_start3A_242] : memref<10240x8xf32, #tpu.memory_space<vmem_shared>> -> memref<80x8xf32, #tpu.memory_space<vmem_shared>>
      %dma_start3A_244 = arith.constant 0 : i32
      %dma_start3A_245 = tpu.memref_slice %arg20[%add3A_21, %dma_start3A_244] : memref<10240x8xf32, #tpu.memory_space<vmem_shared>> -> memref<80x8xf32, #tpu.memory_space<vmem_shared>>
      tpu.enqueue_dma source(%arg18 : memref<80x8xf32, #tpu.memory_space<vmem>>) target(%dma_start3A_245 : memref<80x8xf32, #tpu.memory_space<vmem_shared>>) target_semaphore(%run_scoped3A : memref<!tpu.dma_semaphore, #tpu.memory_space<semaphore_mem>>)
      %dma_wait3A_246 = arith.constant 0 : i32
      %dma_wait3A_247 = tpu.memref_slice %arg20[%add3A_21, %dma_wait3A_246] : memref<10240x8xf32, #tpu.memory_space<vmem_shared>> -> memref<80x8xf32, #tpu.memory_space<vmem_shared>>
      %dma_wait3A_248 = arith.constant 0 : i32
      %dma_wait3A_249 = tpu.memref_slice %arg20[%add3A_21, %dma_wait3A_248] : memref<10240x8xf32, #tpu.memory_space<vmem_shared>> -> memref<80x8xf32, #tpu.memory_space<vmem_shared>>
      tpu.wait_dma2 semaphore(%run_scoped3A : memref<!tpu.dma_semaphore, #tpu.memory_space<semaphore_mem>>) src(%arg18 : memref<80x8xf32, #tpu.memory_space<vmem>>) dst(%dma_wait3A_249 : memref<80x8xf32, #tpu.memory_space<vmem_shared>>)
      tpu.yield
    }) : () -> ()
    %mul3A_22 = arith.constant 640 : i32
    %mul3A_23 = arith.muli %arg1, %mul3A_22 : i32
    %add3A_24 = arith.constant 80 : i32
    %add3A_25 = arith.addi %mul3A_23, %add3A_24 : i32
    "tpu.region"() ({
      %run_scoped3A = tpu.sem_alloc : memref<!tpu.dma_semaphore, #tpu.memory_space<semaphore_mem>>
      %dma_start3A_242 = arith.constant 0 : i32
      %dma_start3A_243 = tpu.memref_slice %arg19[%add3A_25, %dma_start3A_242] : memref<10240x64xf32, #tpu.memory_space<vmem_shared>> -> memref<80x64xf32, #tpu.memory_space<vmem_shared>>
      %dma_start3A_244 = arith.constant 0 : i32
      %dma_start3A_245 = tpu.memref_slice %arg19[%add3A_25, %dma_start3A_244] : memref<10240x64xf32, #tpu.memory_space<vmem_shared>> -> memref<80x64xf32, #tpu.memory_space<vmem_shared>>
      tpu.enqueue_dma source(%arg9 : memref<80x64xf32, #tpu.memory_space<vmem>>) target(%dma_start3A_245 : memref<80x64xf32, #tpu.memory_space<vmem_shared>>) target_semaphore(%run_scoped3A : memref<!tpu.dma_semaphore, #tpu.memory_space<semaphore_mem>>)
      %dma_wait3A_246 = arith.constant 0 : i32
      %dma_wait3A_247 = tpu.memref_slice %arg19[%add3A_25, %dma_wait3A_246] : memref<10240x64xf32, #tpu.memory_space<vmem_shared>> -> memref<80x64xf32, #tpu.memory_space<vmem_shared>>
      %dma_wait3A_248 = arith.constant 0 : i32
      %dma_wait3A_249 = tpu.memref_slice %arg19[%add3A_25, %dma_wait3A_248] : memref<10240x64xf32, #tpu.memory_space<vmem_shared>> -> memref<80x64xf32, #tpu.memory_space<vmem_shared>>
      tpu.wait_dma2 semaphore(%run_scoped3A : memref<!tpu.dma_semaphore, #tpu.memory_space<semaphore_mem>>) src(%arg9 : memref<80x64xf32, #tpu.memory_space<vmem>>) dst(%dma_wait3A_249 : memref<80x64xf32, #tpu.memory_space<vmem_shared>>)
      tpu.yield
    }) : () -> ()
    %mul3A_26 = arith.constant 640 : i32
    %mul3A_27 = arith.muli %arg1, %mul3A_26 : i32
    %add3A_28 = arith.constant 80 : i32
    %add3A_29 = arith.addi %mul3A_27, %add3A_28 : i32
    "tpu.region"() ({
      %run_scoped3A = tpu.sem_alloc : memref<!tpu.dma_semaphore, #tpu.memory_space<semaphore_mem>>
      %dma_start3A_242 = arith.constant 0 : i32
      %dma_start3A_243 = tpu.memref_slice %arg20[%add3A_29, %dma_start3A_242] : memref<10240x8xf32, #tpu.memory_space<vmem_shared>> -> memref<80x8xf32, #tpu.memory_space<vmem_shared>>
      %dma_start3A_244 = arith.constant 0 : i32
      %dma_start3A_245 = tpu.memref_slice %arg20[%add3A_29, %dma_start3A_244] : memref<10240x8xf32, #tpu.memory_space<vmem_shared>> -> memref<80x8xf32, #tpu.memory_space<vmem_shared>>
      tpu.enqueue_dma source(%arg18 : memref<80x8xf32, #tpu.memory_space<vmem>>) target(%dma_start3A_245 : memref<80x8xf32, #tpu.memory_space<vmem_shared>>) target_semaphore(%run_scoped3A : memref<!tpu.dma_semaphore, #tpu.memory_space<semaphore_mem>>)
      %dma_wait3A_246 = arith.constant 0 : i32
      %dma_wait3A_247 = tpu.memref_slice %arg20[%add3A_29, %dma_wait3A_246] : memref<10240x8xf32, #tpu.memory_space<vmem_shared>> -> memref<80x8xf32, #tpu.memory_space<vmem_shared>>
      %dma_wait3A_248 = arith.constant 0 : i32
      %dma_wait3A_249 = tpu.memref_slice %arg20[%add3A_29, %dma_wait3A_248] : memref<10240x8xf32, #tpu.memory_space<vmem_shared>> -> memref<80x8xf32, #tpu.memory_space<vmem_shared>>
      tpu.wait_dma2 semaphore(%run_scoped3A : memref<!tpu.dma_semaphore, #tpu.memory_space<semaphore_mem>>) src(%arg18 : memref<80x8xf32, #tpu.memory_space<vmem>>) dst(%dma_wait3A_249 : memref<80x8xf32, #tpu.memory_space<vmem_shared>>)
      tpu.yield
    }) : () -> ()
    %mul3A_30 = arith.constant 640 : i32
    %mul3A_31 = arith.muli %arg1, %mul3A_30 : i32
    %add3A_32 = arith.constant 160 : i32
    %add3A_33 = arith.addi %mul3A_31, %add3A_32 : i32
    "tpu.region"() ({
      %run_scoped3A = tpu.sem_alloc : memref<!tpu.dma_semaphore, #tpu.memory_space<semaphore_mem>>
      %dma_start3A_242 = arith.constant 0 : i32
      %dma_start3A_243 = tpu.memref_slice %arg19[%add3A_33, %dma_start3A_242] : memref<10240x64xf32, #tpu.memory_space<vmem_shared>> -> memref<80x64xf32, #tpu.memory_space<vmem_shared>>
      %dma_start3A_244 = arith.constant 0 : i32
      %dma_start3A_245 = tpu.memref_slice %arg19[%add3A_33, %dma_start3A_244] : memref<10240x64xf32, #tpu.memory_space<vmem_shared>> -> memref<80x64xf32, #tpu.memory_space<vmem_shared>>
      tpu.enqueue_dma source(%arg9 : memref<80x64xf32, #tpu.memory_space<vmem>>) target(%dma_start3A_245 : memref<80x64xf32, #tpu.memory_space<vmem_shared>>) target_semaphore(%run_scoped3A : memref<!tpu.dma_semaphore, #tpu.memory_space<semaphore_mem>>)
      %dma_wait3A_246 = arith.constant 0 : i32
      %dma_wait3A_247 = tpu.memref_slice %arg19[%add3A_33, %dma_wait3A_246] : memref<10240x64xf32, #tpu.memory_space<vmem_shared>> -> memref<80x64xf32, #tpu.memory_space<vmem_shared>>
      %dma_wait3A_248 = arith.constant 0 : i32
      %dma_wait3A_249 = tpu.memref_slice %arg19[%add3A_33, %dma_wait3A_248] : memref<10240x64xf32, #tpu.memory_space<vmem_shared>> -> memref<80x64xf32, #tpu.memory_space<vmem_shared>>
      tpu.wait_dma2 semaphore(%run_scoped3A : memref<!tpu.dma_semaphore, #tpu.memory_space<semaphore_mem>>) src(%arg9 : memref<80x64xf32, #tpu.memory_space<vmem>>) dst(%dma_wait3A_249 : memref<80x64xf32, #tpu.memory_space<vmem_shared>>)
      tpu.yield
    }) : () -> ()
    %mul3A_34 = arith.constant 640 : i32
    %mul3A_35 = arith.muli %arg1, %mul3A_34 : i32
    %add3A_36 = arith.constant 160 : i32
    %add3A_37 = arith.addi %mul3A_35, %add3A_36 : i32
    "tpu.region"() ({
      %run_scoped3A = tpu.sem_alloc : memref<!tpu.dma_semaphore, #tpu.memory_space<semaphore_mem>>
      %dma_start3A_242 = arith.constant 0 : i32
      %dma_start3A_243 = tpu.memref_slice %arg20[%add3A_37, %dma_start3A_242] : memref<10240x8xf32, #tpu.memory_space<vmem_shared>> -> memref<80x8xf32, #tpu.memory_space<vmem_shared>>
      %dma_start3A_244 = arith.constant 0 : i32
      %dma_start3A_245 = tpu.memref_slice %arg20[%add3A_37, %dma_start3A_244] : memref<10240x8xf32, #tpu.memory_space<vmem_shared>> -> memref<80x8xf32, #tpu.memory_space<vmem_shared>>
      tpu.enqueue_dma source(%arg18 : memref<80x8xf32, #tpu.memory_space<vmem>>) target(%dma_start3A_245 : memref<80x8xf32, #tpu.memory_space<vmem_shared>>) target_semaphore(%run_scoped3A : memref<!tpu.dma_semaphore, #tpu.memory_space<semaphore_mem>>)
      %dma_wait3A_246 = arith.constant 0 : i32
      %dma_wait3A_247 = tpu.memref_slice %arg20[%add3A_37, %dma_wait3A_246] : memref<10240x8xf32, #tpu.memory_space<vmem_shared>> -> memref<80x8xf32, #tpu.memory_space<vmem_shared>>
      %dma_wait3A_248 = arith.constant 0 : i32
      %dma_wait3A_249 = tpu.memref_slice %arg20[%add3A_37, %dma_wait3A_248] : memref<10240x8xf32, #tpu.memory_space<vmem_shared>> -> memref<80x8xf32, #tpu.memory_space<vmem_shared>>
      tpu.wait_dma2 semaphore(%run_scoped3A : memref<!tpu.dma_semaphore, #tpu.memory_space<semaphore_mem>>) src(%arg18 : memref<80x8xf32, #tpu.memory_space<vmem>>) dst(%dma_wait3A_249 : memref<80x8xf32, #tpu.memory_space<vmem_shared>>)
      tpu.yield
    }) : () -> ()
    %mul3A_38 = arith.constant 640 : i32
    %mul3A_39 = arith.muli %arg1, %mul3A_38 : i32
    %add3A_40 = arith.constant 240 : i32
    %add3A_41 = arith.addi %mul3A_39, %add3A_40 : i32
    "tpu.region"() ({
      %run_scoped3A = tpu.sem_alloc : memref<!tpu.dma_semaphore, #tpu.memory_space<semaphore_mem>>
      %dma_start3A_242 = arith.constant 0 : i32
      %dma_start3A_243 = tpu.memref_slice %arg19[%add3A_41, %dma_start3A_242] : memref<10240x64xf32, #tpu.memory_space<vmem_shared>> -> memref<80x64xf32, #tpu.memory_space<vmem_shared>>
      %dma_start3A_244 = arith.constant 0 : i32
      %dma_start3A_245 = tpu.memref_slice %arg19[%add3A_41, %dma_start3A_244] : memref<10240x64xf32, #tpu.memory_space<vmem_shared>> -> memref<80x64xf32, #tpu.memory_space<vmem_shared>>
      tpu.enqueue_dma source(%arg9 : memref<80x64xf32, #tpu.memory_space<vmem>>) target(%dma_start3A_245 : memref<80x64xf32, #tpu.memory_space<vmem_shared>>) target_semaphore(%run_scoped3A : memref<!tpu.dma_semaphore, #tpu.memory_space<semaphore_mem>>)
      %dma_wait3A_246 = arith.constant 0 : i32
      %dma_wait3A_247 = tpu.memref_slice %arg19[%add3A_41, %dma_wait3A_246] : memref<10240x64xf32, #tpu.memory_space<vmem_shared>> -> memref<80x64xf32, #tpu.memory_space<vmem_shared>>
      %dma_wait3A_248 = arith.constant 0 : i32
      %dma_wait3A_249 = tpu.memref_slice %arg19[%add3A_41, %dma_wait3A_248] : memref<10240x64xf32, #tpu.memory_space<vmem_shared>> -> memref<80x64xf32, #tpu.memory_space<vmem_shared>>
      tpu.wait_dma2 semaphore(%run_scoped3A : memref<!tpu.dma_semaphore, #tpu.memory_space<semaphore_mem>>) src(%arg9 : memref<80x64xf32, #tpu.memory_space<vmem>>) dst(%dma_wait3A_249 : memref<80x64xf32, #tpu.memory_space<vmem_shared>>)
      tpu.yield
    }) : () -> ()
    %mul3A_42 = arith.constant 640 : i32
    %mul3A_43 = arith.muli %arg1, %mul3A_42 : i32
    %add3A_44 = arith.constant 240 : i32
    %add3A_45 = arith.addi %mul3A_43, %add3A_44 : i32
    "tpu.region"() ({
      %run_scoped3A = tpu.sem_alloc : memref<!tpu.dma_semaphore, #tpu.memory_space<semaphore_mem>>
      %dma_start3A_242 = arith.constant 0 : i32
      %dma_start3A_243 = tpu.memref_slice %arg20[%add3A_45, %dma_start3A_242] : memref<10240x8xf32, #tpu.memory_space<vmem_shared>> -> memref<80x8xf32, #tpu.memory_space<vmem_shared>>
      %dma_start3A_244 = arith.constant 0 : i32
      %dma_start3A_245 = tpu.memref_slice %arg20[%add3A_45, %dma_start3A_244] : memref<10240x8xf32, #tpu.memory_space<vmem_shared>> -> memref<80x8xf32, #tpu.memory_space<vmem_shared>>
      tpu.enqueue_dma source(%arg18 : memref<80x8xf32, #tpu.memory_space<vmem>>) target(%dma_start3A_245 : memref<80x8xf32, #tpu.memory_space<vmem_shared>>) target_semaphore(%run_scoped3A : memref<!tpu.dma_semaphore, #tpu.memory_space<semaphore_mem>>)
      %dma_wait3A_246 = arith.constant 0 : i32
      %dma_wait3A_247 = tpu.memref_slice %arg20[%add3A_45, %dma_wait3A_246] : memref<10240x8xf32, #tpu.memory_space<vmem_shared>> -> memref<80x8xf32, #tpu.memory_space<vmem_shared>>
      %dma_wait3A_248 = arith.constant 0 : i32
      %dma_wait3A_249 = tpu.memref_slice %arg20[%add3A_45, %dma_wait3A_248] : memref<10240x8xf32, #tpu.memory_space<vmem_shared>> -> memref<80x8xf32, #tpu.memory_space<vmem_shared>>
      tpu.wait_dma2 semaphore(%run_scoped3A : memref<!tpu.dma_semaphore, #tpu.memory_space<semaphore_mem>>) src(%arg18 : memref<80x8xf32, #tpu.memory_space<vmem>>) dst(%dma_wait3A_249 : memref<80x8xf32, #tpu.memory_space<vmem_shared>>)
      tpu.yield
    }) : () -> ()
    %mul3A_46 = arith.constant 640 : i32
    %mul3A_47 = arith.muli %arg1, %mul3A_46 : i32
    %add3A_48 = arith.constant 320 : i32
    %add3A_49 = arith.addi %mul3A_47, %add3A_48 : i32
    "tpu.region"() ({
      %run_scoped3A = tpu.sem_alloc : memref<!tpu.dma_semaphore, #tpu.memory_space<semaphore_mem>>
      %dma_start3A_242 = arith.constant 0 : i32
      %dma_start3A_243 = tpu.memref_slice %arg19[%add3A_49, %dma_start3A_242] : memref<10240x64xf32, #tpu.memory_space<vmem_shared>> -> memref<80x64xf32, #tpu.memory_space<vmem_shared>>
      %dma_start3A_244 = arith.constant 0 : i32
      %dma_start3A_245 = tpu.memref_slice %arg19[%add3A_49, %dma_start3A_244] : memref<10240x64xf32, #tpu.memory_space<vmem_shared>> -> memref<80x64xf32, #tpu.memory_space<vmem_shared>>
      tpu.enqueue_dma source(%arg9 : memref<80x64xf32, #tpu.memory_space<vmem>>) target(%dma_start3A_245 : memref<80x64xf32, #tpu.memory_space<vmem_shared>>) target_semaphore(%run_scoped3A : memref<!tpu.dma_semaphore, #tpu.memory_space<semaphore_mem>>)
      %dma_wait3A_246 = arith.constant 0 : i32
      %dma_wait3A_247 = tpu.memref_slice %arg19[%add3A_49, %dma_wait3A_246] : memref<10240x64xf32, #tpu.memory_space<vmem_shared>> -> memref<80x64xf32, #tpu.memory_space<vmem_shared>>
      %dma_wait3A_248 = arith.constant 0 : i32
      %dma_wait3A_249 = tpu.memref_slice %arg19[%add3A_49, %dma_wait3A_248] : memref<10240x64xf32, #tpu.memory_space<vmem_shared>> -> memref<80x64xf32, #tpu.memory_space<vmem_shared>>
      tpu.wait_dma2 semaphore(%run_scoped3A : memref<!tpu.dma_semaphore, #tpu.memory_space<semaphore_mem>>) src(%arg9 : memref<80x64xf32, #tpu.memory_space<vmem>>) dst(%dma_wait3A_249 : memref<80x64xf32, #tpu.memory_space<vmem_shared>>)
      tpu.yield
    }) : () -> ()
    %mul3A_50 = arith.constant 640 : i32
    %mul3A_51 = arith.muli %arg1, %mul3A_50 : i32
    %add3A_52 = arith.constant 320 : i32
    %add3A_53 = arith.addi %mul3A_51, %add3A_52 : i32
    "tpu.region"() ({
      %run_scoped3A = tpu.sem_alloc : memref<!tpu.dma_semaphore, #tpu.memory_space<semaphore_mem>>
      %dma_start3A_242 = arith.constant 0 : i32
      %dma_start3A_243 = tpu.memref_slice %arg20[%add3A_53, %dma_start3A_242] : memref<10240x8xf32, #tpu.memory_space<vmem_shared>> -> memref<80x8xf32, #tpu.memory_space<vmem_shared>>
      %dma_start3A_244 = arith.constant 0 : i32
      %dma_start3A_245 = tpu.memref_slice %arg20[%add3A_53, %dma_start3A_244] : memref<10240x8xf32, #tpu.memory_space<vmem_shared>> -> memref<80x8xf32, #tpu.memory_space<vmem_shared>>
      tpu.enqueue_dma source(%arg18 : memref<80x8xf32, #tpu.memory_space<vmem>>) target(%dma_start3A_245 : memref<80x8xf32, #tpu.memory_space<vmem_shared>>) target_semaphore(%run_scoped3A : memref<!tpu.dma_semaphore, #tpu.memory_space<semaphore_mem>>)
      %dma_wait3A_246 = arith.constant 0 : i32
      %dma_wait3A_247 = tpu.memref_slice %arg20[%add3A_53, %dma_wait3A_246] : memref<10240x8xf32, #tpu.memory_space<vmem_shared>> -> memref<80x8xf32, #tpu.memory_space<vmem_shared>>
      %dma_wait3A_248 = arith.constant 0 : i32
      %dma_wait3A_249 = tpu.memref_slice %arg20[%add3A_53, %dma_wait3A_248] : memref<10240x8xf32, #tpu.memory_space<vmem_shared>> -> memref<80x8xf32, #tpu.memory_space<vmem_shared>>
      tpu.wait_dma2 semaphore(%run_scoped3A : memref<!tpu.dma_semaphore, #tpu.memory_space<semaphore_mem>>) src(%arg18 : memref<80x8xf32, #tpu.memory_space<vmem>>) dst(%dma_wait3A_249 : memref<80x8xf32, #tpu.memory_space<vmem_shared>>)
      tpu.yield
    }) : () -> ()
    %mul3A_54 = arith.constant 640 : i32
    %mul3A_55 = arith.muli %arg1, %mul3A_54 : i32
    %add3A_56 = arith.constant 400 : i32
    %add3A_57 = arith.addi %mul3A_55, %add3A_56 : i32
    "tpu.region"() ({
      %run_scoped3A = tpu.sem_alloc : memref<!tpu.dma_semaphore, #tpu.memory_space<semaphore_mem>>
      %dma_start3A_242 = arith.constant 0 : i32
      %dma_start3A_243 = tpu.memref_slice %arg19[%add3A_57, %dma_start3A_242] : memref<10240x64xf32, #tpu.memory_space<vmem_shared>> -> memref<80x64xf32, #tpu.memory_space<vmem_shared>>
      %dma_start3A_244 = arith.constant 0 : i32
      %dma_start3A_245 = tpu.memref_slice %arg19[%add3A_57, %dma_start3A_244] : memref<10240x64xf32, #tpu.memory_space<vmem_shared>> -> memref<80x64xf32, #tpu.memory_space<vmem_shared>>
      tpu.enqueue_dma source(%arg9 : memref<80x64xf32, #tpu.memory_space<vmem>>) target(%dma_start3A_245 : memref<80x64xf32, #tpu.memory_space<vmem_shared>>) target_semaphore(%run_scoped3A : memref<!tpu.dma_semaphore, #tpu.memory_space<semaphore_mem>>)
      %dma_wait3A_246 = arith.constant 0 : i32
      %dma_wait3A_247 = tpu.memref_slice %arg19[%add3A_57, %dma_wait3A_246] : memref<10240x64xf32, #tpu.memory_space<vmem_shared>> -> memref<80x64xf32, #tpu.memory_space<vmem_shared>>
      %dma_wait3A_248 = arith.constant 0 : i32
      %dma_wait3A_249 = tpu.memref_slice %arg19[%add3A_57, %dma_wait3A_248] : memref<10240x64xf32, #tpu.memory_space<vmem_shared>> -> memref<80x64xf32, #tpu.memory_space<vmem_shared>>
      tpu.wait_dma2 semaphore(%run_scoped3A : memref<!tpu.dma_semaphore, #tpu.memory_space<semaphore_mem>>) src(%arg9 : memref<80x64xf32, #tpu.memory_space<vmem>>) dst(%dma_wait3A_249 : memref<80x64xf32, #tpu.memory_space<vmem_shared>>)
      tpu.yield
    }) : () -> ()
    %mul3A_58 = arith.constant 640 : i32
    %mul3A_59 = arith.muli %arg1, %mul3A_58 : i32
    %add3A_60 = arith.constant 400 : i32
    %add3A_61 = arith.addi %mul3A_59, %add3A_60 : i32
    "tpu.region"() ({
      %run_scoped3A = tpu.sem_alloc : memref<!tpu.dma_semaphore, #tpu.memory_space<semaphore_mem>>
      %dma_start3A_242 = arith.constant 0 : i32
      %dma_start3A_243 = tpu.memref_slice %arg20[%add3A_61, %dma_start3A_242] : memref<10240x8xf32, #tpu.memory_space<vmem_shared>> -> memref<80x8xf32, #tpu.memory_space<vmem_shared>>
      %dma_start3A_244 = arith.constant 0 : i32
      %dma_start3A_245 = tpu.memref_slice %arg20[%add3A_61, %dma_start3A_244] : memref<10240x8xf32, #tpu.memory_space<vmem_shared>> -> memref<80x8xf32, #tpu.memory_space<vmem_shared>>
      tpu.enqueue_dma source(%arg18 : memref<80x8xf32, #tpu.memory_space<vmem>>) target(%dma_start3A_245 : memref<80x8xf32, #tpu.memory_space<vmem_shared>>) target_semaphore(%run_scoped3A : memref<!tpu.dma_semaphore, #tpu.memory_space<semaphore_mem>>)
      %dma_wait3A_246 = arith.constant 0 : i32
      %dma_wait3A_247 = tpu.memref_slice %arg20[%add3A_61, %dma_wait3A_246] : memref<10240x8xf32, #tpu.memory_space<vmem_shared>> -> memref<80x8xf32, #tpu.memory_space<vmem_shared>>
      %dma_wait3A_248 = arith.constant 0 : i32
      %dma_wait3A_249 = tpu.memref_slice %arg20[%add3A_61, %dma_wait3A_248] : memref<10240x8xf32, #tpu.memory_space<vmem_shared>> -> memref<80x8xf32, #tpu.memory_space<vmem_shared>>
      tpu.wait_dma2 semaphore(%run_scoped3A : memref<!tpu.dma_semaphore, #tpu.memory_space<semaphore_mem>>) src(%arg18 : memref<80x8xf32, #tpu.memory_space<vmem>>) dst(%dma_wait3A_249 : memref<80x8xf32, #tpu.memory_space<vmem_shared>>)
      tpu.yield
    }) : () -> ()
    %mul3A_62 = arith.constant 640 : i32
    %mul3A_63 = arith.muli %arg1, %mul3A_62 : i32
    %add3A_64 = arith.constant 480 : i32
    %add3A_65 = arith.addi %mul3A_63, %add3A_64 : i32
    "tpu.region"() ({
      %run_scoped3A = tpu.sem_alloc : memref<!tpu.dma_semaphore, #tpu.memory_space<semaphore_mem>>
      %dma_start3A_242 = arith.constant 0 : i32
      %dma_start3A_243 = tpu.memref_slice %arg19[%add3A_65, %dma_start3A_242] : memref<10240x64xf32, #tpu.memory_space<vmem_shared>> -> memref<80x64xf32, #tpu.memory_space<vmem_shared>>
      %dma_start3A_244 = arith.constant 0 : i32
      %dma_start3A_245 = tpu.memref_slice %arg19[%add3A_65, %dma_start3A_244] : memref<10240x64xf32, #tpu.memory_space<vmem_shared>> -> memref<80x64xf32, #tpu.memory_space<vmem_shared>>
      tpu.enqueue_dma source(%arg9 : memref<80x64xf32, #tpu.memory_space<vmem>>) target(%dma_start3A_245 : memref<80x64xf32, #tpu.memory_space<vmem_shared>>) target_semaphore(%run_scoped3A : memref<!tpu.dma_semaphore, #tpu.memory_space<semaphore_mem>>)
      %dma_wait3A_246 = arith.constant 0 : i32
      %dma_wait3A_247 = tpu.memref_slice %arg19[%add3A_65, %dma_wait3A_246] : memref<10240x64xf32, #tpu.memory_space<vmem_shared>> -> memref<80x64xf32, #tpu.memory_space<vmem_shared>>
      %dma_wait3A_248 = arith.constant 0 : i32
      %dma_wait3A_249 = tpu.memref_slice %arg19[%add3A_65, %dma_wait3A_248] : memref<10240x64xf32, #tpu.memory_space<vmem_shared>> -> memref<80x64xf32, #tpu.memory_space<vmem_shared>>
      tpu.wait_dma2 semaphore(%run_scoped3A : memref<!tpu.dma_semaphore, #tpu.memory_space<semaphore_mem>>) src(%arg9 : memref<80x64xf32, #tpu.memory_space<vmem>>) dst(%dma_wait3A_249 : memref<80x64xf32, #tpu.memory_space<vmem_shared>>)
      tpu.yield
    }) : () -> ()
    %mul3A_66 = arith.constant 640 : i32
    %mul3A_67 = arith.muli %arg1, %mul3A_66 : i32
    %add3A_68 = arith.constant 480 : i32
    %add3A_69 = arith.addi %mul3A_67, %add3A_68 : i32
    "tpu.region"() ({
      %run_scoped3A = tpu.sem_alloc : memref<!tpu.dma_semaphore, #tpu.memory_space<semaphore_mem>>
      %dma_start3A_242 = arith.constant 0 : i32
      %dma_start3A_243 = tpu.memref_slice %arg20[%add3A_69, %dma_start3A_242] : memref<10240x8xf32, #tpu.memory_space<vmem_shared>> -> memref<80x8xf32, #tpu.memory_space<vmem_shared>>
      %dma_start3A_244 = arith.constant 0 : i32
      %dma_start3A_245 = tpu.memref_slice %arg20[%add3A_69, %dma_start3A_244] : memref<10240x8xf32, #tpu.memory_space<vmem_shared>> -> memref<80x8xf32, #tpu.memory_space<vmem_shared>>
      tpu.enqueue_dma source(%arg18 : memref<80x8xf32, #tpu.memory_space<vmem>>) target(%dma_start3A_245 : memref<80x8xf32, #tpu.memory_space<vmem_shared>>) target_semaphore(%run_scoped3A : memref<!tpu.dma_semaphore, #tpu.memory_space<semaphore_mem>>)
      %dma_wait3A_246 = arith.constant 0 : i32
      %dma_wait3A_247 = tpu.memref_slice %arg20[%add3A_69, %dma_wait3A_246] : memref<10240x8xf32, #tpu.memory_space<vmem_shared>> -> memref<80x8xf32, #tpu.memory_space<vmem_shared>>
      %dma_wait3A_248 = arith.constant 0 : i32
      %dma_wait3A_249 = tpu.memref_slice %arg20[%add3A_69, %dma_wait3A_248] : memref<10240x8xf32, #tpu.memory_space<vmem_shared>> -> memref<80x8xf32, #tpu.memory_space<vmem_shared>>
      tpu.wait_dma2 semaphore(%run_scoped3A : memref<!tpu.dma_semaphore, #tpu.memory_space<semaphore_mem>>) src(%arg18 : memref<80x8xf32, #tpu.memory_space<vmem>>) dst(%dma_wait3A_249 : memref<80x8xf32, #tpu.memory_space<vmem_shared>>)
      tpu.yield
    }) : () -> ()
    %mul3A_70 = arith.constant 640 : i32
    %mul3A_71 = arith.muli %arg1, %mul3A_70 : i32
    %add3A_72 = arith.constant 560 : i32
    %add3A_73 = arith.addi %mul3A_71, %add3A_72 : i32
    "tpu.region"() ({
      %run_scoped3A = tpu.sem_alloc : memref<!tpu.dma_semaphore, #tpu.memory_space<semaphore_mem>>
      %dma_start3A_242 = arith.constant 0 : i32
      %dma_start3A_243 = tpu.memref_slice %arg19[%add3A_73, %dma_start3A_242] : memref<10240x64xf32, #tpu.memory_space<vmem_shared>> -> memref<80x64xf32, #tpu.memory_space<vmem_shared>>
      %dma_start3A_244 = arith.constant 0 : i32
      %dma_start3A_245 = tpu.memref_slice %arg19[%add3A_73, %dma_start3A_244] : memref<10240x64xf32, #tpu.memory_space<vmem_shared>> -> memref<80x64xf32, #tpu.memory_space<vmem_shared>>
      tpu.enqueue_dma source(%arg9 : memref<80x64xf32, #tpu.memory_space<vmem>>) target(%dma_start3A_245 : memref<80x64xf32, #tpu.memory_space<vmem_shared>>) target_semaphore(%run_scoped3A : memref<!tpu.dma_semaphore, #tpu.memory_space<semaphore_mem>>)
      %dma_wait3A_246 = arith.constant 0 : i32
      %dma_wait3A_247 = tpu.memref_slice %arg19[%add3A_73, %dma_wait3A_246] : memref<10240x64xf32, #tpu.memory_space<vmem_shared>> -> memref<80x64xf32, #tpu.memory_space<vmem_shared>>
      %dma_wait3A_248 = arith.constant 0 : i32
      %dma_wait3A_249 = tpu.memref_slice %arg19[%add3A_73, %dma_wait3A_248] : memref<10240x64xf32, #tpu.memory_space<vmem_shared>> -> memref<80x64xf32, #tpu.memory_space<vmem_shared>>
      tpu.wait_dma2 semaphore(%run_scoped3A : memref<!tpu.dma_semaphore, #tpu.memory_space<semaphore_mem>>) src(%arg9 : memref<80x64xf32, #tpu.memory_space<vmem>>) dst(%dma_wait3A_249 : memref<80x64xf32, #tpu.memory_space<vmem_shared>>)
      tpu.yield
    }) : () -> ()
    %mul3A_74 = arith.constant 640 : i32
    %mul3A_75 = arith.muli %arg1, %mul3A_74 : i32
    %add3A_76 = arith.constant 560 : i32
    %add3A_77 = arith.addi %mul3A_75, %add3A_76 : i32
    "tpu.region"() ({
      %run_scoped3A = tpu.sem_alloc : memref<!tpu.dma_semaphore, #tpu.memory_space<semaphore_mem>>
      %dma_start3A_242 = arith.constant 0 : i32
      %dma_start3A_243 = tpu.memref_slice %arg20[%add3A_77, %dma_start3A_242] : memref<10240x8xf32, #tpu.memory_space<vmem_shared>> -> memref<80x8xf32, #tpu.memory_space<vmem_shared>>
      %dma_start3A_244 = arith.constant 0 : i32
      %dma_start3A_245 = tpu.memref_slice %arg20[%add3A_77, %dma_start3A_244] : memref<10240x8xf32, #tpu.memory_space<vmem_shared>> -> memref<80x8xf32, #tpu.memory_space<vmem_shared>>
      tpu.enqueue_dma source(%arg18 : memref<80x8xf32, #tpu.memory_space<vmem>>) target(%dma_start3A_245 : memref<80x8xf32, #tpu.memory_space<vmem_shared>>) target_semaphore(%run_scoped3A : memref<!tpu.dma_semaphore, #tpu.memory_space<semaphore_mem>>)
      %dma_wait3A_246 = arith.constant 0 : i32
      %dma_wait3A_247 = tpu.memref_slice %arg20[%add3A_77, %dma_wait3A_246] : memref<10240x8xf32, #tpu.memory_space<vmem_shared>> -> memref<80x8xf32, #tpu.memory_space<vmem_shared>>
      %dma_wait3A_248 = arith.constant 0 : i32
      %dma_wait3A_249 = tpu.memref_slice %arg20[%add3A_77, %dma_wait3A_248] : memref<10240x8xf32, #tpu.memory_space<vmem_shared>> -> memref<80x8xf32, #tpu.memory_space<vmem_shared>>
      tpu.wait_dma2 semaphore(%run_scoped3A : memref<!tpu.dma_semaphore, #tpu.memory_space<semaphore_mem>>) src(%arg18 : memref<80x8xf32, #tpu.memory_space<vmem>>) dst(%dma_wait3A_249 : memref<80x8xf32, #tpu.memory_space<vmem_shared>>)
      tpu.yield
    }) : () -> ()
    %barrier3A = arith.constant 0 : index
    tpu.barrier barrier_id(%barrier3A)
    %dma_start3A = arith.constant 0 : i32
    %dma_start3A_78 = arith.constant 0 : i32
    %dma_start3A_79 = tpu.memref_slice %arg7[%dma_start3A, %dma_start3A_78] : memref<250x80xi32, #tpu.memory_space<vmem>> -> memref<1x80xi32, #tpu.memory_space<vmem>>
    %dma_start3A_80 = tpu.memref_squeeze %dma_start3A_79 : memref<1x80xi32, #tpu.memory_space<vmem>> -> memref<80xi32, #tpu.memory_space<vmem>>
    %dma_start3A_81 = arith.constant 0 : i32
    %dma_start3A_82 = arith.constant 0 : i32
    %dma_start3A_83 = tpu.memref_slice %arg2[%arg0, %dma_start3A_81, %dma_start3A_82] : memref<2x10000x64xf32, #tpu.memory_space<hbm>> -> memref<1x10000x64xf32, #tpu.memory_space<hbm>>
    %dma_start3A_84 = tpu.memref_squeeze %dma_start3A_83 : memref<1x10000x64xf32, #tpu.memory_space<hbm>> -> memref<10000x64xf32, #tpu.memory_space<hbm>>
    %dma_start3A_85 = arith.constant 0 : i32
    %dma_start3A_86 = arith.constant 0 : i32
    %dma_start3A_87 = tpu.memref_slice %dma_start3A_84[%dma_start3A_85, %dma_start3A_86] : memref<10000x64xf32, #tpu.memory_space<hbm>> -> memref<10000x64xf32, #tpu.memory_space<hbm>>
    tpu.enqueue_indirect_dma source(%dma_start3A_87 : memref<10000x64xf32, #tpu.memory_space<hbm>>) target(%arg9 : memref<80x64xf32, #tpu.memory_space<vmem>>) offsets(%dma_start3A_80 : memref<80xi32, #tpu.memory_space<vmem>>) semaphore(%arg21 : memref<!tpu.dma_semaphore, #tpu.memory_space<semaphore_mem>>)
    %dma_start3A_88 = arith.constant 1 : i32
    %dma_start3A_89 = arith.constant 0 : i32
    %dma_start3A_90 = tpu.memref_slice %arg7[%dma_start3A_88, %dma_start3A_89] : memref<250x80xi32, #tpu.memory_space<vmem>> -> memref<1x80xi32, #tpu.memory_space<vmem>>
    %dma_start3A_91 = tpu.memref_squeeze %dma_start3A_90 : memref<1x80xi32, #tpu.memory_space<vmem>> -> memref<80xi32, #tpu.memory_space<vmem>>
    %dma_start3A_92 = arith.constant 0 : i32
    %dma_start3A_93 = arith.constant 0 : i32
    %dma_start3A_94 = tpu.memref_slice %arg2[%arg0, %dma_start3A_92, %dma_start3A_93] : memref<2x10000x64xf32, #tpu.memory_space<hbm>> -> memref<1x10000x64xf32, #tpu.memory_space<hbm>>
    %dma_start3A_95 = tpu.memref_squeeze %dma_start3A_94 : memref<1x10000x64xf32, #tpu.memory_space<hbm>> -> memref<10000x64xf32, #tpu.memory_space<hbm>>
    %dma_start3A_96 = arith.constant 0 : i32
    %dma_start3A_97 = arith.constant 0 : i32
    %dma_start3A_98 = tpu.memref_slice %dma_start3A_95[%dma_start3A_96, %dma_start3A_97] : memref<10000x64xf32, #tpu.memory_space<hbm>> -> memref<10000x64xf32, #tpu.memory_space<hbm>>
    tpu.enqueue_indirect_dma source(%dma_start3A_98 : memref<10000x64xf32, #tpu.memory_space<hbm>>) target(%arg10 : memref<80x64xf32, #tpu.memory_space<vmem>>) offsets(%dma_start3A_91 : memref<80xi32, #tpu.memory_space<vmem>>) semaphore(%arg22 : memref<!tpu.dma_semaphore, #tpu.memory_space<semaphore_mem>>)
    %dma_start3A_99 = arith.constant 2 : i32
    %dma_start3A_100 = arith.constant 0 : i32
    %dma_start3A_101 = tpu.memref_slice %arg7[%dma_start3A_99, %dma_start3A_100] : memref<250x80xi32, #tpu.memory_space<vmem>> -> memref<1x80xi32, #tpu.memory_space<vmem>>
    %dma_start3A_102 = tpu.memref_squeeze %dma_start3A_101 : memref<1x80xi32, #tpu.memory_space<vmem>> -> memref<80xi32, #tpu.memory_space<vmem>>
    %dma_start3A_103 = arith.constant 0 : i32
    %dma_start3A_104 = arith.constant 0 : i32
    %dma_start3A_105 = tpu.memref_slice %arg2[%arg0, %dma_start3A_103, %dma_start3A_104] : memref<2x10000x64xf32, #tpu.memory_space<hbm>> -> memref<1x10000x64xf32, #tpu.memory_space<hbm>>
    %dma_start3A_106 = tpu.memref_squeeze %dma_start3A_105 : memref<1x10000x64xf32, #tpu.memory_space<hbm>> -> memref<10000x64xf32, #tpu.memory_space<hbm>>
    %dma_start3A_107 = arith.constant 0 : i32
    %dma_start3A_108 = arith.constant 0 : i32
    %dma_start3A_109 = tpu.memref_slice %dma_start3A_106[%dma_start3A_107, %dma_start3A_108] : memref<10000x64xf32, #tpu.memory_space<hbm>> -> memref<10000x64xf32, #tpu.memory_space<hbm>>
    tpu.enqueue_indirect_dma source(%dma_start3A_109 : memref<10000x64xf32, #tpu.memory_space<hbm>>) target(%arg11 : memref<80x64xf32, #tpu.memory_space<vmem>>) offsets(%dma_start3A_102 : memref<80xi32, #tpu.memory_space<vmem>>) semaphore(%arg23 : memref<!tpu.dma_semaphore, #tpu.memory_space<semaphore_mem>>)
    %dma_start3A_110 = arith.constant 3 : i32
    %dma_start3A_111 = arith.constant 0 : i32
    %dma_start3A_112 = tpu.memref_slice %arg7[%dma_start3A_110, %dma_start3A_111] : memref<250x80xi32, #tpu.memory_space<vmem>> -> memref<1x80xi32, #tpu.memory_space<vmem>>
    %dma_start3A_113 = tpu.memref_squeeze %dma_start3A_112 : memref<1x80xi32, #tpu.memory_space<vmem>> -> memref<80xi32, #tpu.memory_space<vmem>>
    %dma_start3A_114 = arith.constant 0 : i32
    %dma_start3A_115 = arith.constant 0 : i32
    %dma_start3A_116 = tpu.memref_slice %arg2[%arg0, %dma_start3A_114, %dma_start3A_115] : memref<2x10000x64xf32, #tpu.memory_space<hbm>> -> memref<1x10000x64xf32, #tpu.memory_space<hbm>>
    %dma_start3A_117 = tpu.memref_squeeze %dma_start3A_116 : memref<1x10000x64xf32, #tpu.memory_space<hbm>> -> memref<10000x64xf32, #tpu.memory_space<hbm>>
    %dma_start3A_118 = arith.constant 0 : i32
    %dma_start3A_119 = arith.constant 0 : i32
    %dma_start3A_120 = tpu.memref_slice %dma_start3A_117[%dma_start3A_118, %dma_start3A_119] : memref<10000x64xf32, #tpu.memory_space<hbm>> -> memref<10000x64xf32, #tpu.memory_space<hbm>>
    tpu.enqueue_indirect_dma source(%dma_start3A_120 : memref<10000x64xf32, #tpu.memory_space<hbm>>) target(%arg12 : memref<80x64xf32, #tpu.memory_space<vmem>>) offsets(%dma_start3A_113 : memref<80xi32, #tpu.memory_space<vmem>>) semaphore(%arg24 : memref<!tpu.dma_semaphore, #tpu.memory_space<semaphore_mem>>)
    %scan3A_121 = arith.constant 0 : i32
    %scan3A_122 = arith.constant 0 : i32
    %scan3A_123 = arith.constant 31 : i32
    %scan3A_124 = arith.addi %scan3A_122, %scan3A_123 : i32
    %scan3A_125 = arith.constant 1 : i32
    %scan3A_126 = scf.for %scan3A_242 = %scan3A_122 to %scan3A_124 step %scan3A_125 iter_args(%scan3A_243 = %scan3A_121) -> (i32)  : i32 {
      %mul3A_244 = arith.constant 8 : i32
      %mul3A_245 = arith.muli %mul3A_244, %scan3A_242 : i32
      %add3A_246 = arith.constant 0 : i32
      %add3A_247 = arith.addi %mul3A_245, %add3A_246 : i32
      %add3A_248 = arith.constant 4 : i32
      %add3A_249 = arith.addi %add3A_247, %add3A_248 : i32
      %lt3A = arith.constant 250 : i32
      %lt3A_250 = arith.cmpi slt, %add3A_249, %lt3A : i32
      %convert_element_type3A_251 = arith.extui %lt3A_250 : i1 to i32
      %cond3A_252 = arith.constant 0 : i32
      %cond3A_253 = arith.cmpi ne, %convert_element_type3A_251, %cond3A_252 : i32
      scf.if %cond3A_253 {
        %ge3A = arith.constant 4 : i32
        %ge3A_500 = arith.cmpi sge, %add3A_247, %ge3A : i32
        %convert_element_type3A_501 = arith.extui %ge3A_500 : i1 to i32
        %cond3A_502 = arith.constant 0 : i32
        %cond3A_503 = arith.cmpi ne, %convert_element_type3A_501, %cond3A_502 : i32
        scf.if %cond3A_503 {
          %dma_wait3A_514 = arith.constant 0 : i32
          %dma_wait3A_515 = arith.constant 0 : i32
          %dma_wait3A_516 = tpu.memref_slice %arg8[%dma_wait3A_514, %dma_wait3A_515] : memref<250x80xi32, #tpu.memory_space<vmem>> -> memref<1x80xi32, #tpu.memory_space<vmem>>
          %dma_wait3A_517 = tpu.memref_squeeze %dma_wait3A_516 : memref<1x80xi32, #tpu.memory_space<vmem>> -> memref<80xi32, #tpu.memory_space<vmem>>
          %dma_wait3A_518 = arith.constant 0 : i32
          %dma_wait3A_519 = arith.constant 0 : i32
          %dma_wait3A_520 = tpu.memref_slice %arg19[%dma_wait3A_518, %dma_wait3A_519] : memref<10240x64xf32, #tpu.memory_space<vmem_shared>> -> memref<10240x64xf32, #tpu.memory_space<vmem_shared>>
          tpu.wait_indirect_dma semaphore(%arg33 : memref<!tpu.dma_semaphore, #tpu.memory_space<semaphore_mem>>) src(%arg13 : memref<80x64xf32, #tpu.memory_space<vmem>>) dst(%dma_wait3A_520 : memref<10240x64xf32, #tpu.memory_space<vmem_shared>>)
        } else {
        }
        %dma_start3A_504 = arith.constant 0 : i32
        %dma_start3A_505 = tpu.memref_slice %arg7[%add3A_249, %dma_start3A_504] : memref<250x80xi32, #tpu.memory_space<vmem>> -> memref<1x80xi32, #tpu.memory_space<vmem>>
        %dma_start3A_506 = tpu.memref_squeeze %dma_start3A_505 : memref<1x80xi32, #tpu.memory_space<vmem>> -> memref<80xi32, #tpu.memory_space<vmem>>
        %dma_start3A_507 = arith.constant 0 : i32
        %dma_start3A_508 = arith.constant 0 : i32
        %dma_start3A_509 = tpu.memref_slice %arg2[%arg0, %dma_start3A_507, %dma_start3A_508] : memref<2x10000x64xf32, #tpu.memory_space<hbm>> -> memref<1x10000x64xf32, #tpu.memory_space<hbm>>
        %dma_start3A_510 = tpu.memref_squeeze %dma_start3A_509 : memref<1x10000x64xf32, #tpu.memory_space<hbm>> -> memref<10000x64xf32, #tpu.memory_space<hbm>>
        %dma_start3A_511 = arith.constant 0 : i32
        %dma_start3A_512 = arith.constant 0 : i32
        %dma_start3A_513 = tpu.memref_slice %dma_start3A_510[%dma_start3A_511, %dma_start3A_512] : memref<10000x64xf32, #tpu.memory_space<hbm>> -> memref<10000x64xf32, #tpu.memory_space<hbm>>
        tpu.enqueue_indirect_dma source(%dma_start3A_513 : memref<10000x64xf32, #tpu.memory_space<hbm>>) target(%arg13 : memref<80x64xf32, #tpu.memory_space<vmem>>) offsets(%dma_start3A_506 : memref<80xi32, #tpu.memory_space<vmem>>) semaphore(%arg25 : memref<!tpu.dma_semaphore, #tpu.memory_space<semaphore_mem>>)
      } else {
      }
      %dma_wait3A_254 = arith.constant 0 : i32
      %dma_wait3A_255 = tpu.memref_slice %arg7[%add3A_247, %dma_wait3A_254] : memref<250x80xi32, #tpu.memory_space<vmem>> -> memref<1x80xi32, #tpu.memory_space<vmem>>
      %dma_wait3A_256 = tpu.memref_squeeze %dma_wait3A_255 : memref<1x80xi32, #tpu.memory_space<vmem>> -> memref<80xi32, #tpu.memory_space<vmem>>
      %dma_wait3A_257 = arith.constant 0 : i32
      %dma_wait3A_258 = arith.constant 0 : i32
      %dma_wait3A_259 = tpu.memref_slice %arg2[%arg0, %dma_wait3A_257, %dma_wait3A_258] : memref<2x10000x64xf32, #tpu.memory_space<hbm>> -> memref<1x10000x64xf32, #tpu.memory_space<hbm>>
      %dma_wait3A_260 = tpu.memref_squeeze %dma_wait3A_259 : memref<1x10000x64xf32, #tpu.memory_space<hbm>> -> memref<10000x64xf32, #tpu.memory_space<hbm>>
      %dma_wait3A_261 = arith.constant 0 : i32
      %dma_wait3A_262 = arith.constant 0 : i32
      %dma_wait3A_263 = tpu.memref_slice %dma_wait3A_260[%dma_wait3A_261, %dma_wait3A_262] : memref<10000x64xf32, #tpu.memory_space<hbm>> -> memref<10000x64xf32, #tpu.memory_space<hbm>>
      tpu.wait_indirect_dma semaphore(%arg21 : memref<!tpu.dma_semaphore, #tpu.memory_space<semaphore_mem>>) src(%dma_wait3A_263 : memref<10000x64xf32, #tpu.memory_space<hbm>>) dst(%arg9 : memref<80x64xf32, #tpu.memory_space<vmem>>)
      %dma_start3A_264 = arith.constant 0 : i32
      %dma_start3A_265 = tpu.memref_slice %arg8[%add3A_247, %dma_start3A_264] : memref<250x80xi32, #tpu.memory_space<vmem>> -> memref<1x80xi32, #tpu.memory_space<vmem>>
      %dma_start3A_266 = tpu.memref_squeeze %dma_start3A_265 : memref<1x80xi32, #tpu.memory_space<vmem>> -> memref<80xi32, #tpu.memory_space<vmem>>
      %dma_start3A_267 = arith.constant 0 : i32
      %dma_start3A_268 = arith.constant 0 : i32
      %dma_start3A_269 = tpu.memref_slice %arg19[%dma_start3A_267, %dma_start3A_268] : memref<10240x64xf32, #tpu.memory_space<vmem_shared>> -> memref<10240x64xf32, #tpu.memory_space<vmem_shared>>
      tpu.enqueue_indirect_dma source(%arg9 : memref<80x64xf32, #tpu.memory_space<vmem>>) target(%dma_start3A_269 : memref<10240x64xf32, #tpu.memory_space<vmem_shared>>) offsets(%dma_start3A_266 : memref<80xi32, #tpu.memory_space<vmem>>) semaphore(%arg29 : memref<!tpu.dma_semaphore, #tpu.memory_space<semaphore_mem>>) {add = true}
      %eq3A_270 = arith.constant 0 : i32
      %eq3A_271 = arith.cmpi eq, %arg0, %eq3A_270 : i32
      %convert_element_type3A_272 = arith.extui %eq3A_271 : i1 to i32
      %cond3A_273 = arith.constant 0 : i32
      %cond3A_274 = arith.cmpi ne, %convert_element_type3A_272, %cond3A_273 : i32
      scf.if %cond3A_274 {
        %ge3A = arith.constant 2 : i32
        %ge3A_500 = arith.cmpi sge, %add3A_247, %ge3A : i32
        %convert_element_type3A_501 = arith.extui %ge3A_500 : i1 to i32
        %cond3A_502 = arith.constant 0 : i32
        %cond3A_503 = arith.cmpi ne, %convert_element_type3A_501, %cond3A_502 : i32
        scf.if %cond3A_503 {
          %dma_wait3A_510 = arith.constant 0 : i32
          %dma_wait3A_511 = arith.constant 0 : i32
          %dma_wait3A_512 = tpu.memref_slice %arg8[%dma_wait3A_510, %dma_wait3A_511] : memref<250x80xi32, #tpu.memory_space<vmem>> -> memref<1x80xi32, #tpu.memory_space<vmem>>
          %dma_wait3A_513 = tpu.memref_squeeze %dma_wait3A_512 : memref<1x80xi32, #tpu.memory_space<vmem>> -> memref<80xi32, #tpu.memory_space<vmem>>
          %dma_wait3A_514 = arith.constant 0 : i32
          %dma_wait3A_515 = arith.constant 0 : i32
          %dma_wait3A_516 = tpu.memref_slice %arg20[%dma_wait3A_514, %dma_wait3A_515] : memref<10240x8xf32, #tpu.memory_space<vmem_shared>> -> memref<10240x8xf32, #tpu.memory_space<vmem_shared>>
          tpu.wait_indirect_dma semaphore(%arg37 : memref<!tpu.dma_semaphore, #tpu.memory_space<semaphore_mem>>) src(%arg17 : memref<80x8xf32, #tpu.memory_space<vmem>>) dst(%dma_wait3A_516 : memref<10240x8xf32, #tpu.memory_space<vmem_shared>>)
        } else {
        }
        %dma_start3A_504 = arith.constant 0 : i32
        %dma_start3A_505 = tpu.memref_slice %arg8[%add3A_247, %dma_start3A_504] : memref<250x80xi32, #tpu.memory_space<vmem>> -> memref<1x80xi32, #tpu.memory_space<vmem>>
        %dma_start3A_506 = tpu.memref_squeeze %dma_start3A_505 : memref<1x80xi32, #tpu.memory_space<vmem>> -> memref<80xi32, #tpu.memory_space<vmem>>
        %dma_start3A_507 = arith.constant 0 : i32
        %dma_start3A_508 = arith.constant 0 : i32
        %dma_start3A_509 = tpu.memref_slice %arg20[%dma_start3A_507, %dma_start3A_508] : memref<10240x8xf32, #tpu.memory_space<vmem_shared>> -> memref<10240x8xf32, #tpu.memory_space<vmem_shared>>
        tpu.enqueue_indirect_dma source(%arg17 : memref<80x8xf32, #tpu.memory_space<vmem>>) target(%dma_start3A_509 : memref<10240x8xf32, #tpu.memory_space<vmem_shared>>) offsets(%dma_start3A_506 : memref<80xi32, #tpu.memory_space<vmem>>) semaphore(%arg37 : memref<!tpu.dma_semaphore, #tpu.memory_space<semaphore_mem>>) {add = true}
      } else {
      }
      %mul3A_275 = arith.constant 8 : i32
      %mul3A_276 = arith.muli %mul3A_275, %scan3A_242 : i32
      %add3A_277 = arith.constant 1 : i32
      %add3A_278 = arith.addi %mul3A_276, %add3A_277 : i32
      %add3A_279 = arith.constant 4 : i32
      %add3A_280 = arith.addi %add3A_278, %add3A_279 : i32
      %lt3A_281 = arith.constant 250 : i32
      %lt3A_282 = arith.cmpi slt, %add3A_280, %lt3A_281 : i32
      %convert_element_type3A_283 = arith.extui %lt3A_282 : i1 to i32
      %cond3A_284 = arith.constant 0 : i32
      %cond3A_285 = arith.cmpi ne, %convert_element_type3A_283, %cond3A_284 : i32
      scf.if %cond3A_285 {
        %ge3A = arith.constant 4 : i32
        %ge3A_500 = arith.cmpi sge, %add3A_278, %ge3A : i32
        %convert_element_type3A_501 = arith.extui %ge3A_500 : i1 to i32
        %cond3A_502 = arith.constant 0 : i32
        %cond3A_503 = arith.cmpi ne, %convert_element_type3A_501, %cond3A_502 : i32
        scf.if %cond3A_503 {
          %dma_wait3A_514 = arith.constant 0 : i32
          %dma_wait3A_515 = arith.constant 0 : i32
          %dma_wait3A_516 = tpu.memref_slice %arg8[%dma_wait3A_514, %dma_wait3A_515] : memref<250x80xi32, #tpu.memory_space<vmem>> -> memref<1x80xi32, #tpu.memory_space<vmem>>
          %dma_wait3A_517 = tpu.memref_squeeze %dma_wait3A_516 : memref<1x80xi32, #tpu.memory_space<vmem>> -> memref<80xi32, #tpu.memory_space<vmem>>
          %dma_wait3A_518 = arith.constant 0 : i32
          %dma_wait3A_519 = arith.constant 0 : i32
          %dma_wait3A_520 = tpu.memref_slice %arg19[%dma_wait3A_518, %dma_wait3A_519] : memref<10240x64xf32, #tpu.memory_space<vmem_shared>> -> memref<10240x64xf32, #tpu.memory_space<vmem_shared>>
          tpu.wait_indirect_dma semaphore(%arg34 : memref<!tpu.dma_semaphore, #tpu.memory_space<semaphore_mem>>) src(%arg14 : memref<80x64xf32, #tpu.memory_space<vmem>>) dst(%dma_wait3A_520 : memref<10240x64xf32, #tpu.memory_space<vmem_shared>>)
        } else {
        }
        %dma_start3A_504 = arith.constant 0 : i32
        %dma_start3A_505 = tpu.memref_slice %arg7[%add3A_280, %dma_start3A_504] : memref<250x80xi32, #tpu.memory_space<vmem>> -> memref<1x80xi32, #tpu.memory_space<vmem>>
        %dma_start3A_506 = tpu.memref_squeeze %dma_start3A_505 : memref<1x80xi32, #tpu.memory_space<vmem>> -> memref<80xi32, #tpu.memory_space<vmem>>
        %dma_start3A_507 = arith.constant 0 : i32
        %dma_start3A_508 = arith.constant 0 : i32
        %dma_start3A_509 = tpu.memref_slice %arg2[%arg0, %dma_start3A_507, %dma_start3A_508] : memref<2x10000x64xf32, #tpu.memory_space<hbm>> -> memref<1x10000x64xf32, #tpu.memory_space<hbm>>
        %dma_start3A_510 = tpu.memref_squeeze %dma_start3A_509 : memref<1x10000x64xf32, #tpu.memory_space<hbm>> -> memref<10000x64xf32, #tpu.memory_space<hbm>>
        %dma_start3A_511 = arith.constant 0 : i32
        %dma_start3A_512 = arith.constant 0 : i32
        %dma_start3A_513 = tpu.memref_slice %dma_start3A_510[%dma_start3A_511, %dma_start3A_512] : memref<10000x64xf32, #tpu.memory_space<hbm>> -> memref<10000x64xf32, #tpu.memory_space<hbm>>
        tpu.enqueue_indirect_dma source(%dma_start3A_513 : memref<10000x64xf32, #tpu.memory_space<hbm>>) target(%arg14 : memref<80x64xf32, #tpu.memory_space<vmem>>) offsets(%dma_start3A_506 : memref<80xi32, #tpu.memory_space<vmem>>) semaphore(%arg26 : memref<!tpu.dma_semaphore, #tpu.memory_space<semaphore_mem>>)
      } else {
      }
      %dma_wait3A_286 = arith.constant 0 : i32
      %dma_wait3A_287 = tpu.memref_slice %arg7[%add3A_278, %dma_wait3A_286] : memref<250x80xi32, #tpu.memory_space<vmem>> -> memref<1x80xi32, #tpu.memory_space<vmem>>
      %dma_wait3A_288 = tpu.memref_squeeze %dma_wait3A_287 : memref<1x80xi32, #tpu.memory_space<vmem>> -> memref<80xi32, #tpu.memory_space<vmem>>
      %dma_wait3A_289 = arith.constant 0 : i32
      %dma_wait3A_290 = arith.constant 0 : i32
      %dma_wait3A_291 = tpu.memref_slice %arg2[%arg0, %dma_wait3A_289, %dma_wait3A_290] : memref<2x10000x64xf32, #tpu.memory_space<hbm>> -> memref<1x10000x64xf32, #tpu.memory_space<hbm>>
      %dma_wait3A_292 = tpu.memref_squeeze %dma_wait3A_291 : memref<1x10000x64xf32, #tpu.memory_space<hbm>> -> memref<10000x64xf32, #tpu.memory_space<hbm>>
      %dma_wait3A_293 = arith.constant 0 : i32
      %dma_wait3A_294 = arith.constant 0 : i32
      %dma_wait3A_295 = tpu.memref_slice %dma_wait3A_292[%dma_wait3A_293, %dma_wait3A_294] : memref<10000x64xf32, #tpu.memory_space<hbm>> -> memref<10000x64xf32, #tpu.memory_space<hbm>>
      tpu.wait_indirect_dma semaphore(%arg22 : memref<!tpu.dma_semaphore, #tpu.memory_space<semaphore_mem>>) src(%dma_wait3A_295 : memref<10000x64xf32, #tpu.memory_space<hbm>>) dst(%arg10 : memref<80x64xf32, #tpu.memory_space<vmem>>)
      %dma_start3A_296 = arith.constant 0 : i32
      %dma_start3A_297 = tpu.memref_slice %arg8[%add3A_278, %dma_start3A_296] : memref<250x80xi32, #tpu.memory_space<vmem>> -> memref<1x80xi32, #tpu.memory_space<vmem>>
      %dma_start3A_298 = tpu.memref_squeeze %dma_start3A_297 : memref<1x80xi32, #tpu.memory_space<vmem>> -> memref<80xi32, #tpu.memory_space<vmem>>
      %dma_start3A_299 = arith.constant 0 : i32
      %dma_start3A_300 = arith.constant 0 : i32
      %dma_start3A_301 = tpu.memref_slice %arg19[%dma_start3A_299, %dma_start3A_300] : memref<10240x64xf32, #tpu.memory_space<vmem_shared>> -> memref<10240x64xf32, #tpu.memory_space<vmem_shared>>
      tpu.enqueue_indirect_dma source(%arg10 : memref<80x64xf32, #tpu.memory_space<vmem>>) target(%dma_start3A_301 : memref<10240x64xf32, #tpu.memory_space<vmem_shared>>) offsets(%dma_start3A_298 : memref<80xi32, #tpu.memory_space<vmem>>) semaphore(%arg30 : memref<!tpu.dma_semaphore, #tpu.memory_space<semaphore_mem>>) {add = true}
      %eq3A_302 = arith.constant 1 : i32
      %eq3A_303 = arith.cmpi eq, %arg0, %eq3A_302 : i32
      %convert_element_type3A_304 = arith.extui %eq3A_303 : i1 to i32
      %cond3A_305 = arith.constant 0 : i32
      %cond3A_306 = arith.cmpi ne, %convert_element_type3A_304, %cond3A_305 : i32
      scf.if %cond3A_306 {
        %ge3A = arith.constant 2 : i32
        %ge3A_500 = arith.cmpi sge, %add3A_278, %ge3A : i32
        %convert_element_type3A_501 = arith.extui %ge3A_500 : i1 to i32
        %cond3A_502 = arith.constant 0 : i32
        %cond3A_503 = arith.cmpi ne, %convert_element_type3A_501, %cond3A_502 : i32
        scf.if %cond3A_503 {
          %dma_wait3A_510 = arith.constant 0 : i32
          %dma_wait3A_511 = arith.constant 0 : i32
          %dma_wait3A_512 = tpu.memref_slice %arg8[%dma_wait3A_510, %dma_wait3A_511] : memref<250x80xi32, #tpu.memory_space<vmem>> -> memref<1x80xi32, #tpu.memory_space<vmem>>
          %dma_wait3A_513 = tpu.memref_squeeze %dma_wait3A_512 : memref<1x80xi32, #tpu.memory_space<vmem>> -> memref<80xi32, #tpu.memory_space<vmem>>
          %dma_wait3A_514 = arith.constant 0 : i32
          %dma_wait3A_515 = arith.constant 0 : i32
          %dma_wait3A_516 = tpu.memref_slice %arg20[%dma_wait3A_514, %dma_wait3A_515] : memref<10240x8xf32, #tpu.memory_space<vmem_shared>> -> memref<10240x8xf32, #tpu.memory_space<vmem_shared>>
          tpu.wait_indirect_dma semaphore(%arg37 : memref<!tpu.dma_semaphore, #tpu.memory_space<semaphore_mem>>) src(%arg17 : memref<80x8xf32, #tpu.memory_space<vmem>>) dst(%dma_wait3A_516 : memref<10240x8xf32, #tpu.memory_space<vmem_shared>>)
        } else {
        }
        %dma_start3A_504 = arith.constant 0 : i32
        %dma_start3A_505 = tpu.memref_slice %arg8[%add3A_278, %dma_start3A_504] : memref<250x80xi32, #tpu.memory_space<vmem>> -> memref<1x80xi32, #tpu.memory_space<vmem>>
        %dma_start3A_506 = tpu.memref_squeeze %dma_start3A_505 : memref<1x80xi32, #tpu.memory_space<vmem>> -> memref<80xi32, #tpu.memory_space<vmem>>
        %dma_start3A_507 = arith.constant 0 : i32
        %dma_start3A_508 = arith.constant 0 : i32
        %dma_start3A_509 = tpu.memref_slice %arg20[%dma_start3A_507, %dma_start3A_508] : memref<10240x8xf32, #tpu.memory_space<vmem_shared>> -> memref<10240x8xf32, #tpu.memory_space<vmem_shared>>
        tpu.enqueue_indirect_dma source(%arg17 : memref<80x8xf32, #tpu.memory_space<vmem>>) target(%dma_start3A_509 : memref<10240x8xf32, #tpu.memory_space<vmem_shared>>) offsets(%dma_start3A_506 : memref<80xi32, #tpu.memory_space<vmem>>) semaphore(%arg37 : memref<!tpu.dma_semaphore, #tpu.memory_space<semaphore_mem>>) {add = true}
      } else {
      }
      %mul3A_307 = arith.constant 8 : i32
      %mul3A_308 = arith.muli %mul3A_307, %scan3A_242 : i32
      %add3A_309 = arith.constant 2 : i32
      %add3A_310 = arith.addi %mul3A_308, %add3A_309 : i32
      %add3A_311 = arith.constant 4 : i32
      %add3A_312 = arith.addi %add3A_310, %add3A_311 : i32
      %lt3A_313 = arith.constant 250 : i32
      %lt3A_314 = arith.cmpi slt, %add3A_312, %lt3A_313 : i32
      %convert_element_type3A_315 = arith.extui %lt3A_314 : i1 to i32
      %cond3A_316 = arith.constant 0 : i32
      %cond3A_317 = arith.cmpi ne, %convert_element_type3A_315, %cond3A_316 : i32
      scf.if %cond3A_317 {
        %ge3A = arith.constant 4 : i32
        %ge3A_500 = arith.cmpi sge, %add3A_310, %ge3A : i32
        %convert_element_type3A_501 = arith.extui %ge3A_500 : i1 to i32
        %cond3A_502 = arith.constant 0 : i32
        %cond3A_503 = arith.cmpi ne, %convert_element_type3A_501, %cond3A_502 : i32
        scf.if %cond3A_503 {
          %dma_wait3A_514 = arith.constant 0 : i32
          %dma_wait3A_515 = arith.constant 0 : i32
          %dma_wait3A_516 = tpu.memref_slice %arg8[%dma_wait3A_514, %dma_wait3A_515] : memref<250x80xi32, #tpu.memory_space<vmem>> -> memref<1x80xi32, #tpu.memory_space<vmem>>
          %dma_wait3A_517 = tpu.memref_squeeze %dma_wait3A_516 : memref<1x80xi32, #tpu.memory_space<vmem>> -> memref<80xi32, #tpu.memory_space<vmem>>
          %dma_wait3A_518 = arith.constant 0 : i32
          %dma_wait3A_519 = arith.constant 0 : i32
          %dma_wait3A_520 = tpu.memref_slice %arg19[%dma_wait3A_518, %dma_wait3A_519] : memref<10240x64xf32, #tpu.memory_space<vmem_shared>> -> memref<10240x64xf32, #tpu.memory_space<vmem_shared>>
          tpu.wait_indirect_dma semaphore(%arg35 : memref<!tpu.dma_semaphore, #tpu.memory_space<semaphore_mem>>) src(%arg15 : memref<80x64xf32, #tpu.memory_space<vmem>>) dst(%dma_wait3A_520 : memref<10240x64xf32, #tpu.memory_space<vmem_shared>>)
        } else {
        }
        %dma_start3A_504 = arith.constant 0 : i32
        %dma_start3A_505 = tpu.memref_slice %arg7[%add3A_312, %dma_start3A_504] : memref<250x80xi32, #tpu.memory_space<vmem>> -> memref<1x80xi32, #tpu.memory_space<vmem>>
        %dma_start3A_506 = tpu.memref_squeeze %dma_start3A_505 : memref<1x80xi32, #tpu.memory_space<vmem>> -> memref<80xi32, #tpu.memory_space<vmem>>
        %dma_start3A_507 = arith.constant 0 : i32
        %dma_start3A_508 = arith.constant 0 : i32
        %dma_start3A_509 = tpu.memref_slice %arg2[%arg0, %dma_start3A_507, %dma_start3A_508] : memref<2x10000x64xf32, #tpu.memory_space<hbm>> -> memref<1x10000x64xf32, #tpu.memory_space<hbm>>
        %dma_start3A_510 = tpu.memref_squeeze %dma_start3A_509 : memref<1x10000x64xf32, #tpu.memory_space<hbm>> -> memref<10000x64xf32, #tpu.memory_space<hbm>>
        %dma_start3A_511 = arith.constant 0 : i32
        %dma_start3A_512 = arith.constant 0 : i32
        %dma_start3A_513 = tpu.memref_slice %dma_start3A_510[%dma_start3A_511, %dma_start3A_512] : memref<10000x64xf32, #tpu.memory_space<hbm>> -> memref<10000x64xf32, #tpu.memory_space<hbm>>
        tpu.enqueue_indirect_dma source(%dma_start3A_513 : memref<10000x64xf32, #tpu.memory_space<hbm>>) target(%arg15 : memref<80x64xf32, #tpu.memory_space<vmem>>) offsets(%dma_start3A_506 : memref<80xi32, #tpu.memory_space<vmem>>) semaphore(%arg27 : memref<!tpu.dma_semaphore, #tpu.memory_space<semaphore_mem>>)
      } else {
      }
      %dma_wait3A_318 = arith.constant 0 : i32
      %dma_wait3A_319 = tpu.memref_slice %arg7[%add3A_310, %dma_wait3A_318] : memref<250x80xi32, #tpu.memory_space<vmem>> -> memref<1x80xi32, #tpu.memory_space<vmem>>
      %dma_wait3A_320 = tpu.memref_squeeze %dma_wait3A_319 : memref<1x80xi32, #tpu.memory_space<vmem>> -> memref<80xi32, #tpu.memory_space<vmem>>
      %dma_wait3A_321 = arith.constant 0 : i32
      %dma_wait3A_322 = arith.constant 0 : i32
      %dma_wait3A_323 = tpu.memref_slice %arg2[%arg0, %dma_wait3A_321, %dma_wait3A_322] : memref<2x10000x64xf32, #tpu.memory_space<hbm>> -> memref<1x10000x64xf32, #tpu.memory_space<hbm>>
      %dma_wait3A_324 = tpu.memref_squeeze %dma_wait3A_323 : memref<1x10000x64xf32, #tpu.memory_space<hbm>> -> memref<10000x64xf32, #tpu.memory_space<hbm>>
      %dma_wait3A_325 = arith.constant 0 : i32
      %dma_wait3A_326 = arith.constant 0 : i32
      %dma_wait3A_327 = tpu.memref_slice %dma_wait3A_324[%dma_wait3A_325, %dma_wait3A_326] : memref<10000x64xf32, #tpu.memory_space<hbm>> -> memref<10000x64xf32, #tpu.memory_space<hbm>>
      tpu.wait_indirect_dma semaphore(%arg23 : memref<!tpu.dma_semaphore, #tpu.memory_space<semaphore_mem>>) src(%dma_wait3A_327 : memref<10000x64xf32, #tpu.memory_space<hbm>>) dst(%arg11 : memref<80x64xf32, #tpu.memory_space<vmem>>)
      %dma_start3A_328 = arith.constant 0 : i32
      %dma_start3A_329 = tpu.memref_slice %arg8[%add3A_310, %dma_start3A_328] : memref<250x80xi32, #tpu.memory_space<vmem>> -> memref<1x80xi32, #tpu.memory_space<vmem>>
      %dma_start3A_330 = tpu.memref_squeeze %dma_start3A_329 : memref<1x80xi32, #tpu.memory_space<vmem>> -> memref<80xi32, #tpu.memory_space<vmem>>
      %dma_start3A_331 = arith.constant 0 : i32
      %dma_start3A_332 = arith.constant 0 : i32
      %dma_start3A_333 = tpu.memref_slice %arg19[%dma_start3A_331, %dma_start3A_332] : memref<10240x64xf32, #tpu.memory_space<vmem_shared>> -> memref<10240x64xf32, #tpu.memory_space<vmem_shared>>
      tpu.enqueue_indirect_dma source(%arg11 : memref<80x64xf32, #tpu.memory_space<vmem>>) target(%dma_start3A_333 : memref<10240x64xf32, #tpu.memory_space<vmem_shared>>) offsets(%dma_start3A_330 : memref<80xi32, #tpu.memory_space<vmem>>) semaphore(%arg31 : memref<!tpu.dma_semaphore, #tpu.memory_space<semaphore_mem>>) {add = true}
      %eq3A_334 = arith.constant 0 : i32
      %eq3A_335 = arith.cmpi eq, %arg0, %eq3A_334 : i32
      %convert_element_type3A_336 = arith.extui %eq3A_335 : i1 to i32
      %cond3A_337 = arith.constant 0 : i32
      %cond3A_338 = arith.cmpi ne, %convert_element_type3A_336, %cond3A_337 : i32
      scf.if %cond3A_338 {
        %ge3A = arith.constant 2 : i32
        %ge3A_500 = arith.cmpi sge, %add3A_310, %ge3A : i32
        %convert_element_type3A_501 = arith.extui %ge3A_500 : i1 to i32
        %cond3A_502 = arith.constant 0 : i32
        %cond3A_503 = arith.cmpi ne, %convert_element_type3A_501, %cond3A_502 : i32
        scf.if %cond3A_503 {
          %dma_wait3A_510 = arith.constant 0 : i32
          %dma_wait3A_511 = arith.constant 0 : i32
          %dma_wait3A_512 = tpu.memref_slice %arg8[%dma_wait3A_510, %dma_wait3A_511] : memref<250x80xi32, #tpu.memory_space<vmem>> -> memref<1x80xi32, #tpu.memory_space<vmem>>
          %dma_wait3A_513 = tpu.memref_squeeze %dma_wait3A_512 : memref<1x80xi32, #tpu.memory_space<vmem>> -> memref<80xi32, #tpu.memory_space<vmem>>
          %dma_wait3A_514 = arith.constant 0 : i32
          %dma_wait3A_515 = arith.constant 0 : i32
          %dma_wait3A_516 = tpu.memref_slice %arg20[%dma_wait3A_514, %dma_wait3A_515] : memref<10240x8xf32, #tpu.memory_space<vmem_shared>> -> memref<10240x8xf32, #tpu.memory_space<vmem_shared>>
          tpu.wait_indirect_dma semaphore(%arg37 : memref<!tpu.dma_semaphore, #tpu.memory_space<semaphore_mem>>) src(%arg17 : memref<80x8xf32, #tpu.memory_space<vmem>>) dst(%dma_wait3A_516 : memref<10240x8xf32, #tpu.memory_space<vmem_shared>>)
        } else {
        }
        %dma_start3A_504 = arith.constant 0 : i32
        %dma_start3A_505 = tpu.memref_slice %arg8[%add3A_310, %dma_start3A_504] : memref<250x80xi32, #tpu.memory_space<vmem>> -> memref<1x80xi32, #tpu.memory_space<vmem>>
        %dma_start3A_506 = tpu.memref_squeeze %dma_start3A_505 : memref<1x80xi32, #tpu.memory_space<vmem>> -> memref<80xi32, #tpu.memory_space<vmem>>
        %dma_start3A_507 = arith.constant 0 : i32
        %dma_start3A_508 = arith.constant 0 : i32
        %dma_start3A_509 = tpu.memref_slice %arg20[%dma_start3A_507, %dma_start3A_508] : memref<10240x8xf32, #tpu.memory_space<vmem_shared>> -> memref<10240x8xf32, #tpu.memory_space<vmem_shared>>
        tpu.enqueue_indirect_dma source(%arg17 : memref<80x8xf32, #tpu.memory_space<vmem>>) target(%dma_start3A_509 : memref<10240x8xf32, #tpu.memory_space<vmem_shared>>) offsets(%dma_start3A_506 : memref<80xi32, #tpu.memory_space<vmem>>) semaphore(%arg37 : memref<!tpu.dma_semaphore, #tpu.memory_space<semaphore_mem>>) {add = true}
      } else {
      }
      %mul3A_339 = arith.constant 8 : i32
      %mul3A_340 = arith.muli %mul3A_339, %scan3A_242 : i32
      %add3A_341 = arith.constant 3 : i32
      %add3A_342 = arith.addi %mul3A_340, %add3A_341 : i32
      %add3A_343 = arith.constant 4 : i32
      %add3A_344 = arith.addi %add3A_342, %add3A_343 : i32
      %lt3A_345 = arith.constant 250 : i32
      %lt3A_346 = arith.cmpi slt, %add3A_344, %lt3A_345 : i32
      %convert_element_type3A_347 = arith.extui %lt3A_346 : i1 to i32
      %cond3A_348 = arith.constant 0 : i32
      %cond3A_349 = arith.cmpi ne, %convert_element_type3A_347, %cond3A_348 : i32
      scf.if %cond3A_349 {
        %ge3A = arith.constant 4 : i32
        %ge3A_500 = arith.cmpi sge, %add3A_342, %ge3A : i32
        %convert_element_type3A_501 = arith.extui %ge3A_500 : i1 to i32
        %cond3A_502 = arith.constant 0 : i32
        %cond3A_503 = arith.cmpi ne, %convert_element_type3A_501, %cond3A_502 : i32
        scf.if %cond3A_503 {
          %dma_wait3A_514 = arith.constant 0 : i32
          %dma_wait3A_515 = arith.constant 0 : i32
          %dma_wait3A_516 = tpu.memref_slice %arg8[%dma_wait3A_514, %dma_wait3A_515] : memref<250x80xi32, #tpu.memory_space<vmem>> -> memref<1x80xi32, #tpu.memory_space<vmem>>
          %dma_wait3A_517 = tpu.memref_squeeze %dma_wait3A_516 : memref<1x80xi32, #tpu.memory_space<vmem>> -> memref<80xi32, #tpu.memory_space<vmem>>
          %dma_wait3A_518 = arith.constant 0 : i32
          %dma_wait3A_519 = arith.constant 0 : i32
          %dma_wait3A_520 = tpu.memref_slice %arg19[%dma_wait3A_518, %dma_wait3A_519] : memref<10240x64xf32, #tpu.memory_space<vmem_shared>> -> memref<10240x64xf32, #tpu.memory_space<vmem_shared>>
          tpu.wait_indirect_dma semaphore(%arg36 : memref<!tpu.dma_semaphore, #tpu.memory_space<semaphore_mem>>) src(%arg16 : memref<80x64xf32, #tpu.memory_space<vmem>>) dst(%dma_wait3A_520 : memref<10240x64xf32, #tpu.memory_space<vmem_shared>>)
        } else {
        }
        %dma_start3A_504 = arith.constant 0 : i32
        %dma_start3A_505 = tpu.memref_slice %arg7[%add3A_344, %dma_start3A_504] : memref<250x80xi32, #tpu.memory_space<vmem>> -> memref<1x80xi32, #tpu.memory_space<vmem>>
        %dma_start3A_506 = tpu.memref_squeeze %dma_start3A_505 : memref<1x80xi32, #tpu.memory_space<vmem>> -> memref<80xi32, #tpu.memory_space<vmem>>
        %dma_start3A_507 = arith.constant 0 : i32
        %dma_start3A_508 = arith.constant 0 : i32
        %dma_start3A_509 = tpu.memref_slice %arg2[%arg0, %dma_start3A_507, %dma_start3A_508] : memref<2x10000x64xf32, #tpu.memory_space<hbm>> -> memref<1x10000x64xf32, #tpu.memory_space<hbm>>
        %dma_start3A_510 = tpu.memref_squeeze %dma_start3A_509 : memref<1x10000x64xf32, #tpu.memory_space<hbm>> -> memref<10000x64xf32, #tpu.memory_space<hbm>>
        %dma_start3A_511 = arith.constant 0 : i32
        %dma_start3A_512 = arith.constant 0 : i32
        %dma_start3A_513 = tpu.memref_slice %dma_start3A_510[%dma_start3A_511, %dma_start3A_512] : memref<10000x64xf32, #tpu.memory_space<hbm>> -> memref<10000x64xf32, #tpu.memory_space<hbm>>
        tpu.enqueue_indirect_dma source(%dma_start3A_513 : memref<10000x64xf32, #tpu.memory_space<hbm>>) target(%arg16 : memref<80x64xf32, #tpu.memory_space<vmem>>) offsets(%dma_start3A_506 : memref<80xi32, #tpu.memory_space<vmem>>) semaphore(%arg28 : memref<!tpu.dma_semaphore, #tpu.memory_space<semaphore_mem>>)
      } else {
      }
      %dma_wait3A_350 = arith.constant 0 : i32
      %dma_wait3A_351 = tpu.memref_slice %arg7[%add3A_342, %dma_wait3A_350] : memref<250x80xi32, #tpu.memory_space<vmem>> -> memref<1x80xi32, #tpu.memory_space<vmem>>
      %dma_wait3A_352 = tpu.memref_squeeze %dma_wait3A_351 : memref<1x80xi32, #tpu.memory_space<vmem>> -> memref<80xi32, #tpu.memory_space<vmem>>
      %dma_wait3A_353 = arith.constant 0 : i32
      %dma_wait3A_354 = arith.constant 0 : i32
      %dma_wait3A_355 = tpu.memref_slice %arg2[%arg0, %dma_wait3A_353, %dma_wait3A_354] : memref<2x10000x64xf32, #tpu.memory_space<hbm>> -> memref<1x10000x64xf32, #tpu.memory_space<hbm>>
      %dma_wait3A_356 = tpu.memref_squeeze %dma_wait3A_355 : memref<1x10000x64xf32, #tpu.memory_space<hbm>> -> memref<10000x64xf32, #tpu.memory_space<hbm>>
      %dma_wait3A_357 = arith.constant 0 : i32
      %dma_wait3A_358 = arith.constant 0 : i32
      %dma_wait3A_359 = tpu.memref_slice %dma_wait3A_356[%dma_wait3A_357, %dma_wait3A_358] : memref<10000x64xf32, #tpu.memory_space<hbm>> -> memref<10000x64xf32, #tpu.memory_space<hbm>>
      tpu.wait_indirect_dma semaphore(%arg24 : memref<!tpu.dma_semaphore, #tpu.memory_space<semaphore_mem>>) src(%dma_wait3A_359 : memref<10000x64xf32, #tpu.memory_space<hbm>>) dst(%arg12 : memref<80x64xf32, #tpu.memory_space<vmem>>)
      %dma_start3A_360 = arith.constant 0 : i32
      %dma_start3A_361 = tpu.memref_slice %arg8[%add3A_342, %dma_start3A_360] : memref<250x80xi32, #tpu.memory_space<vmem>> -> memref<1x80xi32, #tpu.memory_space<vmem>>
      %dma_start3A_362 = tpu.memref_squeeze %dma_start3A_361 : memref<1x80xi32, #tpu.memory_space<vmem>> -> memref<80xi32, #tpu.memory_space<vmem>>
      %dma_start3A_363 = arith.constant 0 : i32
      %dma_start3A_364 = arith.constant 0 : i32
      %dma_start3A_365 = tpu.memref_slice %arg19[%dma_start3A_363, %dma_start3A_364] : memref<10240x64xf32, #tpu.memory_space<vmem_shared>> -> memref<10240x64xf32, #tpu.memory_space<vmem_shared>>
      tpu.enqueue_indirect_dma source(%arg12 : memref<80x64xf32, #tpu.memory_space<vmem>>) target(%dma_start3A_365 : memref<10240x64xf32, #tpu.memory_space<vmem_shared>>) offsets(%dma_start3A_362 : memref<80xi32, #tpu.memory_space<vmem>>) semaphore(%arg32 : memref<!tpu.dma_semaphore, #tpu.memory_space<semaphore_mem>>) {add = true}
      %eq3A_366 = arith.constant 1 : i32
      %eq3A_367 = arith.cmpi eq, %arg0, %eq3A_366 : i32
      %convert_element_type3A_368 = arith.extui %eq3A_367 : i1 to i32
      %cond3A_369 = arith.constant 0 : i32
      %cond3A_370 = arith.cmpi ne, %convert_element_type3A_368, %cond3A_369 : i32
      scf.if %cond3A_370 {
        %ge3A = arith.constant 2 : i32
        %ge3A_500 = arith.cmpi sge, %add3A_342, %ge3A : i32
        %convert_element_type3A_501 = arith.extui %ge3A_500 : i1 to i32
        %cond3A_502 = arith.constant 0 : i32
        %cond3A_503 = arith.cmpi ne, %convert_element_type3A_501, %cond3A_502 : i32
        scf.if %cond3A_503 {
          %dma_wait3A_510 = arith.constant 0 : i32
          %dma_wait3A_511 = arith.constant 0 : i32
          %dma_wait3A_512 = tpu.memref_slice %arg8[%dma_wait3A_510, %dma_wait3A_511] : memref<250x80xi32, #tpu.memory_space<vmem>> -> memref<1x80xi32, #tpu.memory_space<vmem>>
          %dma_wait3A_513 = tpu.memref_squeeze %dma_wait3A_512 : memref<1x80xi32, #tpu.memory_space<vmem>> -> memref<80xi32, #tpu.memory_space<vmem>>
          %dma_wait3A_514 = arith.constant 0 : i32
          %dma_wait3A_515 = arith.constant 0 : i32
          %dma_wait3A_516 = tpu.memref_slice %arg20[%dma_wait3A_514, %dma_wait3A_515] : memref<10240x8xf32, #tpu.memory_space<vmem_shared>> -> memref<10240x8xf32, #tpu.memory_space<vmem_shared>>
          tpu.wait_indirect_dma semaphore(%arg37 : memref<!tpu.dma_semaphore, #tpu.memory_space<semaphore_mem>>) src(%arg17 : memref<80x8xf32, #tpu.memory_space<vmem>>) dst(%dma_wait3A_516 : memref<10240x8xf32, #tpu.memory_space<vmem_shared>>)
        } else {
        }
        %dma_start3A_504 = arith.constant 0 : i32
        %dma_start3A_505 = tpu.memref_slice %arg8[%add3A_342, %dma_start3A_504] : memref<250x80xi32, #tpu.memory_space<vmem>> -> memref<1x80xi32, #tpu.memory_space<vmem>>
        %dma_start3A_506 = tpu.memref_squeeze %dma_start3A_505 : memref<1x80xi32, #tpu.memory_space<vmem>> -> memref<80xi32, #tpu.memory_space<vmem>>
        %dma_start3A_507 = arith.constant 0 : i32
        %dma_start3A_508 = arith.constant 0 : i32
        %dma_start3A_509 = tpu.memref_slice %arg20[%dma_start3A_507, %dma_start3A_508] : memref<10240x8xf32, #tpu.memory_space<vmem_shared>> -> memref<10240x8xf32, #tpu.memory_space<vmem_shared>>
        tpu.enqueue_indirect_dma source(%arg17 : memref<80x8xf32, #tpu.memory_space<vmem>>) target(%dma_start3A_509 : memref<10240x8xf32, #tpu.memory_space<vmem_shared>>) offsets(%dma_start3A_506 : memref<80xi32, #tpu.memory_space<vmem>>) semaphore(%arg37 : memref<!tpu.dma_semaphore, #tpu.memory_space<semaphore_mem>>) {add = true}
      } else {
      }
      %mul3A_371 = arith.constant 8 : i32
      %mul3A_372 = arith.muli %mul3A_371, %scan3A_242 : i32
      %add3A_373 = arith.constant 4 : i32
      %add3A_374 = arith.addi %mul3A_372, %add3A_373 : i32
      %add3A_375 = arith.constant 4 : i32
      %add3A_376 = arith.addi %add3A_374, %add3A_375 : i32
      %lt3A_377 = arith.constant 250 : i32
      %lt3A_378 = arith.cmpi slt, %add3A_376, %lt3A_377 : i32
      %convert_element_type3A_379 = arith.extui %lt3A_378 : i1 to i32
      %cond3A_380 = arith.constant 0 : i32
      %cond3A_381 = arith.cmpi ne, %convert_element_type3A_379, %cond3A_380 : i32
      scf.if %cond3A_381 {
        %ge3A = arith.constant 4 : i32
        %ge3A_500 = arith.cmpi sge, %add3A_374, %ge3A : i32
        %convert_element_type3A_501 = arith.extui %ge3A_500 : i1 to i32
        %cond3A_502 = arith.constant 0 : i32
        %cond3A_503 = arith.cmpi ne, %convert_element_type3A_501, %cond3A_502 : i32
        scf.if %cond3A_503 {
          %dma_wait3A_514 = arith.constant 0 : i32
          %dma_wait3A_515 = arith.constant 0 : i32
          %dma_wait3A_516 = tpu.memref_slice %arg8[%dma_wait3A_514, %dma_wait3A_515] : memref<250x80xi32, #tpu.memory_space<vmem>> -> memref<1x80xi32, #tpu.memory_space<vmem>>
          %dma_wait3A_517 = tpu.memref_squeeze %dma_wait3A_516 : memref<1x80xi32, #tpu.memory_space<vmem>> -> memref<80xi32, #tpu.memory_space<vmem>>
          %dma_wait3A_518 = arith.constant 0 : i32
          %dma_wait3A_519 = arith.constant 0 : i32
          %dma_wait3A_520 = tpu.memref_slice %arg19[%dma_wait3A_518, %dma_wait3A_519] : memref<10240x64xf32, #tpu.memory_space<vmem_shared>> -> memref<10240x64xf32, #tpu.memory_space<vmem_shared>>
          tpu.wait_indirect_dma semaphore(%arg29 : memref<!tpu.dma_semaphore, #tpu.memory_space<semaphore_mem>>) src(%arg9 : memref<80x64xf32, #tpu.memory_space<vmem>>) dst(%dma_wait3A_520 : memref<10240x64xf32, #tpu.memory_space<vmem_shared>>)
        } else {
        }
        %dma_start3A_504 = arith.constant 0 : i32
        %dma_start3A_505 = tpu.memref_slice %arg7[%add3A_376, %dma_start3A_504] : memref<250x80xi32, #tpu.memory_space<vmem>> -> memref<1x80xi32, #tpu.memory_space<vmem>>
        %dma_start3A_506 = tpu.memref_squeeze %dma_start3A_505 : memref<1x80xi32, #tpu.memory_space<vmem>> -> memref<80xi32, #tpu.memory_space<vmem>>
        %dma_start3A_507 = arith.constant 0 : i32
        %dma_start3A_508 = arith.constant 0 : i32
        %dma_start3A_509 = tpu.memref_slice %arg2[%arg0, %dma_start3A_507, %dma_start3A_508] : memref<2x10000x64xf32, #tpu.memory_space<hbm>> -> memref<1x10000x64xf32, #tpu.memory_space<hbm>>
        %dma_start3A_510 = tpu.memref_squeeze %dma_start3A_509 : memref<1x10000x64xf32, #tpu.memory_space<hbm>> -> memref<10000x64xf32, #tpu.memory_space<hbm>>
        %dma_start3A_511 = arith.constant 0 : i32
        %dma_start3A_512 = arith.constant 0 : i32
        %dma_start3A_513 = tpu.memref_slice %dma_start3A_510[%dma_start3A_511, %dma_start3A_512] : memref<10000x64xf32, #tpu.memory_space<hbm>> -> memref<10000x64xf32, #tpu.memory_space<hbm>>
        tpu.enqueue_indirect_dma source(%dma_start3A_513 : memref<10000x64xf32, #tpu.memory_space<hbm>>) target(%arg9 : memref<80x64xf32, #tpu.memory_space<vmem>>) offsets(%dma_start3A_506 : memref<80xi32, #tpu.memory_space<vmem>>) semaphore(%arg21 : memref<!tpu.dma_semaphore, #tpu.memory_space<semaphore_mem>>)
      } else {
      }
      %dma_wait3A_382 = arith.constant 0 : i32
      %dma_wait3A_383 = tpu.memref_slice %arg7[%add3A_374, %dma_wait3A_382] : memref<250x80xi32, #tpu.memory_space<vmem>> -> memref<1x80xi32, #tpu.memory_space<vmem>>
      %dma_wait3A_384 = tpu.memref_squeeze %dma_wait3A_383 : memref<1x80xi32, #tpu.memory_space<vmem>> -> memref<80xi32, #tpu.memory_space<vmem>>
      %dma_wait3A_385 = arith.constant 0 : i32
      %dma_wait3A_386 = arith.constant 0 : i32
      %dma_wait3A_387 = tpu.memref_slice %arg2[%arg0, %dma_wait3A_385, %dma_wait3A_386] : memref<2x10000x64xf32, #tpu.memory_space<hbm>> -> memref<1x10000x64xf32, #tpu.memory_space<hbm>>
      %dma_wait3A_388 = tpu.memref_squeeze %dma_wait3A_387 : memref<1x10000x64xf32, #tpu.memory_space<hbm>> -> memref<10000x64xf32, #tpu.memory_space<hbm>>
      %dma_wait3A_389 = arith.constant 0 : i32
      %dma_wait3A_390 = arith.constant 0 : i32
      %dma_wait3A_391 = tpu.memref_slice %dma_wait3A_388[%dma_wait3A_389, %dma_wait3A_390] : memref<10000x64xf32, #tpu.memory_space<hbm>> -> memref<10000x64xf32, #tpu.memory_space<hbm>>
      tpu.wait_indirect_dma semaphore(%arg25 : memref<!tpu.dma_semaphore, #tpu.memory_space<semaphore_mem>>) src(%dma_wait3A_391 : memref<10000x64xf32, #tpu.memory_space<hbm>>) dst(%arg13 : memref<80x64xf32, #tpu.memory_space<vmem>>)
      %dma_start3A_392 = arith.constant 0 : i32
      %dma_start3A_393 = tpu.memref_slice %arg8[%add3A_374, %dma_start3A_392] : memref<250x80xi32, #tpu.memory_space<vmem>> -> memref<1x80xi32, #tpu.memory_space<vmem>>
      %dma_start3A_394 = tpu.memref_squeeze %dma_start3A_393 : memref<1x80xi32, #tpu.memory_space<vmem>> -> memref<80xi32, #tpu.memory_space<vmem>>
      %dma_start3A_395 = arith.constant 0 : i32
      %dma_start3A_396 = arith.constant 0 : i32
      %dma_start3A_397 = tpu.memref_slice %arg19[%dma_start3A_395, %dma_start3A_396] : memref<10240x64xf32, #tpu.memory_space<vmem_shared>> -> memref<10240x64xf32, #tpu.memory_space<vmem_shared>>
      tpu.enqueue_indirect_dma source(%arg13 : memref<80x64xf32, #tpu.memory_space<vmem>>) target(%dma_start3A_397 : memref<10240x64xf32, #tpu.memory_space<vmem_shared>>) offsets(%dma_start3A_394 : memref<80xi32, #tpu.memory_space<vmem>>) semaphore(%arg33 : memref<!tpu.dma_semaphore, #tpu.memory_space<semaphore_mem>>) {add = true}
      %eq3A_398 = arith.constant 0 : i32
      %eq3A_399 = arith.cmpi eq, %arg0, %eq3A_398 : i32
      %convert_element_type3A_400 = arith.extui %eq3A_399 : i1 to i32
      %cond3A_401 = arith.constant 0 : i32
      %cond3A_402 = arith.cmpi ne, %convert_element_type3A_400, %cond3A_401 : i32
      scf.if %cond3A_402 {
        %ge3A = arith.constant 2 : i32
        %ge3A_500 = arith.cmpi sge, %add3A_374, %ge3A : i32
        %convert_element_type3A_501 = arith.extui %ge3A_500 : i1 to i32
        %cond3A_502 = arith.constant 0 : i32
        %cond3A_503 = arith.cmpi ne, %convert_element_type3A_501, %cond3A_502 : i32
        scf.if %cond3A_503 {
          %dma_wait3A_510 = arith.constant 0 : i32
          %dma_wait3A_511 = arith.constant 0 : i32
          %dma_wait3A_512 = tpu.memref_slice %arg8[%dma_wait3A_510, %dma_wait3A_511] : memref<250x80xi32, #tpu.memory_space<vmem>> -> memref<1x80xi32, #tpu.memory_space<vmem>>
          %dma_wait3A_513 = tpu.memref_squeeze %dma_wait3A_512 : memref<1x80xi32, #tpu.memory_space<vmem>> -> memref<80xi32, #tpu.memory_space<vmem>>
          %dma_wait3A_514 = arith.constant 0 : i32
          %dma_wait3A_515 = arith.constant 0 : i32
          %dma_wait3A_516 = tpu.memref_slice %arg20[%dma_wait3A_514, %dma_wait3A_515] : memref<10240x8xf32, #tpu.memory_space<vmem_shared>> -> memref<10240x8xf32, #tpu.memory_space<vmem_shared>>
          tpu.wait_indirect_dma semaphore(%arg37 : memref<!tpu.dma_semaphore, #tpu.memory_space<semaphore_mem>>) src(%arg17 : memref<80x8xf32, #tpu.memory_space<vmem>>) dst(%dma_wait3A_516 : memref<10240x8xf32, #tpu.memory_space<vmem_shared>>)
        } else {
        }
        %dma_start3A_504 = arith.constant 0 : i32
        %dma_start3A_505 = tpu.memref_slice %arg8[%add3A_374, %dma_start3A_504] : memref<250x80xi32, #tpu.memory_space<vmem>> -> memref<1x80xi32, #tpu.memory_space<vmem>>
        %dma_start3A_506 = tpu.memref_squeeze %dma_start3A_505 : memref<1x80xi32, #tpu.memory_space<vmem>> -> memref<80xi32, #tpu.memory_space<vmem>>
        %dma_start3A_507 = arith.constant 0 : i32
        %dma_start3A_508 = arith.constant 0 : i32
        %dma_start3A_509 = tpu.memref_slice %arg20[%dma_start3A_507, %dma_start3A_508] : memref<10240x8xf32, #tpu.memory_space<vmem_shared>> -> memref<10240x8xf32, #tpu.memory_space<vmem_shared>>
        tpu.enqueue_indirect_dma source(%arg17 : memref<80x8xf32, #tpu.memory_space<vmem>>) target(%dma_start3A_509 : memref<10240x8xf32, #tpu.memory_space<vmem_shared>>) offsets(%dma_start3A_506 : memref<80xi32, #tpu.memory_space<vmem>>) semaphore(%arg37 : memref<!tpu.dma_semaphore, #tpu.memory_space<semaphore_mem>>) {add = true}
      } else {
      }
      %mul3A_403 = arith.constant 8 : i32
      %mul3A_404 = arith.muli %mul3A_403, %scan3A_242 : i32
      %add3A_405 = arith.constant 5 : i32
      %add3A_406 = arith.addi %mul3A_404, %add3A_405 : i32
      %add3A_407 = arith.constant 4 : i32
      %add3A_408 = arith.addi %add3A_406, %add3A_407 : i32
      %lt3A_409 = arith.constant 250 : i32
      %lt3A_410 = arith.cmpi slt, %add3A_408, %lt3A_409 : i32
      %convert_element_type3A_411 = arith.extui %lt3A_410 : i1 to i32
      %cond3A_412 = arith.constant 0 : i32
      %cond3A_413 = arith.cmpi ne, %convert_element_type3A_411, %cond3A_412 : i32
      scf.if %cond3A_413 {
        %ge3A = arith.constant 4 : i32
        %ge3A_500 = arith.cmpi sge, %add3A_406, %ge3A : i32
        %convert_element_type3A_501 = arith.extui %ge3A_500 : i1 to i32
        %cond3A_502 = arith.constant 0 : i32
        %cond3A_503 = arith.cmpi ne, %convert_element_type3A_501, %cond3A_502 : i32
        scf.if %cond3A_503 {
          %dma_wait3A_514 = arith.constant 0 : i32
          %dma_wait3A_515 = arith.constant 0 : i32
          %dma_wait3A_516 = tpu.memref_slice %arg8[%dma_wait3A_514, %dma_wait3A_515] : memref<250x80xi32, #tpu.memory_space<vmem>> -> memref<1x80xi32, #tpu.memory_space<vmem>>
          %dma_wait3A_517 = tpu.memref_squeeze %dma_wait3A_516 : memref<1x80xi32, #tpu.memory_space<vmem>> -> memref<80xi32, #tpu.memory_space<vmem>>
          %dma_wait3A_518 = arith.constant 0 : i32
          %dma_wait3A_519 = arith.constant 0 : i32
          %dma_wait3A_520 = tpu.memref_slice %arg19[%dma_wait3A_518, %dma_wait3A_519] : memref<10240x64xf32, #tpu.memory_space<vmem_shared>> -> memref<10240x64xf32, #tpu.memory_space<vmem_shared>>
          tpu.wait_indirect_dma semaphore(%arg30 : memref<!tpu.dma_semaphore, #tpu.memory_space<semaphore_mem>>) src(%arg10 : memref<80x64xf32, #tpu.memory_space<vmem>>) dst(%dma_wait3A_520 : memref<10240x64xf32, #tpu.memory_space<vmem_shared>>)
        } else {
        }
        %dma_start3A_504 = arith.constant 0 : i32
        %dma_start3A_505 = tpu.memref_slice %arg7[%add3A_408, %dma_start3A_504] : memref<250x80xi32, #tpu.memory_space<vmem>> -> memref<1x80xi32, #tpu.memory_space<vmem>>
        %dma_start3A_506 = tpu.memref_squeeze %dma_start3A_505 : memref<1x80xi32, #tpu.memory_space<vmem>> -> memref<80xi32, #tpu.memory_space<vmem>>
        %dma_start3A_507 = arith.constant 0 : i32
        %dma_start3A_508 = arith.constant 0 : i32
        %dma_start3A_509 = tpu.memref_slice %arg2[%arg0, %dma_start3A_507, %dma_start3A_508] : memref<2x10000x64xf32, #tpu.memory_space<hbm>> -> memref<1x10000x64xf32, #tpu.memory_space<hbm>>
        %dma_start3A_510 = tpu.memref_squeeze %dma_start3A_509 : memref<1x10000x64xf32, #tpu.memory_space<hbm>> -> memref<10000x64xf32, #tpu.memory_space<hbm>>
        %dma_start3A_511 = arith.constant 0 : i32
        %dma_start3A_512 = arith.constant 0 : i32
        %dma_start3A_513 = tpu.memref_slice %dma_start3A_510[%dma_start3A_511, %dma_start3A_512] : memref<10000x64xf32, #tpu.memory_space<hbm>> -> memref<10000x64xf32, #tpu.memory_space<hbm>>
        tpu.enqueue_indirect_dma source(%dma_start3A_513 : memref<10000x64xf32, #tpu.memory_space<hbm>>) target(%arg10 : memref<80x64xf32, #tpu.memory_space<vmem>>) offsets(%dma_start3A_506 : memref<80xi32, #tpu.memory_space<vmem>>) semaphore(%arg22 : memref<!tpu.dma_semaphore, #tpu.memory_space<semaphore_mem>>)
      } else {
      }
      %dma_wait3A_414 = arith.constant 0 : i32
      %dma_wait3A_415 = tpu.memref_slice %arg7[%add3A_406, %dma_wait3A_414] : memref<250x80xi32, #tpu.memory_space<vmem>> -> memref<1x80xi32, #tpu.memory_space<vmem>>
      %dma_wait3A_416 = tpu.memref_squeeze %dma_wait3A_415 : memref<1x80xi32, #tpu.memory_space<vmem>> -> memref<80xi32, #tpu.memory_space<vmem>>
      %dma_wait3A_417 = arith.constant 0 : i32
      %dma_wait3A_418 = arith.constant 0 : i32
      %dma_wait3A_419 = tpu.memref_slice %arg2[%arg0, %dma_wait3A_417, %dma_wait3A_418] : memref<2x10000x64xf32, #tpu.memory_space<hbm>> -> memref<1x10000x64xf32, #tpu.memory_space<hbm>>
      %dma_wait3A_420 = tpu.memref_squeeze %dma_wait3A_419 : memref<1x10000x64xf32, #tpu.memory_space<hbm>> -> memref<10000x64xf32, #tpu.memory_space<hbm>>
      %dma_wait3A_421 = arith.constant 0 : i32
      %dma_wait3A_422 = arith.constant 0 : i32
      %dma_wait3A_423 = tpu.memref_slice %dma_wait3A_420[%dma_wait3A_421, %dma_wait3A_422] : memref<10000x64xf32, #tpu.memory_space<hbm>> -> memref<10000x64xf32, #tpu.memory_space<hbm>>
      tpu.wait_indirect_dma semaphore(%arg26 : memref<!tpu.dma_semaphore, #tpu.memory_space<semaphore_mem>>) src(%dma_wait3A_423 : memref<10000x64xf32, #tpu.memory_space<hbm>>) dst(%arg14 : memref<80x64xf32, #tpu.memory_space<vmem>>)
      %dma_start3A_424 = arith.constant 0 : i32
      %dma_start3A_425 = tpu.memref_slice %arg8[%add3A_406, %dma_start3A_424] : memref<250x80xi32, #tpu.memory_space<vmem>> -> memref<1x80xi32, #tpu.memory_space<vmem>>
      %dma_start3A_426 = tpu.memref_squeeze %dma_start3A_425 : memref<1x80xi32, #tpu.memory_space<vmem>> -> memref<80xi32, #tpu.memory_space<vmem>>
      %dma_start3A_427 = arith.constant 0 : i32
      %dma_start3A_428 = arith.constant 0 : i32
      %dma_start3A_429 = tpu.memref_slice %arg19[%dma_start3A_427, %dma_start3A_428] : memref<10240x64xf32, #tpu.memory_space<vmem_shared>> -> memref<10240x64xf32, #tpu.memory_space<vmem_shared>>
      tpu.enqueue_indirect_dma source(%arg14 : memref<80x64xf32, #tpu.memory_space<vmem>>) target(%dma_start3A_429 : memref<10240x64xf32, #tpu.memory_space<vmem_shared>>) offsets(%dma_start3A_426 : memref<80xi32, #tpu.memory_space<vmem>>) semaphore(%arg34 : memref<!tpu.dma_semaphore, #tpu.memory_space<semaphore_mem>>) {add = true}
      %eq3A_430 = arith.constant 1 : i32
      %eq3A_431 = arith.cmpi eq, %arg0, %eq3A_430 : i32
      %convert_element_type3A_432 = arith.extui %eq3A_431 : i1 to i32
      %cond3A_433 = arith.constant 0 : i32
      %cond3A_434 = arith.cmpi ne, %convert_element_type3A_432, %cond3A_433 : i32
      scf.if %cond3A_434 {
        %ge3A = arith.constant 2 : i32
        %ge3A_500 = arith.cmpi sge, %add3A_406, %ge3A : i32
        %convert_element_type3A_501 = arith.extui %ge3A_500 : i1 to i32
        %cond3A_502 = arith.constant 0 : i32
        %cond3A_503 = arith.cmpi ne, %convert_element_type3A_501, %cond3A_502 : i32
        scf.if %cond3A_503 {
          %dma_wait3A_510 = arith.constant 0 : i32
          %dma_wait3A_511 = arith.constant 0 : i32
          %dma_wait3A_512 = tpu.memref_slice %arg8[%dma_wait3A_510, %dma_wait3A_511] : memref<250x80xi32, #tpu.memory_space<vmem>> -> memref<1x80xi32, #tpu.memory_space<vmem>>
          %dma_wait3A_513 = tpu.memref_squeeze %dma_wait3A_512 : memref<1x80xi32, #tpu.memory_space<vmem>> -> memref<80xi32, #tpu.memory_space<vmem>>
          %dma_wait3A_514 = arith.constant 0 : i32
          %dma_wait3A_515 = arith.constant 0 : i32
          %dma_wait3A_516 = tpu.memref_slice %arg20[%dma_wait3A_514, %dma_wait3A_515] : memref<10240x8xf32, #tpu.memory_space<vmem_shared>> -> memref<10240x8xf32, #tpu.memory_space<vmem_shared>>
          tpu.wait_indirect_dma semaphore(%arg37 : memref<!tpu.dma_semaphore, #tpu.memory_space<semaphore_mem>>) src(%arg17 : memref<80x8xf32, #tpu.memory_space<vmem>>) dst(%dma_wait3A_516 : memref<10240x8xf32, #tpu.memory_space<vmem_shared>>)
        } else {
        }
        %dma_start3A_504 = arith.constant 0 : i32
        %dma_start3A_505 = tpu.memref_slice %arg8[%add3A_406, %dma_start3A_504] : memref<250x80xi32, #tpu.memory_space<vmem>> -> memref<1x80xi32, #tpu.memory_space<vmem>>
        %dma_start3A_506 = tpu.memref_squeeze %dma_start3A_505 : memref<1x80xi32, #tpu.memory_space<vmem>> -> memref<80xi32, #tpu.memory_space<vmem>>
        %dma_start3A_507 = arith.constant 0 : i32
        %dma_start3A_508 = arith.constant 0 : i32
        %dma_start3A_509 = tpu.memref_slice %arg20[%dma_start3A_507, %dma_start3A_508] : memref<10240x8xf32, #tpu.memory_space<vmem_shared>> -> memref<10240x8xf32, #tpu.memory_space<vmem_shared>>
        tpu.enqueue_indirect_dma source(%arg17 : memref<80x8xf32, #tpu.memory_space<vmem>>) target(%dma_start3A_509 : memref<10240x8xf32, #tpu.memory_space<vmem_shared>>) offsets(%dma_start3A_506 : memref<80xi32, #tpu.memory_space<vmem>>) semaphore(%arg37 : memref<!tpu.dma_semaphore, #tpu.memory_space<semaphore_mem>>) {add = true}
      } else {
      }
      %mul3A_435 = arith.constant 8 : i32
      %mul3A_436 = arith.muli %mul3A_435, %scan3A_242 : i32
      %add3A_437 = arith.constant 6 : i32
      %add3A_438 = arith.addi %mul3A_436, %add3A_437 : i32
      %add3A_439 = arith.constant 4 : i32
      %add3A_440 = arith.addi %add3A_438, %add3A_439 : i32
      %lt3A_441 = arith.constant 250 : i32
      %lt3A_442 = arith.cmpi slt, %add3A_440, %lt3A_441 : i32
      %convert_element_type3A_443 = arith.extui %lt3A_442 : i1 to i32
      %cond3A_444 = arith.constant 0 : i32
      %cond3A_445 = arith.cmpi ne, %convert_element_type3A_443, %cond3A_444 : i32
      scf.if %cond3A_445 {
        %ge3A = arith.constant 4 : i32
        %ge3A_500 = arith.cmpi sge, %add3A_438, %ge3A : i32
        %convert_element_type3A_501 = arith.extui %ge3A_500 : i1 to i32
        %cond3A_502 = arith.constant 0 : i32
        %cond3A_503 = arith.cmpi ne, %convert_element_type3A_501, %cond3A_502 : i32
        scf.if %cond3A_503 {
          %dma_wait3A_514 = arith.constant 0 : i32
          %dma_wait3A_515 = arith.constant 0 : i32
          %dma_wait3A_516 = tpu.memref_slice %arg8[%dma_wait3A_514, %dma_wait3A_515] : memref<250x80xi32, #tpu.memory_space<vmem>> -> memref<1x80xi32, #tpu.memory_space<vmem>>
          %dma_wait3A_517 = tpu.memref_squeeze %dma_wait3A_516 : memref<1x80xi32, #tpu.memory_space<vmem>> -> memref<80xi32, #tpu.memory_space<vmem>>
          %dma_wait3A_518 = arith.constant 0 : i32
          %dma_wait3A_519 = arith.constant 0 : i32
          %dma_wait3A_520 = tpu.memref_slice %arg19[%dma_wait3A_518, %dma_wait3A_519] : memref<10240x64xf32, #tpu.memory_space<vmem_shared>> -> memref<10240x64xf32, #tpu.memory_space<vmem_shared>>
          tpu.wait_indirect_dma semaphore(%arg31 : memref<!tpu.dma_semaphore, #tpu.memory_space<semaphore_mem>>) src(%arg11 : memref<80x64xf32, #tpu.memory_space<vmem>>) dst(%dma_wait3A_520 : memref<10240x64xf32, #tpu.memory_space<vmem_shared>>)
        } else {
        }
        %dma_start3A_504 = arith.constant 0 : i32
        %dma_start3A_505 = tpu.memref_slice %arg7[%add3A_440, %dma_start3A_504] : memref<250x80xi32, #tpu.memory_space<vmem>> -> memref<1x80xi32, #tpu.memory_space<vmem>>
        %dma_start3A_506 = tpu.memref_squeeze %dma_start3A_505 : memref<1x80xi32, #tpu.memory_space<vmem>> -> memref<80xi32, #tpu.memory_space<vmem>>
        %dma_start3A_507 = arith.constant 0 : i32
        %dma_start3A_508 = arith.constant 0 : i32
        %dma_start3A_509 = tpu.memref_slice %arg2[%arg0, %dma_start3A_507, %dma_start3A_508] : memref<2x10000x64xf32, #tpu.memory_space<hbm>> -> memref<1x10000x64xf32, #tpu.memory_space<hbm>>
        %dma_start3A_510 = tpu.memref_squeeze %dma_start3A_509 : memref<1x10000x64xf32, #tpu.memory_space<hbm>> -> memref<10000x64xf32, #tpu.memory_space<hbm>>
        %dma_start3A_511 = arith.constant 0 : i32
        %dma_start3A_512 = arith.constant 0 : i32
        %dma_start3A_513 = tpu.memref_slice %dma_start3A_510[%dma_start3A_511, %dma_start3A_512] : memref<10000x64xf32, #tpu.memory_space<hbm>> -> memref<10000x64xf32, #tpu.memory_space<hbm>>
        tpu.enqueue_indirect_dma source(%dma_start3A_513 : memref<10000x64xf32, #tpu.memory_space<hbm>>) target(%arg11 : memref<80x64xf32, #tpu.memory_space<vmem>>) offsets(%dma_start3A_506 : memref<80xi32, #tpu.memory_space<vmem>>) semaphore(%arg23 : memref<!tpu.dma_semaphore, #tpu.memory_space<semaphore_mem>>)
      } else {
      }
      %dma_wait3A_446 = arith.constant 0 : i32
      %dma_wait3A_447 = tpu.memref_slice %arg7[%add3A_438, %dma_wait3A_446] : memref<250x80xi32, #tpu.memory_space<vmem>> -> memref<1x80xi32, #tpu.memory_space<vmem>>
      %dma_wait3A_448 = tpu.memref_squeeze %dma_wait3A_447 : memref<1x80xi32, #tpu.memory_space<vmem>> -> memref<80xi32, #tpu.memory_space<vmem>>
      %dma_wait3A_449 = arith.constant 0 : i32
      %dma_wait3A_450 = arith.constant 0 : i32
      %dma_wait3A_451 = tpu.memref_slice %arg2[%arg0, %dma_wait3A_449, %dma_wait3A_450] : memref<2x10000x64xf32, #tpu.memory_space<hbm>> -> memref<1x10000x64xf32, #tpu.memory_space<hbm>>
      %dma_wait3A_452 = tpu.memref_squeeze %dma_wait3A_451 : memref<1x10000x64xf32, #tpu.memory_space<hbm>> -> memref<10000x64xf32, #tpu.memory_space<hbm>>
      %dma_wait3A_453 = arith.constant 0 : i32
      %dma_wait3A_454 = arith.constant 0 : i32
      %dma_wait3A_455 = tpu.memref_slice %dma_wait3A_452[%dma_wait3A_453, %dma_wait3A_454] : memref<10000x64xf32, #tpu.memory_space<hbm>> -> memref<10000x64xf32, #tpu.memory_space<hbm>>
      tpu.wait_indirect_dma semaphore(%arg27 : memref<!tpu.dma_semaphore, #tpu.memory_space<semaphore_mem>>) src(%dma_wait3A_455 : memref<10000x64xf32, #tpu.memory_space<hbm>>) dst(%arg15 : memref<80x64xf32, #tpu.memory_space<vmem>>)
      %dma_start3A_456 = arith.constant 0 : i32
      %dma_start3A_457 = tpu.memref_slice %arg8[%add3A_438, %dma_start3A_456] : memref<250x80xi32, #tpu.memory_space<vmem>> -> memref<1x80xi32, #tpu.memory_space<vmem>>
      %dma_start3A_458 = tpu.memref_squeeze %dma_start3A_457 : memref<1x80xi32, #tpu.memory_space<vmem>> -> memref<80xi32, #tpu.memory_space<vmem>>
      %dma_start3A_459 = arith.constant 0 : i32
      %dma_start3A_460 = arith.constant 0 : i32
      %dma_start3A_461 = tpu.memref_slice %arg19[%dma_start3A_459, %dma_start3A_460] : memref<10240x64xf32, #tpu.memory_space<vmem_shared>> -> memref<10240x64xf32, #tpu.memory_space<vmem_shared>>
      tpu.enqueue_indirect_dma source(%arg15 : memref<80x64xf32, #tpu.memory_space<vmem>>) target(%dma_start3A_461 : memref<10240x64xf32, #tpu.memory_space<vmem_shared>>) offsets(%dma_start3A_458 : memref<80xi32, #tpu.memory_space<vmem>>) semaphore(%arg35 : memref<!tpu.dma_semaphore, #tpu.memory_space<semaphore_mem>>) {add = true}
      %eq3A_462 = arith.constant 0 : i32
      %eq3A_463 = arith.cmpi eq, %arg0, %eq3A_462 : i32
      %convert_element_type3A_464 = arith.extui %eq3A_463 : i1 to i32
      %cond3A_465 = arith.constant 0 : i32
      %cond3A_466 = arith.cmpi ne, %convert_element_type3A_464, %cond3A_465 : i32
      scf.if %cond3A_466 {
        %ge3A = arith.constant 2 : i32
        %ge3A_500 = arith.cmpi sge, %add3A_438, %ge3A : i32
        %convert_element_type3A_501 = arith.extui %ge3A_500 : i1 to i32
        %cond3A_502 = arith.constant 0 : i32
        %cond3A_503 = arith.cmpi ne, %convert_element_type3A_501, %cond3A_502 : i32
        scf.if %cond3A_503 {
          %dma_wait3A_510 = arith.constant 0 : i32
          %dma_wait3A_511 = arith.constant 0 : i32
          %dma_wait3A_512 = tpu.memref_slice %arg8[%dma_wait3A_510, %dma_wait3A_511] : memref<250x80xi32, #tpu.memory_space<vmem>> -> memref<1x80xi32, #tpu.memory_space<vmem>>
          %dma_wait3A_513 = tpu.memref_squeeze %dma_wait3A_512 : memref<1x80xi32, #tpu.memory_space<vmem>> -> memref<80xi32, #tpu.memory_space<vmem>>
          %dma_wait3A_514 = arith.constant 0 : i32
          %dma_wait3A_515 = arith.constant 0 : i32
          %dma_wait3A_516 = tpu.memref_slice %arg20[%dma_wait3A_514, %dma_wait3A_515] : memref<10240x8xf32, #tpu.memory_space<vmem_shared>> -> memref<10240x8xf32, #tpu.memory_space<vmem_shared>>
          tpu.wait_indirect_dma semaphore(%arg37 : memref<!tpu.dma_semaphore, #tpu.memory_space<semaphore_mem>>) src(%arg17 : memref<80x8xf32, #tpu.memory_space<vmem>>) dst(%dma_wait3A_516 : memref<10240x8xf32, #tpu.memory_space<vmem_shared>>)
        } else {
        }
        %dma_start3A_504 = arith.constant 0 : i32
        %dma_start3A_505 = tpu.memref_slice %arg8[%add3A_438, %dma_start3A_504] : memref<250x80xi32, #tpu.memory_space<vmem>> -> memref<1x80xi32, #tpu.memory_space<vmem>>
        %dma_start3A_506 = tpu.memref_squeeze %dma_start3A_505 : memref<1x80xi32, #tpu.memory_space<vmem>> -> memref<80xi32, #tpu.memory_space<vmem>>
        %dma_start3A_507 = arith.constant 0 : i32
        %dma_start3A_508 = arith.constant 0 : i32
        %dma_start3A_509 = tpu.memref_slice %arg20[%dma_start3A_507, %dma_start3A_508] : memref<10240x8xf32, #tpu.memory_space<vmem_shared>> -> memref<10240x8xf32, #tpu.memory_space<vmem_shared>>
        tpu.enqueue_indirect_dma source(%arg17 : memref<80x8xf32, #tpu.memory_space<vmem>>) target(%dma_start3A_509 : memref<10240x8xf32, #tpu.memory_space<vmem_shared>>) offsets(%dma_start3A_506 : memref<80xi32, #tpu.memory_space<vmem>>) semaphore(%arg37 : memref<!tpu.dma_semaphore, #tpu.memory_space<semaphore_mem>>) {add = true}
      } else {
      }
      %mul3A_467 = arith.constant 8 : i32
      %mul3A_468 = arith.muli %mul3A_467, %scan3A_242 : i32
      %add3A_469 = arith.constant 7 : i32
      %add3A_470 = arith.addi %mul3A_468, %add3A_469 : i32
      %add3A_471 = arith.constant 4 : i32
      %add3A_472 = arith.addi %add3A_470, %add3A_471 : i32
      %lt3A_473 = arith.constant 250 : i32
      %lt3A_474 = arith.cmpi slt, %add3A_472, %lt3A_473 : i32
      %convert_element_type3A_475 = arith.extui %lt3A_474 : i1 to i32
      %cond3A_476 = arith.constant 0 : i32
      %cond3A_477 = arith.cmpi ne, %convert_element_type3A_475, %cond3A_476 : i32
      scf.if %cond3A_477 {
        %ge3A = arith.constant 4 : i32
        %ge3A_500 = arith.cmpi sge, %add3A_470, %ge3A : i32
        %convert_element_type3A_501 = arith.extui %ge3A_500 : i1 to i32
        %cond3A_502 = arith.constant 0 : i32
        %cond3A_503 = arith.cmpi ne, %convert_element_type3A_501, %cond3A_502 : i32
        scf.if %cond3A_503 {
          %dma_wait3A_514 = arith.constant 0 : i32
          %dma_wait3A_515 = arith.constant 0 : i32
          %dma_wait3A_516 = tpu.memref_slice %arg8[%dma_wait3A_514, %dma_wait3A_515] : memref<250x80xi32, #tpu.memory_space<vmem>> -> memref<1x80xi32, #tpu.memory_space<vmem>>
          %dma_wait3A_517 = tpu.memref_squeeze %dma_wait3A_516 : memref<1x80xi32, #tpu.memory_space<vmem>> -> memref<80xi32, #tpu.memory_space<vmem>>
          %dma_wait3A_518 = arith.constant 0 : i32
          %dma_wait3A_519 = arith.constant 0 : i32
          %dma_wait3A_520 = tpu.memref_slice %arg19[%dma_wait3A_518, %dma_wait3A_519] : memref<10240x64xf32, #tpu.memory_space<vmem_shared>> -> memref<10240x64xf32, #tpu.memory_space<vmem_shared>>
          tpu.wait_indirect_dma semaphore(%arg32 : memref<!tpu.dma_semaphore, #tpu.memory_space<semaphore_mem>>) src(%arg12 : memref<80x64xf32, #tpu.memory_space<vmem>>) dst(%dma_wait3A_520 : memref<10240x64xf32, #tpu.memory_space<vmem_shared>>)
        } else {
        }
        %dma_start3A_504 = arith.constant 0 : i32
        %dma_start3A_505 = tpu.memref_slice %arg7[%add3A_472, %dma_start3A_504] : memref<250x80xi32, #tpu.memory_space<vmem>> -> memref<1x80xi32, #tpu.memory_space<vmem>>
        %dma_start3A_506 = tpu.memref_squeeze %dma_start3A_505 : memref<1x80xi32, #tpu.memory_space<vmem>> -> memref<80xi32, #tpu.memory_space<vmem>>
        %dma_start3A_507 = arith.constant 0 : i32
        %dma_start3A_508 = arith.constant 0 : i32
        %dma_start3A_509 = tpu.memref_slice %arg2[%arg0, %dma_start3A_507, %dma_start3A_508] : memref<2x10000x64xf32, #tpu.memory_space<hbm>> -> memref<1x10000x64xf32, #tpu.memory_space<hbm>>
        %dma_start3A_510 = tpu.memref_squeeze %dma_start3A_509 : memref<1x10000x64xf32, #tpu.memory_space<hbm>> -> memref<10000x64xf32, #tpu.memory_space<hbm>>
        %dma_start3A_511 = arith.constant 0 : i32
        %dma_start3A_512 = arith.constant 0 : i32
        %dma_start3A_513 = tpu.memref_slice %dma_start3A_510[%dma_start3A_511, %dma_start3A_512] : memref<10000x64xf32, #tpu.memory_space<hbm>> -> memref<10000x64xf32, #tpu.memory_space<hbm>>
        tpu.enqueue_indirect_dma source(%dma_start3A_513 : memref<10000x64xf32, #tpu.memory_space<hbm>>) target(%arg12 : memref<80x64xf32, #tpu.memory_space<vmem>>) offsets(%dma_start3A_506 : memref<80xi32, #tpu.memory_space<vmem>>) semaphore(%arg24 : memref<!tpu.dma_semaphore, #tpu.memory_space<semaphore_mem>>)
      } else {
      }
      %dma_wait3A_478 = arith.constant 0 : i32
      %dma_wait3A_479 = tpu.memref_slice %arg7[%add3A_470, %dma_wait3A_478] : memref<250x80xi32, #tpu.memory_space<vmem>> -> memref<1x80xi32, #tpu.memory_space<vmem>>
      %dma_wait3A_480 = tpu.memref_squeeze %dma_wait3A_479 : memref<1x80xi32, #tpu.memory_space<vmem>> -> memref<80xi32, #tpu.memory_space<vmem>>
      %dma_wait3A_481 = arith.constant 0 : i32
      %dma_wait3A_482 = arith.constant 0 : i32
      %dma_wait3A_483 = tpu.memref_slice %arg2[%arg0, %dma_wait3A_481, %dma_wait3A_482] : memref<2x10000x64xf32, #tpu.memory_space<hbm>> -> memref<1x10000x64xf32, #tpu.memory_space<hbm>>
      %dma_wait3A_484 = tpu.memref_squeeze %dma_wait3A_483 : memref<1x10000x64xf32, #tpu.memory_space<hbm>> -> memref<10000x64xf32, #tpu.memory_space<hbm>>
      %dma_wait3A_485 = arith.constant 0 : i32
      %dma_wait3A_486 = arith.constant 0 : i32
      %dma_wait3A_487 = tpu.memref_slice %dma_wait3A_484[%dma_wait3A_485, %dma_wait3A_486] : memref<10000x64xf32, #tpu.memory_space<hbm>> -> memref<10000x64xf32, #tpu.memory_space<hbm>>
      tpu.wait_indirect_dma semaphore(%arg28 : memref<!tpu.dma_semaphore, #tpu.memory_space<semaphore_mem>>) src(%dma_wait3A_487 : memref<10000x64xf32, #tpu.memory_space<hbm>>) dst(%arg16 : memref<80x64xf32, #tpu.memory_space<vmem>>)
      %dma_start3A_488 = arith.constant 0 : i32
      %dma_start3A_489 = tpu.memref_slice %arg8[%add3A_470, %dma_start3A_488] : memref<250x80xi32, #tpu.memory_space<vmem>> -> memref<1x80xi32, #tpu.memory_space<vmem>>
      %dma_start3A_490 = tpu.memref_squeeze %dma_start3A_489 : memref<1x80xi32, #tpu.memory_space<vmem>> -> memref<80xi32, #tpu.memory_space<vmem>>
      %dma_start3A_491 = arith.constant 0 : i32
      %dma_start3A_492 = arith.constant 0 : i32
      %dma_start3A_493 = tpu.memref_slice %arg19[%dma_start3A_491, %dma_start3A_492] : memref<10240x64xf32, #tpu.memory_space<vmem_shared>> -> memref<10240x64xf32, #tpu.memory_space<vmem_shared>>
      tpu.enqueue_indirect_dma source(%arg16 : memref<80x64xf32, #tpu.memory_space<vmem>>) target(%dma_start3A_493 : memref<10240x64xf32, #tpu.memory_space<vmem_shared>>) offsets(%dma_start3A_490 : memref<80xi32, #tpu.memory_space<vmem>>) semaphore(%arg36 : memref<!tpu.dma_semaphore, #tpu.memory_space<semaphore_mem>>) {add = true}
      %eq3A_494 = arith.constant 1 : i32
      %eq3A_495 = arith.cmpi eq, %arg0, %eq3A_494 : i32
      %convert_element_type3A_496 = arith.extui %eq3A_495 : i1 to i32
      %cond3A_497 = arith.constant 0 : i32
      %cond3A_498 = arith.cmpi ne, %convert_element_type3A_496, %cond3A_497 : i32
      scf.if %cond3A_498 {
        %ge3A = arith.constant 2 : i32
        %ge3A_500 = arith.cmpi sge, %add3A_470, %ge3A : i32
        %convert_element_type3A_501 = arith.extui %ge3A_500 : i1 to i32
        %cond3A_502 = arith.constant 0 : i32
        %cond3A_503 = arith.cmpi ne, %convert_element_type3A_501, %cond3A_502 : i32
        scf.if %cond3A_503 {
          %dma_wait3A_510 = arith.constant 0 : i32
          %dma_wait3A_511 = arith.constant 0 : i32
          %dma_wait3A_512 = tpu.memref_slice %arg8[%dma_wait3A_510, %dma_wait3A_511] : memref<250x80xi32, #tpu.memory_space<vmem>> -> memref<1x80xi32, #tpu.memory_space<vmem>>
          %dma_wait3A_513 = tpu.memref_squeeze %dma_wait3A_512 : memref<1x80xi32, #tpu.memory_space<vmem>> -> memref<80xi32, #tpu.memory_space<vmem>>
          %dma_wait3A_514 = arith.constant 0 : i32
          %dma_wait3A_515 = arith.constant 0 : i32
          %dma_wait3A_516 = tpu.memref_slice %arg20[%dma_wait3A_514, %dma_wait3A_515] : memref<10240x8xf32, #tpu.memory_space<vmem_shared>> -> memref<10240x8xf32, #tpu.memory_space<vmem_shared>>
          tpu.wait_indirect_dma semaphore(%arg37 : memref<!tpu.dma_semaphore, #tpu.memory_space<semaphore_mem>>) src(%arg17 : memref<80x8xf32, #tpu.memory_space<vmem>>) dst(%dma_wait3A_516 : memref<10240x8xf32, #tpu.memory_space<vmem_shared>>)
        } else {
        }
        %dma_start3A_504 = arith.constant 0 : i32
        %dma_start3A_505 = tpu.memref_slice %arg8[%add3A_470, %dma_start3A_504] : memref<250x80xi32, #tpu.memory_space<vmem>> -> memref<1x80xi32, #tpu.memory_space<vmem>>
        %dma_start3A_506 = tpu.memref_squeeze %dma_start3A_505 : memref<1x80xi32, #tpu.memory_space<vmem>> -> memref<80xi32, #tpu.memory_space<vmem>>
        %dma_start3A_507 = arith.constant 0 : i32
        %dma_start3A_508 = arith.constant 0 : i32
        %dma_start3A_509 = tpu.memref_slice %arg20[%dma_start3A_507, %dma_start3A_508] : memref<10240x8xf32, #tpu.memory_space<vmem_shared>> -> memref<10240x8xf32, #tpu.memory_space<vmem_shared>>
        tpu.enqueue_indirect_dma source(%arg17 : memref<80x8xf32, #tpu.memory_space<vmem>>) target(%dma_start3A_509 : memref<10240x8xf32, #tpu.memory_space<vmem_shared>>) offsets(%dma_start3A_506 : memref<80xi32, #tpu.memory_space<vmem>>) semaphore(%arg37 : memref<!tpu.dma_semaphore, #tpu.memory_space<semaphore_mem>>) {add = true}
      } else {
      }
      %scan3A_499 = arith.constant 0 : i32
      scf.yield %scan3A_499 : i32
    }
    %scan3A_127 = arith.constant 31 : i32
    %dma_wait3A = arith.constant 248 : i32
    %dma_wait3A_128 = arith.constant 0 : i32
    %dma_wait3A_129 = tpu.memref_slice %arg7[%dma_wait3A, %dma_wait3A_128] : memref<250x80xi32, #tpu.memory_space<vmem>> -> memref<1x80xi32, #tpu.memory_space<vmem>>
    %dma_wait3A_130 = tpu.memref_squeeze %dma_wait3A_129 : memref<1x80xi32, #tpu.memory_space<vmem>> -> memref<80xi32, #tpu.memory_space<vmem>>
    %dma_wait3A_131 = arith.constant 0 : i32
    %dma_wait3A_132 = arith.constant 0 : i32
    %dma_wait3A_133 = tpu.memref_slice %arg2[%arg0, %dma_wait3A_131, %dma_wait3A_132] : memref<2x10000x64xf32, #tpu.memory_space<hbm>> -> memref<1x10000x64xf32, #tpu.memory_space<hbm>>
    %dma_wait3A_134 = tpu.memref_squeeze %dma_wait3A_133 : memref<1x10000x64xf32, #tpu.memory_space<hbm>> -> memref<10000x64xf32, #tpu.memory_space<hbm>>
    %dma_wait3A_135 = arith.constant 0 : i32
    %dma_wait3A_136 = arith.constant 0 : i32
    %dma_wait3A_137 = tpu.memref_slice %dma_wait3A_134[%dma_wait3A_135, %dma_wait3A_136] : memref<10000x64xf32, #tpu.memory_space<hbm>> -> memref<10000x64xf32, #tpu.memory_space<hbm>>
    tpu.wait_indirect_dma semaphore(%arg21 : memref<!tpu.dma_semaphore, #tpu.memory_space<semaphore_mem>>) src(%dma_wait3A_137 : memref<10000x64xf32, #tpu.memory_space<hbm>>) dst(%arg9 : memref<80x64xf32, #tpu.memory_space<vmem>>)
    %dma_start3A_138 = arith.constant 248 : i32
    %dma_start3A_139 = arith.constant 0 : i32
    %dma_start3A_140 = tpu.memref_slice %arg8[%dma_start3A_138, %dma_start3A_139] : memref<250x80xi32, #tpu.memory_space<vmem>> -> memref<1x80xi32, #tpu.memory_space<vmem>>
    %dma_start3A_141 = tpu.memref_squeeze %dma_start3A_140 : memref<1x80xi32, #tpu.memory_space<vmem>> -> memref<80xi32, #tpu.memory_space<vmem>>
    %dma_start3A_142 = arith.constant 0 : i32
    %dma_start3A_143 = arith.constant 0 : i32
    %dma_start3A_144 = tpu.memref_slice %arg19[%dma_start3A_142, %dma_start3A_143] : memref<10240x64xf32, #tpu.memory_space<vmem_shared>> -> memref<10240x64xf32, #tpu.memory_space<vmem_shared>>
    tpu.enqueue_indirect_dma source(%arg9 : memref<80x64xf32, #tpu.memory_space<vmem>>) target(%dma_start3A_144 : memref<10240x64xf32, #tpu.memory_space<vmem_shared>>) offsets(%dma_start3A_141 : memref<80xi32, #tpu.memory_space<vmem>>) semaphore(%arg29 : memref<!tpu.dma_semaphore, #tpu.memory_space<semaphore_mem>>) {add = true}
    %eq3A = arith.constant 0 : i32
    %eq3A_145 = arith.cmpi eq, %arg0, %eq3A : i32
    %convert_element_type3A = arith.extui %eq3A_145 : i1 to i32
    %cond3A = arith.constant 0 : i32
    %cond3A_146 = arith.cmpi ne, %convert_element_type3A, %cond3A : i32
    scf.if %cond3A_146 {
      %dma_wait3A_242 = arith.constant 0 : i32
      %dma_wait3A_243 = arith.constant 0 : i32
      %dma_wait3A_244 = tpu.memref_slice %arg8[%dma_wait3A_242, %dma_wait3A_243] : memref<250x80xi32, #tpu.memory_space<vmem>> -> memref<1x80xi32, #tpu.memory_space<vmem>>
      %dma_wait3A_245 = tpu.memref_squeeze %dma_wait3A_244 : memref<1x80xi32, #tpu.memory_space<vmem>> -> memref<80xi32, #tpu.memory_space<vmem>>
      %dma_wait3A_246 = arith.constant 0 : i32
      %dma_wait3A_247 = arith.constant 0 : i32
      %dma_wait3A_248 = tpu.memref_slice %arg20[%dma_wait3A_246, %dma_wait3A_247] : memref<10240x8xf32, #tpu.memory_space<vmem_shared>> -> memref<10240x8xf32, #tpu.memory_space<vmem_shared>>
      tpu.wait_indirect_dma semaphore(%arg37 : memref<!tpu.dma_semaphore, #tpu.memory_space<semaphore_mem>>) src(%arg17 : memref<80x8xf32, #tpu.memory_space<vmem>>) dst(%dma_wait3A_248 : memref<10240x8xf32, #tpu.memory_space<vmem_shared>>)
      %dma_start3A_249 = arith.constant 248 : i32
      %dma_start3A_250 = arith.constant 0 : i32
      %dma_start3A_251 = tpu.memref_slice %arg8[%dma_start3A_249, %dma_start3A_250] : memref<250x80xi32, #tpu.memory_space<vmem>> -> memref<1x80xi32, #tpu.memory_space<vmem>>
      %dma_start3A_252 = tpu.memref_squeeze %dma_start3A_251 : memref<1x80xi32, #tpu.memory_space<vmem>> -> memref<80xi32, #tpu.memory_space<vmem>>
      %dma_start3A_253 = arith.constant 0 : i32
      %dma_start3A_254 = arith.constant 0 : i32
      %dma_start3A_255 = tpu.memref_slice %arg20[%dma_start3A_253, %dma_start3A_254] : memref<10240x8xf32, #tpu.memory_space<vmem_shared>> -> memref<10240x8xf32, #tpu.memory_space<vmem_shared>>
      tpu.enqueue_indirect_dma source(%arg17 : memref<80x8xf32, #tpu.memory_space<vmem>>) target(%dma_start3A_255 : memref<10240x8xf32, #tpu.memory_space<vmem_shared>>) offsets(%dma_start3A_252 : memref<80xi32, #tpu.memory_space<vmem>>) semaphore(%arg37 : memref<!tpu.dma_semaphore, #tpu.memory_space<semaphore_mem>>) {add = true}
    } else {
    }
    %dma_wait3A_147 = arith.constant 249 : i32
    %dma_wait3A_148 = arith.constant 0 : i32
    %dma_wait3A_149 = tpu.memref_slice %arg7[%dma_wait3A_147, %dma_wait3A_148] : memref<250x80xi32, #tpu.memory_space<vmem>> -> memref<1x80xi32, #tpu.memory_space<vmem>>
    %dma_wait3A_150 = tpu.memref_squeeze %dma_wait3A_149 : memref<1x80xi32, #tpu.memory_space<vmem>> -> memref<80xi32, #tpu.memory_space<vmem>>
    %dma_wait3A_151 = arith.constant 0 : i32
    %dma_wait3A_152 = arith.constant 0 : i32
    %dma_wait3A_153 = tpu.memref_slice %arg2[%arg0, %dma_wait3A_151, %dma_wait3A_152] : memref<2x10000x64xf32, #tpu.memory_space<hbm>> -> memref<1x10000x64xf32, #tpu.memory_space<hbm>>
    %dma_wait3A_154 = tpu.memref_squeeze %dma_wait3A_153 : memref<1x10000x64xf32, #tpu.memory_space<hbm>> -> memref<10000x64xf32, #tpu.memory_space<hbm>>
    %dma_wait3A_155 = arith.constant 0 : i32
    %dma_wait3A_156 = arith.constant 0 : i32
    %dma_wait3A_157 = tpu.memref_slice %dma_wait3A_154[%dma_wait3A_155, %dma_wait3A_156] : memref<10000x64xf32, #tpu.memory_space<hbm>> -> memref<10000x64xf32, #tpu.memory_space<hbm>>
    tpu.wait_indirect_dma semaphore(%arg22 : memref<!tpu.dma_semaphore, #tpu.memory_space<semaphore_mem>>) src(%dma_wait3A_157 : memref<10000x64xf32, #tpu.memory_space<hbm>>) dst(%arg10 : memref<80x64xf32, #tpu.memory_space<vmem>>)
    %dma_start3A_158 = arith.constant 249 : i32
    %dma_start3A_159 = arith.constant 0 : i32
    %dma_start3A_160 = tpu.memref_slice %arg8[%dma_start3A_158, %dma_start3A_159] : memref<250x80xi32, #tpu.memory_space<vmem>> -> memref<1x80xi32, #tpu.memory_space<vmem>>
    %dma_start3A_161 = tpu.memref_squeeze %dma_start3A_160 : memref<1x80xi32, #tpu.memory_space<vmem>> -> memref<80xi32, #tpu.memory_space<vmem>>
    %dma_start3A_162 = arith.constant 0 : i32
    %dma_start3A_163 = arith.constant 0 : i32
    %dma_start3A_164 = tpu.memref_slice %arg19[%dma_start3A_162, %dma_start3A_163] : memref<10240x64xf32, #tpu.memory_space<vmem_shared>> -> memref<10240x64xf32, #tpu.memory_space<vmem_shared>>
    tpu.enqueue_indirect_dma source(%arg10 : memref<80x64xf32, #tpu.memory_space<vmem>>) target(%dma_start3A_164 : memref<10240x64xf32, #tpu.memory_space<vmem_shared>>) offsets(%dma_start3A_161 : memref<80xi32, #tpu.memory_space<vmem>>) semaphore(%arg30 : memref<!tpu.dma_semaphore, #tpu.memory_space<semaphore_mem>>) {add = true}
    %eq3A_165 = arith.constant 1 : i32
    %eq3A_166 = arith.cmpi eq, %arg0, %eq3A_165 : i32
    %convert_element_type3A_167 = arith.extui %eq3A_166 : i1 to i32
    %cond3A_168 = arith.constant 0 : i32
    %cond3A_169 = arith.cmpi ne, %convert_element_type3A_167, %cond3A_168 : i32
    scf.if %cond3A_169 {
      %dma_wait3A_242 = arith.constant 0 : i32
      %dma_wait3A_243 = arith.constant 0 : i32
      %dma_wait3A_244 = tpu.memref_slice %arg8[%dma_wait3A_242, %dma_wait3A_243] : memref<250x80xi32, #tpu.memory_space<vmem>> -> memref<1x80xi32, #tpu.memory_space<vmem>>
      %dma_wait3A_245 = tpu.memref_squeeze %dma_wait3A_244 : memref<1x80xi32, #tpu.memory_space<vmem>> -> memref<80xi32, #tpu.memory_space<vmem>>
      %dma_wait3A_246 = arith.constant 0 : i32
      %dma_wait3A_247 = arith.constant 0 : i32
      %dma_wait3A_248 = tpu.memref_slice %arg20[%dma_wait3A_246, %dma_wait3A_247] : memref<10240x8xf32, #tpu.memory_space<vmem_shared>> -> memref<10240x8xf32, #tpu.memory_space<vmem_shared>>
      tpu.wait_indirect_dma semaphore(%arg37 : memref<!tpu.dma_semaphore, #tpu.memory_space<semaphore_mem>>) src(%arg17 : memref<80x8xf32, #tpu.memory_space<vmem>>) dst(%dma_wait3A_248 : memref<10240x8xf32, #tpu.memory_space<vmem_shared>>)
      %dma_start3A_249 = arith.constant 249 : i32
      %dma_start3A_250 = arith.constant 0 : i32
      %dma_start3A_251 = tpu.memref_slice %arg8[%dma_start3A_249, %dma_start3A_250] : memref<250x80xi32, #tpu.memory_space<vmem>> -> memref<1x80xi32, #tpu.memory_space<vmem>>
      %dma_start3A_252 = tpu.memref_squeeze %dma_start3A_251 : memref<1x80xi32, #tpu.memory_space<vmem>> -> memref<80xi32, #tpu.memory_space<vmem>>
      %dma_start3A_253 = arith.constant 0 : i32
      %dma_start3A_254 = arith.constant 0 : i32
      %dma_start3A_255 = tpu.memref_slice %arg20[%dma_start3A_253, %dma_start3A_254] : memref<10240x8xf32, #tpu.memory_space<vmem_shared>> -> memref<10240x8xf32, #tpu.memory_space<vmem_shared>>
      tpu.enqueue_indirect_dma source(%arg17 : memref<80x8xf32, #tpu.memory_space<vmem>>) target(%dma_start3A_255 : memref<10240x8xf32, #tpu.memory_space<vmem_shared>>) offsets(%dma_start3A_252 : memref<80xi32, #tpu.memory_space<vmem>>) semaphore(%arg37 : memref<!tpu.dma_semaphore, #tpu.memory_space<semaphore_mem>>) {add = true}
    } else {
    }
    %dma_wait3A_170 = arith.constant 0 : i32
    %dma_wait3A_171 = arith.constant 0 : i32
    %dma_wait3A_172 = tpu.memref_slice %arg8[%dma_wait3A_170, %dma_wait3A_171] : memref<250x80xi32, #tpu.memory_space<vmem>> -> memref<1x80xi32, #tpu.memory_space<vmem>>
    %dma_wait3A_173 = tpu.memref_squeeze %dma_wait3A_172 : memref<1x80xi32, #tpu.memory_space<vmem>> -> memref<80xi32, #tpu.memory_space<vmem>>
    %dma_wait3A_174 = arith.constant 0 : i32
    %dma_wait3A_175 = arith.constant 0 : i32
    %dma_wait3A_176 = tpu.memref_slice %arg19[%dma_wait3A_174, %dma_wait3A_175] : memref<10240x64xf32, #tpu.memory_space<vmem_shared>> -> memref<10240x64xf32, #tpu.memory_space<vmem_shared>>
    tpu.wait_indirect_dma semaphore(%arg29 : memref<!tpu.dma_semaphore, #tpu.memory_space<semaphore_mem>>) src(%arg9 : memref<80x64xf32, #tpu.memory_space<vmem>>) dst(%dma_wait3A_176 : memref<10240x64xf32, #tpu.memory_space<vmem_shared>>)
    %dma_wait3A_177 = arith.constant 0 : i32
    %dma_wait3A_178 = arith.constant 0 : i32
    %dma_wait3A_179 = tpu.memref_slice %arg8[%dma_wait3A_177, %dma_wait3A_178] : memref<250x80xi32, #tpu.memory_space<vmem>> -> memref<1x80xi32, #tpu.memory_space<vmem>>
    %dma_wait3A_180 = tpu.memref_squeeze %dma_wait3A_179 : memref<1x80xi32, #tpu.memory_space<vmem>> -> memref<80xi32, #tpu.memory_space<vmem>>
    %dma_wait3A_181 = arith.constant 0 : i32
    %dma_wait3A_182 = arith.constant 0 : i32
    %dma_wait3A_183 = tpu.memref_slice %arg19[%dma_wait3A_181, %dma_wait3A_182] : memref<10240x64xf32, #tpu.memory_space<vmem_shared>> -> memref<10240x64xf32, #tpu.memory_space<vmem_shared>>
    tpu.wait_indirect_dma semaphore(%arg30 : memref<!tpu.dma_semaphore, #tpu.memory_space<semaphore_mem>>) src(%arg10 : memref<80x64xf32, #tpu.memory_space<vmem>>) dst(%dma_wait3A_183 : memref<10240x64xf32, #tpu.memory_space<vmem_shared>>)
    %dma_wait3A_184 = arith.constant 0 : i32
    %dma_wait3A_185 = arith.constant 0 : i32
    %dma_wait3A_186 = tpu.memref_slice %arg8[%dma_wait3A_184, %dma_wait3A_185] : memref<250x80xi32, #tpu.memory_space<vmem>> -> memref<1x80xi32, #tpu.memory_space<vmem>>
    %dma_wait3A_187 = tpu.memref_squeeze %dma_wait3A_186 : memref<1x80xi32, #tpu.memory_space<vmem>> -> memref<80xi32, #tpu.memory_space<vmem>>
    %dma_wait3A_188 = arith.constant 0 : i32
    %dma_wait3A_189 = arith.constant 0 : i32
    %dma_wait3A_190 = tpu.memref_slice %arg19[%dma_wait3A_188, %dma_wait3A_189] : memref<10240x64xf32, #tpu.memory_space<vmem_shared>> -> memref<10240x64xf32, #tpu.memory_space<vmem_shared>>
    tpu.wait_indirect_dma semaphore(%arg31 : memref<!tpu.dma_semaphore, #tpu.memory_space<semaphore_mem>>) src(%arg11 : memref<80x64xf32, #tpu.memory_space<vmem>>) dst(%dma_wait3A_190 : memref<10240x64xf32, #tpu.memory_space<vmem_shared>>)
    %dma_wait3A_191 = arith.constant 0 : i32
    %dma_wait3A_192 = arith.constant 0 : i32
    %dma_wait3A_193 = tpu.memref_slice %arg8[%dma_wait3A_191, %dma_wait3A_192] : memref<250x80xi32, #tpu.memory_space<vmem>> -> memref<1x80xi32, #tpu.memory_space<vmem>>
    %dma_wait3A_194 = tpu.memref_squeeze %dma_wait3A_193 : memref<1x80xi32, #tpu.memory_space<vmem>> -> memref<80xi32, #tpu.memory_space<vmem>>
    %dma_wait3A_195 = arith.constant 0 : i32
    %dma_wait3A_196 = arith.constant 0 : i32
    %dma_wait3A_197 = tpu.memref_slice %arg19[%dma_wait3A_195, %dma_wait3A_196] : memref<10240x64xf32, #tpu.memory_space<vmem_shared>> -> memref<10240x64xf32, #tpu.memory_space<vmem_shared>>
    tpu.wait_indirect_dma semaphore(%arg32 : memref<!tpu.dma_semaphore, #tpu.memory_space<semaphore_mem>>) src(%arg12 : memref<80x64xf32, #tpu.memory_space<vmem>>) dst(%dma_wait3A_197 : memref<10240x64xf32, #tpu.memory_space<vmem_shared>>)
    %dma_wait3A_198 = arith.constant 0 : i32
    %dma_wait3A_199 = arith.constant 0 : i32
    %dma_wait3A_200 = tpu.memref_slice %arg8[%dma_wait3A_198, %dma_wait3A_199] : memref<250x80xi32, #tpu.memory_space<vmem>> -> memref<1x80xi32, #tpu.memory_space<vmem>>
    %dma_wait3A_201 = tpu.memref_squeeze %dma_wait3A_200 : memref<1x80xi32, #tpu.memory_space<vmem>> -> memref<80xi32, #tpu.memory_space<vmem>>
    %dma_wait3A_202 = arith.constant 0 : i32
    %dma_wait3A_203 = arith.constant 0 : i32
    %dma_wait3A_204 = tpu.memref_slice %arg19[%dma_wait3A_202, %dma_wait3A_203] : memref<10240x64xf32, #tpu.memory_space<vmem_shared>> -> memref<10240x64xf32, #tpu.memory_space<vmem_shared>>
    tpu.wait_indirect_dma semaphore(%arg33 : memref<!tpu.dma_semaphore, #tpu.memory_space<semaphore_mem>>) src(%arg13 : memref<80x64xf32, #tpu.memory_space<vmem>>) dst(%dma_wait3A_204 : memref<10240x64xf32, #tpu.memory_space<vmem_shared>>)
    %dma_wait3A_205 = arith.constant 0 : i32
    %dma_wait3A_206 = arith.constant 0 : i32
    %dma_wait3A_207 = tpu.memref_slice %arg8[%dma_wait3A_205, %dma_wait3A_206] : memref<250x80xi32, #tpu.memory_space<vmem>> -> memref<1x80xi32, #tpu.memory_space<vmem>>
    %dma_wait3A_208 = tpu.memref_squeeze %dma_wait3A_207 : memref<1x80xi32, #tpu.memory_space<vmem>> -> memref<80xi32, #tpu.memory_space<vmem>>
    %dma_wait3A_209 = arith.constant 0 : i32
    %dma_wait3A_210 = arith.constant 0 : i32
    %dma_wait3A_211 = tpu.memref_slice %arg19[%dma_wait3A_209, %dma_wait3A_210] : memref<10240x64xf32, #tpu.memory_space<vmem_shared>> -> memref<10240x64xf32, #tpu.memory_space<vmem_shared>>
    tpu.wait_indirect_dma semaphore(%arg34 : memref<!tpu.dma_semaphore, #tpu.memory_space<semaphore_mem>>) src(%arg14 : memref<80x64xf32, #tpu.memory_space<vmem>>) dst(%dma_wait3A_211 : memref<10240x64xf32, #tpu.memory_space<vmem_shared>>)
    %dma_wait3A_212 = arith.constant 0 : i32
    %dma_wait3A_213 = arith.constant 0 : i32
    %dma_wait3A_214 = tpu.memref_slice %arg8[%dma_wait3A_212, %dma_wait3A_213] : memref<250x80xi32, #tpu.memory_space<vmem>> -> memref<1x80xi32, #tpu.memory_space<vmem>>
    %dma_wait3A_215 = tpu.memref_squeeze %dma_wait3A_214 : memref<1x80xi32, #tpu.memory_space<vmem>> -> memref<80xi32, #tpu.memory_space<vmem>>
    %dma_wait3A_216 = arith.constant 0 : i32
    %dma_wait3A_217 = arith.constant 0 : i32
    %dma_wait3A_218 = tpu.memref_slice %arg19[%dma_wait3A_216, %dma_wait3A_217] : memref<10240x64xf32, #tpu.memory_space<vmem_shared>> -> memref<10240x64xf32, #tpu.memory_space<vmem_shared>>
    tpu.wait_indirect_dma semaphore(%arg35 : memref<!tpu.dma_semaphore, #tpu.memory_space<semaphore_mem>>) src(%arg15 : memref<80x64xf32, #tpu.memory_space<vmem>>) dst(%dma_wait3A_218 : memref<10240x64xf32, #tpu.memory_space<vmem_shared>>)
    %dma_wait3A_219 = arith.constant 0 : i32
    %dma_wait3A_220 = arith.constant 0 : i32
    %dma_wait3A_221 = tpu.memref_slice %arg8[%dma_wait3A_219, %dma_wait3A_220] : memref<250x80xi32, #tpu.memory_space<vmem>> -> memref<1x80xi32, #tpu.memory_space<vmem>>
    %dma_wait3A_222 = tpu.memref_squeeze %dma_wait3A_221 : memref<1x80xi32, #tpu.memory_space<vmem>> -> memref<80xi32, #tpu.memory_space<vmem>>
    %dma_wait3A_223 = arith.constant 0 : i32
    %dma_wait3A_224 = arith.constant 0 : i32
    %dma_wait3A_225 = tpu.memref_slice %arg19[%dma_wait3A_223, %dma_wait3A_224] : memref<10240x64xf32, #tpu.memory_space<vmem_shared>> -> memref<10240x64xf32, #tpu.memory_space<vmem_shared>>
    tpu.wait_indirect_dma semaphore(%arg36 : memref<!tpu.dma_semaphore, #tpu.memory_space<semaphore_mem>>) src(%arg16 : memref<80x64xf32, #tpu.memory_space<vmem>>) dst(%dma_wait3A_225 : memref<10240x64xf32, #tpu.memory_space<vmem_shared>>)
    %dma_wait3A_226 = arith.constant 0 : i32
    %dma_wait3A_227 = arith.constant 0 : i32
    %dma_wait3A_228 = tpu.memref_slice %arg8[%dma_wait3A_226, %dma_wait3A_227] : memref<250x80xi32, #tpu.memory_space<vmem>> -> memref<1x80xi32, #tpu.memory_space<vmem>>
    %dma_wait3A_229 = tpu.memref_squeeze %dma_wait3A_228 : memref<1x80xi32, #tpu.memory_space<vmem>> -> memref<80xi32, #tpu.memory_space<vmem>>
    %dma_wait3A_230 = arith.constant 0 : i32
    %dma_wait3A_231 = arith.constant 0 : i32
    %dma_wait3A_232 = tpu.memref_slice %arg20[%dma_wait3A_230, %dma_wait3A_231] : memref<10240x8xf32, #tpu.memory_space<vmem_shared>> -> memref<10240x8xf32, #tpu.memory_space<vmem_shared>>
    tpu.wait_indirect_dma semaphore(%arg37 : memref<!tpu.dma_semaphore, #tpu.memory_space<semaphore_mem>>) src(%arg17 : memref<80x8xf32, #tpu.memory_space<vmem>>) dst(%dma_wait3A_232 : memref<10240x8xf32, #tpu.memory_space<vmem_shared>>)
    %barrier3A_233 = arith.constant 0 : index
    tpu.barrier barrier_id(%barrier3A_233)
    %mul3A_234 = arith.constant 640 : i32
    %mul3A_235 = arith.muli %arg1, %mul3A_234 : i32
    %mul3A_236 = arith.constant 640 : i32
    %mul3A_237 = arith.muli %arg1, %mul3A_236 : i32
    "tpu.region"() ({
      %run_scoped3A = tpu.sem_alloc : memref<!tpu.dma_semaphore, #tpu.memory_space<semaphore_mem>>
      %dma_start3A_242 = arith.constant 0 : i32
      %dma_start3A_243 = tpu.memref_slice %arg5[%arg0, %mul3A_237, %dma_start3A_242] : memref<2x10240x64xf32, #tpu.memory_space<hbm>> -> memref<1x640x64xf32, #tpu.memory_space<hbm>>
      %dma_start3A_244 = tpu.memref_squeeze %dma_start3A_243 : memref<1x640x64xf32, #tpu.memory_space<hbm>> -> memref<640x64xf32, #tpu.memory_space<hbm>>
      %dma_start3A_245 = arith.constant 0 : i32
      %dma_start3A_246 = tpu.memref_slice %arg19[%mul3A_235, %dma_start3A_245] : memref<10240x64xf32, #tpu.memory_space<vmem_shared>> -> memref<640x64xf32, #tpu.memory_space<vmem_shared>>
      tpu.enqueue_dma source(%dma_start3A_246 : memref<640x64xf32, #tpu.memory_space<vmem_shared>>) target(%dma_start3A_244 : memref<640x64xf32, #tpu.memory_space<hbm>>) target_semaphore(%run_scoped3A : memref<!tpu.dma_semaphore, #tpu.memory_space<semaphore_mem>>)
      %dma_wait3A_247 = arith.constant 0 : i32
      %dma_wait3A_248 = tpu.memref_slice %arg5[%arg0, %mul3A_237, %dma_wait3A_247] : memref<2x10240x64xf32, #tpu.memory_space<hbm>> -> memref<1x640x64xf32, #tpu.memory_space<hbm>>
      %dma_wait3A_249 = tpu.memref_squeeze %dma_wait3A_248 : memref<1x640x64xf32, #tpu.memory_space<hbm>> -> memref<640x64xf32, #tpu.memory_space<hbm>>
      %dma_wait3A_250 = arith.constant 0 : i32
      %dma_wait3A_251 = tpu.memref_slice %arg19[%mul3A_235, %dma_wait3A_250] : memref<10240x64xf32, #tpu.memory_space<vmem_shared>> -> memref<640x64xf32, #tpu.memory_space<vmem_shared>>
      tpu.wait_dma2 semaphore(%run_scoped3A : memref<!tpu.dma_semaphore, #tpu.memory_space<semaphore_mem>>) src(%dma_wait3A_251 : memref<640x64xf32, #tpu.memory_space<vmem_shared>>) dst(%dma_wait3A_249 : memref<640x64xf32, #tpu.memory_space<hbm>>)
      tpu.yield
    }) : () -> ()
    %mul3A_238 = arith.constant 640 : i32
    %mul3A_239 = arith.muli %arg1, %mul3A_238 : i32
    %mul3A_240 = arith.constant 640 : i32
    %mul3A_241 = arith.muli %arg1, %mul3A_240 : i32
    "tpu.region"() ({
      %run_scoped3A = tpu.sem_alloc : memref<!tpu.dma_semaphore, #tpu.memory_space<semaphore_mem>>
      %dma_start3A_242 = arith.constant 0 : i32
      %dma_start3A_243 = tpu.memref_slice %arg6[%arg0, %mul3A_241, %dma_start3A_242] : memref<2x10240x8xf32, #tpu.memory_space<hbm>> -> memref<1x640x8xf32, #tpu.memory_space<hbm>>
      %dma_start3A_244 = tpu.memref_squeeze %dma_start3A_243 : memref<1x640x8xf32, #tpu.memory_space<hbm>> -> memref<640x8xf32, #tpu.memory_space<hbm>>
      %dma_start3A_245 = arith.constant 0 : i32
      %dma_start3A_246 = tpu.memref_slice %arg20[%mul3A_239, %dma_start3A_245] : memref<10240x8xf32, #tpu.memory_space<vmem_shared>> -> memref<640x8xf32, #tpu.memory_space<vmem_shared>>
      tpu.enqueue_dma source(%dma_start3A_246 : memref<640x8xf32, #tpu.memory_space<vmem_shared>>) target(%dma_start3A_244 : memref<640x8xf32, #tpu.memory_space<hbm>>) target_semaphore(%run_scoped3A : memref<!tpu.dma_semaphore, #tpu.memory_space<semaphore_mem>>)
      %dma_wait3A_247 = arith.constant 0 : i32
      %dma_wait3A_248 = tpu.memref_slice %arg6[%arg0, %mul3A_241, %dma_wait3A_247] : memref<2x10240x8xf32, #tpu.memory_space<hbm>> -> memref<1x640x8xf32, #tpu.memory_space<hbm>>
      %dma_wait3A_249 = tpu.memref_squeeze %dma_wait3A_248 : memref<1x640x8xf32, #tpu.memory_space<hbm>> -> memref<640x8xf32, #tpu.memory_space<hbm>>
      %dma_wait3A_250 = arith.constant 0 : i32
      %dma_wait3A_251 = tpu.memref_slice %arg20[%mul3A_239, %dma_wait3A_250] : memref<10240x8xf32, #tpu.memory_space<vmem_shared>> -> memref<640x8xf32, #tpu.memory_space<vmem_shared>>
      tpu.wait_dma2 semaphore(%run_scoped3A : memref<!tpu.dma_semaphore, #tpu.memory_space<semaphore_mem>>) src(%dma_wait3A_251 : memref<640x8xf32, #tpu.memory_space<vmem_shared>>) dst(%dma_wait3A_249 : memref<640x8xf32, #tpu.memory_space<hbm>>)
      tpu.yield
    }) : () -> ()
    return
  }
}

module attributes {stable_mosaic.version = 14 : i64} {
  func.func @_tc_hr_body(%arg0: i32, %arg1: memref<2000x128xf32, #tpu.memory_space<vmem>>, %arg2: memref<128x128xf32, #tpu.memory_space<vmem>>, %arg3: memref<128xf32, #tpu.memory_space<vmem>>, %arg4: memref<2000x128xf32, #tpu.memory_space<vmem>>) attributes {dimension_semantics = [#tpu.dimension_semantics<arbitrary>], iteration_bounds = array<i64: 5>, scalar_prefetch = 0 : i64, scratch_operands = 0 : i64, tpu.core_type = #tpu.core_type<tc>, window_params = [{transform_indices = @transform_0, window_bounds = array<i64: 2000, 128>}, {pipeline_mode = #tpu.pipeline_mode<synchronous>, transform_indices = @transform_1, window_bounds = array<i64: 128, 128>}, {pipeline_mode = #tpu.pipeline_mode<synchronous>, transform_indices = @transform_2, window_bounds = array<i64: 128>}, {transform_indices = @transform_3, window_bounds = array<i64: 2000, 128>}]} {
    %get3A = arith.constant 0 : index
    %get3A_0 = arith.constant 0 : index
    %get3A_1 = vector.load %arg1[%get3A, %get3A_0] : memref<2000x128xf32, #tpu.memory_space<vmem>>, vector<2000x128xf32>
    %get3A_2 = arith.constant 0 : index
    %get3A_3 = arith.constant 0 : index
    %get3A_4 = vector.load %arg2[%get3A_2, %get3A_3] : memref<128x128xf32, #tpu.memory_space<vmem>>, vector<128x128xf32>
    %dot_general3A = arith.constant dense<0.000000e+00> : vector<2000x128xf32>
    %dot_general3A_5 = tpu.matmul %get3A_1, %get3A_4, %dot_general3A {dimension_numbers = #tpu.dot_dimension_numbers<[1], [1], [0], [0], [0, 0, 1, 0], [], []>, precision = #tpu.contract_precision<fp32>, transpose_lhs_hint = false} : vector<2000x128xf32>, vector<128x128xf32>, vector<2000x128xf32> -> vector<2000x128xf32>
    %get3A_6 = arith.constant 0 : index
    %get3A_7 = vector.load %arg3[%get3A_6] : memref<128xf32, #tpu.memory_space<vmem>>, vector<128xf32>
    %broadcast_in_dim3A = vector.shape_cast %get3A_7 : vector<128xf32> to vector<1x128xf32>
    %add3A = vector.broadcast %broadcast_in_dim3A : vector<1x128xf32> to vector<2000x128xf32>
    %add3A_8 = arith.addf %dot_general3A_5, %add3A : vector<2000x128xf32>
    %swap3A = arith.constant 0 : index
    %swap3A_9 = arith.constant 0 : index
    %swap3A_10 = vector.load %arg4[%swap3A, %swap3A_9] : memref<2000x128xf32, #tpu.memory_space<vmem>>, vector<2000x128xf32>
    tpu.vector_store %arg4[%swap3A, %swap3A_9], %add3A_8 {strides = array<i32>} : memref<2000x128xf32, #tpu.memory_space<vmem>>, vector<2000x128xf32>,
    return
  }
  func.func @transform_0(%arg0: i32) -> (i32, i32) {
    %c0_i32 = arith.constant 0 : i32
    %c0_i32_0 = arith.constant 0 : i32
    return %arg0, %c0_i32 : i32, i32
  }
  func.func @transform_1(%arg0: i32) -> (i32, i32) {
    %c0_i32 = arith.constant 0 : i32
    %c0_i32_0 = arith.constant 0 : i32
    %c0_i32_1 = arith.constant 0 : i32
    return %c0_i32, %c0_i32_0 : i32, i32
  }
  func.func @transform_2(%arg0: i32) -> i32 {
    %c0_i32 = arith.constant 0 : i32
    %c0_i32_0 = arith.constant 0 : i32
    return %c0_i32 : i32
  }
  func.func @transform_3(%arg0: i32) -> (i32, i32) {
    %c0_i32 = arith.constant 0 : i32
    %c0_i32_0 = arith.constant 0 : i32
    return %arg0, %c0_i32 : i32, i32
  }
}

module attributes {stable_mosaic.version = 14 : i64} {
  func.func @_tc_finish_body(%arg0: i32, %arg1: memref<2x2000x64xf32, #tpu.memory_space<vmem>>, %arg2: memref<2x2000x8xf32, #tpu.memory_space<vmem>>, %arg3: memref<2000x128xf32, #tpu.memory_space<vmem>>, %arg4: memref<2000x128xf32, #tpu.memory_space<vmem>>, %arg5: memref<128x128xf32, #tpu.memory_space<vmem>>, %arg6: memref<128xf32, #tpu.memory_space<vmem>>, %arg7: memref<128xf32, #tpu.memory_space<vmem>>, %arg8: memref<2000x128xf32, #tpu.memory_space<vmem>>, %arg9: memref<10000x128xf32, #tpu.memory_space<vmem>>, %arg10: memref<8x128xf32, #tpu.memory_space<vmem>>) attributes {dimension_semantics = [#tpu.dimension_semantics<arbitrary>], iteration_bounds = array<i64: 10>, scalar_prefetch = 0 : i64, scratch_operands = 2 : i64, tpu.core_type = #tpu.core_type<tc>, window_params = [{transform_indices = @transform_0, window_bounds = array<i64: 2, 2000, 64>}, {transform_indices = @transform_1, window_bounds = array<i64: 2, 2000, 8>}, {transform_indices = @transform_2, window_bounds = array<i64: 2000, 128>}, {transform_indices = @transform_3, window_bounds = array<i64: 2000, 128>}, {pipeline_mode = #tpu.pipeline_mode<synchronous>, transform_indices = @transform_4, window_bounds = array<i64: 128, 128>}, {pipeline_mode = #tpu.pipeline_mode<synchronous>, transform_indices = @transform_5, window_bounds = array<i64: 128>}, {pipeline_mode = #tpu.pipeline_mode<synchronous>, transform_indices = @transform_6, window_bounds = array<i64: 128>}, {transform_indices = @transform_7, window_bounds = array<i64: 2000, 128>}]} {
    %lt3A = arith.constant 5 : i32
    %lt3A_0 = arith.cmpi slt, %arg0, %lt3A : i32
    %sub3A = arith.constant 5 : i32
    %sub3A_1 = arith.subi %arg0, %sub3A : i32
    %select_n3A = arith.select %lt3A_0, %arg0, %sub3A_1 : i32
    %mul3A = arith.constant 2000 : i32
    %mul3A_2 = arith.muli %select_n3A, %mul3A : i32
    %multiple_of3A = tpu.assume_multiple %mul3A_2, 2000 : i32
    %lt3A_3 = arith.constant 5 : i32
    %lt3A_4 = arith.cmpi slt, %arg0, %lt3A_3 : i32
    %convert_element_type3A = arith.extui %lt3A_4 : i1 to i32
    %cond3A = arith.constant 0 : i32
    %cond3A_5 = arith.cmpi ne, %convert_element_type3A, %cond3A : i32
    scf.if %cond3A_5 {
      %get3A = arith.constant 0 : index
      %get3A_10 = arith.constant 0 : index
      %get3A_11 = arith.constant 0 : index
      %get3A_12 = vector.load %arg1[%get3A, %get3A_10, %get3A_11] : memref<2x2000x64xf32, #tpu.memory_space<vmem>>, vector<1x2000x64xf32>
      %get3A_13 = vector.shape_cast %get3A_12 : vector<1x2000x64xf32> to vector<2000x64xf32>
      %get3A_14 = arith.constant 1 : index
      %get3A_15 = arith.constant 0 : index
      %get3A_16 = arith.constant 0 : index
      %get3A_17 = vector.load %arg1[%get3A_14, %get3A_15, %get3A_16] : memref<2x2000x64xf32, #tpu.memory_space<vmem>>, vector<1x2000x64xf32>
      %get3A_18 = vector.shape_cast %get3A_17 : vector<1x2000x64xf32> to vector<2000x64xf32>
      %concatenate3A = tpu.concatenate %get3A_13, %get3A_18 in 1 : vector<2000x64xf32>, vector<2000x64xf32> -> vector<2000x128xf32>
      %get3A_19 = arith.constant 0 : index
      %get3A_20 = arith.constant 0 : index
      %get3A_21 = arith.constant 0 : index
      %get3A_22 = vector.load %arg2[%get3A_19, %get3A_20, %get3A_21] : memref<2x2000x8xf32, #tpu.memory_space<vmem>>, vector<1x2000x8xf32>
      %get3A_23 = vector.shape_cast %get3A_22 : vector<1x2000x8xf32> to vector<2000x8xf32>
      %get3A_24 = arith.constant 1 : index
      %get3A_25 = arith.constant 0 : index
      %get3A_26 = arith.constant 0 : index
      %get3A_27 = vector.load %arg2[%get3A_24, %get3A_25, %get3A_26] : memref<2x2000x8xf32, #tpu.memory_space<vmem>>, vector<1x2000x8xf32>
      %get3A_28 = vector.shape_cast %get3A_27 : vector<1x2000x8xf32> to vector<2000x8xf32>
      %add3A = arith.addf %get3A_23, %get3A_28 : vector<2000x8xf32>
      %slice3A = vector.extract_strided_slice %add3A {offsets = [0, 0], sizes = [2000, 1], strides = [1, 1]} : vector<2000x8xf32> to vector<2000x1xf32>
      %max3A = arith.constant 1.000000e+00 : f32
      %max3A_29 = vector.broadcast %max3A : f32 to vector<2000x1xf32>
      %max3A_30 = arith.maximumf %slice3A, %max3A_29 : vector<2000x1xf32>
      %div3A = arith.constant 1.000000e+00 : f32
      %div3A_31 = vector.broadcast %div3A : f32 to vector<2000x1xf32>
      %div3A_32 = arith.divf %div3A_31, %max3A_30 : vector<2000x1xf32>
      %mul3A_33 = vector.broadcast %div3A_32 : vector<2000x1xf32> to vector<2000x128xf32>
      %mul3A_34 = arith.mulf %concatenate3A, %mul3A_33 : vector<2000x128xf32>
      %get3A_35 = arith.constant 0 : index
      %get3A_36 = arith.constant 0 : index
      %get3A_37 = vector.load %arg5[%get3A_35, %get3A_36] : memref<128x128xf32, #tpu.memory_space<vmem>>, vector<128x128xf32>
      %dot_general3A = arith.constant dense<0.000000e+00> : vector<2000x128xf32>
      %dot_general3A_38 = tpu.matmul %mul3A_34, %get3A_37, %dot_general3A {dimension_numbers = #tpu.dot_dimension_numbers<[1], [1], [0], [0], [0, 0, 1, 0], [], []>, precision = #tpu.contract_precision<fp32>, transpose_lhs_hint = false} : vector<2000x128xf32>, vector<128x128xf32>, vector<2000x128xf32> -> vector<2000x128xf32>
      %get3A_39 = arith.constant 0 : index
      %get3A_40 = arith.constant 0 : index
      %get3A_41 = vector.load %arg3[%get3A_39, %get3A_40] : memref<2000x128xf32, #tpu.memory_space<vmem>>, vector<2000x128xf32>
      %add3A_42 = arith.addf %dot_general3A_38, %get3A_41 : vector<2000x128xf32>
      %swap3A = arith.index_cast %multiple_of3A : i32 to index
      %swap3A_43 = arith.constant 0 : index
      %swap3A_44 = vector.load %arg9[%swap3A, %swap3A_43] : memref<10000x128xf32, #tpu.memory_space<vmem>>, vector<2000x128xf32>
      tpu.vector_store %arg9[%swap3A, %swap3A_43], %add3A_42 {strides = array<i32>} : memref<10000x128xf32, #tpu.memory_space<vmem>>, vector<2000x128xf32>,
      %reduce_sum3A = arith.constant dense<0.000000e+00> : vector<128xf32>
      %reduce_sum3A_45 = vector.multi_reduction <add>, %add3A_42, %reduce_sum3A [0] : vector<2000x128xf32> to vector<128xf32>
      %broadcast_in_dim3A = vector.shape_cast %reduce_sum3A_45 : vector<128xf32> to vector<1x128xf32>
      %mul3A_46 = arith.mulf %add3A_42, %add3A_42 : vector<2000x128xf32>
      %reduce_sum3A_47 = arith.constant dense<0.000000e+00> : vector<128xf32>
      %reduce_sum3A_48 = vector.multi_reduction <add>, %mul3A_46, %reduce_sum3A_47 [0] : vector<2000x128xf32> to vector<128xf32>
      %broadcast_in_dim3A_49 = vector.shape_cast %reduce_sum3A_48 : vector<128xf32> to vector<1x128xf32>
      %broadcast_in_dim3A_50 = arith.constant 0.000000e+00 : f32
      %broadcast_in_dim3A_51 = vector.broadcast %broadcast_in_dim3A_50 : f32 to vector<6x128xf32>
      %concatenate3A_52 = tpu.concatenate %broadcast_in_dim3A, %broadcast_in_dim3A_49, %broadcast_in_dim3A_51 in 0 : vector<1x128xf32>, vector<1x128xf32>, vector<6x128xf32> -> vector<8x128xf32>
      %eq3A = arith.constant 0 : i32
      %eq3A_53 = arith.cmpi eq, %arg0, %eq3A : i32
      %convert_element_type3A_54 = arith.extui %eq3A_53 : i1 to i32
      %cond3A_55 = arith.constant 0 : i32
      %cond3A_56 = arith.cmpi ne, %convert_element_type3A_54, %cond3A_55 : i32
      scf.if %cond3A_56 {
        %swap3A_64 = arith.constant 0 : index
        %swap3A_65 = arith.constant 0 : index
        %swap3A_66 = vector.load %arg10[%swap3A_64, %swap3A_65] : memref<8x128xf32, #tpu.memory_space<vmem>>, vector<8x128xf32>
        tpu.vector_store %arg10[%swap3A_64, %swap3A_65], %concatenate3A_52 {strides = array<i32>} : memref<8x128xf32, #tpu.memory_space<vmem>>, vector<8x128xf32>,
      } else {
      }
      %gt3A = arith.constant 0 : i32
      %gt3A_57 = arith.cmpi sgt, %arg0, %gt3A : i32
      %convert_element_type3A_58 = arith.extui %gt3A_57 : i1 to i32
      %cond3A_59 = arith.constant 0 : i32
      %cond3A_60 = arith.cmpi ne, %convert_element_type3A_58, %cond3A_59 : i32
      scf.if %cond3A_60 {
        %get3A_64 = arith.constant 0 : index
        %get3A_65 = arith.constant 0 : index
        %get3A_66 = vector.load %arg10[%get3A_64, %get3A_65] : memref<8x128xf32, #tpu.memory_space<vmem>>, vector<8x128xf32>
        %add3A_67 = arith.addf %get3A_66, %concatenate3A_52 : vector<8x128xf32>
        %swap3A_68 = arith.constant 0 : index
        %swap3A_69 = arith.constant 0 : index
        %swap3A_70 = vector.load %arg10[%swap3A_68, %swap3A_69] : memref<8x128xf32, #tpu.memory_space<vmem>>, vector<8x128xf32>
        tpu.vector_store %arg10[%swap3A_68, %swap3A_69], %add3A_67 {strides = array<i32>} : memref<8x128xf32, #tpu.memory_space<vmem>>, vector<8x128xf32>,
      } else {
      }
      %swap3A_61 = arith.constant 0 : index
      %swap3A_62 = arith.constant 0 : index
      %swap3A_63 = vector.load %arg8[%swap3A_61, %swap3A_62] : memref<2000x128xf32, #tpu.memory_space<vmem>>, vector<2000x128xf32>
      tpu.vector_store %arg8[%swap3A_61, %swap3A_62], %add3A_42 {strides = array<i32>} : memref<2000x128xf32, #tpu.memory_space<vmem>>, vector<2000x128xf32>,
    } else {
    }
    %ge3A = arith.constant 5 : i32
    %ge3A_6 = arith.cmpi sge, %arg0, %ge3A : i32
    %convert_element_type3A_7 = arith.extui %ge3A_6 : i1 to i32
    %cond3A_8 = arith.constant 0 : i32
    %cond3A_9 = arith.cmpi ne, %convert_element_type3A_7, %cond3A_8 : i32
    scf.if %cond3A_9 {
      %get3A = arith.index_cast %multiple_of3A : i32 to index
      %get3A_10 = arith.constant 0 : index
      %get3A_11 = vector.load %arg9[%get3A, %get3A_10] : memref<10000x128xf32, #tpu.memory_space<vmem>>, vector<2000x128xf32>
      %get3A_12 = arith.constant 0 : index
      %get3A_13 = arith.constant 0 : index
      %get3A_14 = vector.load %arg10[%get3A_12, %get3A_13] : memref<8x128xf32, #tpu.memory_space<vmem>>, vector<1x128xf32>
      %mul3A_15 = arith.constant 9.99999974E-5 : f32
      %mul3A_16 = vector.broadcast %mul3A_15 : f32 to vector<1x128xf32>
      %mul3A_17 = arith.mulf %get3A_14, %mul3A_16 : vector<1x128xf32>
      %get3A_18 = arith.constant 1 : index
      %get3A_19 = arith.constant 0 : index
      %get3A_20 = vector.load %arg10[%get3A_18, %get3A_19] : memref<8x128xf32, #tpu.memory_space<vmem>>, vector<1x128xf32>
      %mul3A_21 = arith.constant 9.99999974E-5 : f32
      %mul3A_22 = vector.broadcast %mul3A_21 : f32 to vector<1x128xf32>
      %mul3A_23 = arith.mulf %get3A_20, %mul3A_22 : vector<1x128xf32>
      %mul3A_24 = arith.mulf %mul3A_17, %mul3A_17 : vector<1x128xf32>
      %sub3A_25 = arith.subf %mul3A_23, %mul3A_24 : vector<1x128xf32>
      %sub3A_26 = vector.broadcast %mul3A_17 : vector<1x128xf32> to vector<2000x128xf32>
      %sub3A_27 = arith.subf %get3A_11, %sub3A_26 : vector<2000x128xf32>
      %add3A = arith.constant 9.99999974E-6 : f32
      %add3A_28 = vector.broadcast %add3A : f32 to vector<1x128xf32>
      %add3A_29 = arith.addf %sub3A_25, %add3A_28 : vector<1x128xf32>
      %rsqrt3A = math.rsqrt %add3A_29 : vector<1x128xf32>
      %mul3A_30 = vector.broadcast %rsqrt3A : vector<1x128xf32> to vector<2000x128xf32>
      %mul3A_31 = arith.mulf %sub3A_27, %mul3A_30 : vector<2000x128xf32>
      %get3A_32 = arith.constant 0 : index
      %get3A_33 = vector.load %arg6[%get3A_32] : memref<128xf32, #tpu.memory_space<vmem>>, vector<128xf32>
      %broadcast_in_dim3A = vector.shape_cast %get3A_33 : vector<128xf32> to vector<1x128xf32>
      %mul3A_34 = vector.broadcast %broadcast_in_dim3A : vector<1x128xf32> to vector<2000x128xf32>
      %mul3A_35 = arith.mulf %mul3A_31, %mul3A_34 : vector<2000x128xf32>
      %get3A_36 = arith.constant 0 : index
      %get3A_37 = vector.load %arg7[%get3A_36] : memref<128xf32, #tpu.memory_space<vmem>>, vector<128xf32>
      %broadcast_in_dim3A_38 = vector.shape_cast %get3A_37 : vector<128xf32> to vector<1x128xf32>
      %add3A_39 = vector.broadcast %broadcast_in_dim3A_38 : vector<1x128xf32> to vector<2000x128xf32>
      %add3A_40 = arith.addf %mul3A_35, %add3A_39 : vector<2000x128xf32>
      %max3A = arith.constant 0.000000e+00 : f32
      %max3A_41 = vector.broadcast %max3A : f32 to vector<2000x128xf32>
      %max3A_42 = arith.maximumf %add3A_40, %max3A_41 : vector<2000x128xf32>
      %get3A_43 = arith.constant 0 : index
      %get3A_44 = arith.constant 0 : index
      %get3A_45 = vector.load %arg4[%get3A_43, %get3A_44] : memref<2000x128xf32, #tpu.memory_space<vmem>>, vector<2000x128xf32>
      %add3A_46 = arith.addf %max3A_42, %get3A_45 : vector<2000x128xf32>
      %swap3A = arith.constant 0 : index
      %swap3A_47 = arith.constant 0 : index
      %swap3A_48 = vector.load %arg8[%swap3A, %swap3A_47] : memref<2000x128xf32, #tpu.memory_space<vmem>>, vector<2000x128xf32>
      tpu.vector_store %arg8[%swap3A, %swap3A_47], %add3A_46 {strides = array<i32>} : memref<2000x128xf32, #tpu.memory_space<vmem>>, vector<2000x128xf32>,
    } else {
    }
    return
  }
  func.func @transform_0(%arg0: i32) -> (i32, i32, i32) {
    %min3A = arith.constant 4 : i32
    %min3A_0 = arith.minsi %arg0, %min3A : i32
    %c0_i32 = arith.constant 0 : i32
    %c0_i32_1 = arith.constant 0 : i32
    %c0_i32_2 = arith.constant 0 : i32
    return %c0_i32, %min3A_0, %c0_i32_1 : i32, i32, i32
  }
  func.func @transform_1(%arg0: i32) -> (i32, i32, i32) {
    %min3A = arith.constant 4 : i32
    %min3A_0 = arith.minsi %arg0, %min3A : i32
    %c0_i32 = arith.constant 0 : i32
    %c0_i32_1 = arith.constant 0 : i32
    %c0_i32_2 = arith.constant 0 : i32
    return %c0_i32, %min3A_0, %c0_i32_1 : i32, i32, i32
  }
  func.func @transform_2(%arg0: i32) -> (i32, i32) {
    %min3A = arith.constant 4 : i32
    %min3A_0 = arith.minsi %arg0, %min3A : i32
    %c0_i32 = arith.constant 0 : i32
    %c0_i32_1 = arith.constant 0 : i32
    return %min3A_0, %c0_i32 : i32, i32
  }
  func.func @transform_3(%arg0: i32) -> (i32, i32) {
    %max3A = arith.constant 5 : i32
    %max3A_0 = arith.maxsi %arg0, %max3A : i32
    %sub3A = arith.constant 5 : i32
    %sub3A_1 = arith.subi %max3A_0, %sub3A : i32
    %c0_i32 = arith.constant 0 : i32
    %c0_i32_2 = arith.constant 0 : i32
    return %sub3A_1, %c0_i32 : i32, i32
  }
  func.func @transform_4(%arg0: i32) -> (i32, i32) {
    %c0_i32 = arith.constant 0 : i32
    %c0_i32_0 = arith.constant 0 : i32
    %c0_i32_1 = arith.constant 0 : i32
    return %c0_i32, %c0_i32_0 : i32, i32
  }
  func.func @transform_5(%arg0: i32) -> i32 {
    %c0_i32 = arith.constant 0 : i32
    %c0_i32_0 = arith.constant 0 : i32
    return %c0_i32 : i32
  }
  func.func @transform_6(%arg0: i32) -> i32 {
    %c0_i32 = arith.constant 0 : i32
    %c0_i32_0 = arith.constant 0 : i32
    return %c0_i32 : i32
  }
  func.func @transform_7(%arg0: i32) -> (i32, i32) {
    %max3A = arith.constant 5 : i32
    %max3A_0 = arith.maxsi %arg0, %max3A : i32
    %sub3A = arith.constant 5 : i32
    %sub3A_1 = arith.subi %max3A_0, %sub3A : i32
    %c0_i32 = arith.constant 0 : i32
    %c0_i32_2 = arith.constant 0 : i32
    return %sub3A_1, %c0_i32 : i32, i32
  }
}

</mosaic_0001>

<sc_bundles>
// kernel: kernel.5.cloned.1.call-start
scs
__scs_entry_jumppad:
0x0: {  	(pc) =	sbr.rel $0x88, $3  }
0x1: {  	(tag) =	ssettag $0x0;
	lr =	simm.s32 $0x1  }
0x2: {  	[smem:$0x3F9A] =	sst lr;
	_ =	strace $0xD0000000  }
0x3: {  	_ = 	snop  }
0x4: {  	_ = 	snop  }
0x5: {  	_ = 	snop  }
0x6: {  	_ = 	snop  }
0x7: {  	_ = 	snop  }
__scs_overlays_trampoline_lowered:
0x8: {  	[smem:$0x3FA9] =	sst s0  }
0x9: {  	[smem:$0x3FAA] =	sst s1  }
0xa: {  	[smem:$0x3FAB] =	sst s2  }
0xb: {  	[smem:$0x3FAC] =	sst s3  }
0xc: {  	[smem:$0x3FAD] =	sst s4  }
0xd: {  	[smem:$0x3FAE] =	sst s5  }
0xe: {  	[smem:$0x3FAF] =	sst s6  }
0xf: {  	[smem:$0x3FB0] =	sst s7  }
0x10: {  	[smem:$0x3FB1] =	sst s8  }
0x11: {  	[smem:$0x3FB2] =	sst s9;
	s0 =	simm.s32 @!p0 $0x0  }
0x12: {  	s1 =	sld [smem:$0x3F98];
	s0 =	simm.s32 @p0 $0x1  }
0x13: {  	[smem:$0x3FB3] =	sst s0;
	s0 =	simm.s32 @!p1 $0x0  }
0x14: {  	s2 =	sld [smem:$0x3F97];
	s0 =	simm.s32 @p1 $0x1  }
0x15: {  	[smem:$0x3FB4] =	sst s0;
	s0 =	simm.s32 @!p2 $0x0  }
0x16: {  	s3 =	sld [smem:$0x3FDB];
	s0 =	simm.s32 @p2 $0x1  }
0x17: {  	s4 =	simm.s32 $0x1BF5;
	[smem:$0x3FB6] =	sst s0  }
0x18: {  	s0 =	sld [smem:$0x3F99];
	_ =	swait.ge [sflag:s4], $0x0  }
0x19: {  	s7 =	sld [smem:$0x3F9A]  }
0x1a: {  	s8 =	sadd.s32 $0xFFFFE003, lr  }
0x1b: {  	s9 =	sadd.s32 $0xFFFFFEF7, lr;
	s5 =	simm.s32 $0xFFFFFFFF;
	p2 =	slt.u32 s8, $0xFFFFF086  }
0x1c: {  	p1 =	slt.u32 s9, $0xF7A;
	s5 =	simm.s32 @!p2 $0x0  }
0x1d: {  	s5 =	simm.s32 @p1 $0x1;
	p0 =	seq.s32 s7, s2  }
0x1e: {  	s7 =	smul.u32 @!p0 $0xF7A, s2;
	p2 =	seq.s32 @!p0 s5, $0x0  }
0x1f: {  	s9 =	smul.u32 $0xF7A, s1;
	s8 =	simm.s32 @!p0 $0x1BF5;
	p2 =	por !p2, p0  }
0x20: {  	[sflag:s8] =	ssyncset.s32 @!p0 $0xFFFFF086;
	s6 =	sadd.s32 @!p0 s3, s7;
	s7 =	simm.s32 @!p0 $0x108  }
0x21: {  	s3 =	sadd.s32 s3, s9;
	s6 =	sadd.s32 @!p0 $0x88, s6;
	s7 =	simm.s32 @p2 $0x1082  }
0x22: {  	[simem:s7], [sflag:s8] =	dma.local @!p0 [hbm:s6], $0xF7A  }
0x23: {  	s9 =	sor.u32 $0xD0000000, s2;
	s6 =	simm.s32 $0x108;
	_ =	swait.ge @!p0 [sflag:s8], $0x0  }
0x24: {  	s3 =	sadd.s32 $0x88, s3;
	s6 =	simm.s32 @!p1 $0x1082;
	[sflag:s4] =	ssyncset.s32 $0xFFFFF086  }
0x25: {  	[simem:s6], [sflag:s4] =	dma.local [hbm:s3], $0xF7A  }
0x26: {  	[smem:$0x3F9A] =	sst s1;
	(tag) =	ssettag s2;
	_ =	strace s9  }
0x27: {  	s1 =	sld [smem:$0x3FAA]  }
0x28: {  	s2 =	sld [smem:$0x3FAB]  }
0x29: {  	s4 =	sld [smem:$0x3FAD]  }
0x2a: {  	p0 =	seq.s32 s5, $0x0;
	s5 =	sld [smem:$0x3FAE]  }
0x2b: {  	s6 =	sld [smem:$0x3FAF]  }
0x2c: {  	s7 =	sld [smem:$0x3FB0]  }
0x2d: {  	s3 =	simm.s32 $0x108;
	s8 =	sld [smem:$0x3FB1]  }
0x2e: {  	s3 =	simm.s32 @!p0 $0x1082;
	s9 =	sld [smem:$0x3FB2]  }
0x2f: {  	lr =	sadd.s32 s0, s3;
	s0 =	sld [smem:$0x3FA9]  }
0x30: {  	s3 =	sld [smem:$0x3FAC]  }
0x31: {  	[smem:$0x3FB5] =	sst s10  }
0x32: {  	s10 =	sld [smem:$0x3FB3];
	_ =	sdelay $0x3  }
0x33: {  	p0 =	seq.s32 s10, $0x1;
	s10 =	sld [smem:$0x3FB5];
	_ =	sdelay $0x3  }
0x34: {  	[smem:$0x3FB5] =	sst s10  }
0x35: {  	s10 =	sld [smem:$0x3FB4];
	_ =	sdelay $0x3  }
0x36: {  	p1 =	seq.s32 s10, $0x1;
	s10 =	sld [smem:$0x3FB5];
	_ =	sdelay $0x3  }
0x37: {  	[smem:$0x3FB5] =	sst s10  }
0x38: {  	s10 =	sld [smem:$0x3FB6]  }
0x39: {  	_ = 	snop;
	(pc) =	sbr.ind lr, $3  }
0x3a: {  	_ = 	snop  }
0x3b: {  	_ = 	snop  }
0x3c: {  	p2 =	seq.s32 s10, $0x1;
	s10 =	sld [smem:$0x3FB5]  }
0x3d: {  	_ =	shalt  }
0x3e: {  	_ =	shalt  }
0x3f: {  	_ =	shalt  }
0x40: {  	_ =	shalt  }
0x41: {  	_ =	shalt  }
0x42: {  	_ =	shalt  }
0x43: {  	_ =	shalt  }
0x44: {  	_ =	shalt  }
0x45: {  	_ =	shalt  }
0x46: {  	_ =	shalt  }
0x47: {  	_ =	shalt  }
0x48: {  	_ =	shalt  }
0x49: {  	_ =	shalt  }
0x4a: {  	_ =	shalt  }
0x4b: {  	_ =	shalt  }
0x4c: {  	_ =	shalt  }
0x4d: {  	_ =	shalt  }
0x4e: {  	_ =	shalt  }
0x4f: {  	_ =	shalt  }
0x50: {  	_ =	shalt  }
0x51: {  	_ =	shalt  }
0x52: {  	_ =	shalt  }
0x53: {  	_ =	shalt  }
0x54: {  	_ =	shalt  }
0x55: {  	_ =	shalt  }
0x56: {  	_ =	shalt  }
0x57: {  	_ =	shalt  }
0x58: {  	_ =	shalt  }
0x59: {  	_ =	shalt  }
0x5a: {  	_ =	shalt  }
0x5b: {  	_ =	shalt  }
0x5c: {  	_ =	shalt  }
0x5d: {  	_ =	shalt  }
0x5e: {  	_ =	shalt  }
0x5f: {  	_ =	shalt  }
0x60: {  	_ =	shalt  }
0x61: {  	_ =	shalt  }
0x62: {  	_ =	shalt  }
0x63: {  	_ =	shalt  }
0x64: {  	_ =	shalt  }
0x65: {  	_ =	shalt  }
0x66: {  	_ =	shalt  }
0x67: {  	_ =	shalt  }
0x68: {  	_ =	shalt  }
0x69: {  	_ =	shalt  }
0x6a: {  	_ =	shalt  }
0x6b: {  	_ =	shalt  }
0x6c: {  	_ =	shalt  }
0x6d: {  	_ =	shalt  }
0x6e: {  	_ =	shalt  }
0x6f: {  	_ =	shalt  }
0x70: {  	_ =	shalt  }
0x71: {  	_ =	shalt  }
0x72: {  	_ =	shalt  }
0x73: {  	_ =	shalt  }
0x74: {  	_ =	shalt  }
0x75: {  	_ =	shalt  }
0x76: {  	_ =	shalt  }
0x77: {  	_ =	shalt  }
0x78: {  	_ =	shalt  }
0x79: {  	_ =	shalt  }
0x7a: {  	_ =	shalt  }
0x7b: {  	_ =	shalt  }
0x7c: {  	_ =	shalt  }
0x7d: {  	_ =	shalt  }
0x7e: {  	_ =	shalt  }
0x7f: {  	_ =	shalt  }
0x80: {  	_ =	shalt  }
0x81: {  	_ =	shalt  }
0x82: {  	_ =	shalt  }
0x83: {  	_ =	shalt  }
0x84: {  	_ =	shalt  }
0x85: {  	_ =	shalt  }
0x86: {  	_ =	shalt  }
0x87: {  	_ =	shalt  }
.Lfunc_end0:
.L_simem_size_0:
called_computation_lowered:
.L_overlay_start_0:
0x88: {  	s2 =	sld [smem:$0x3FD9]  }
0x89: {  	s3 =	sld [smem:$0x3FFE];
	_ =	sdelay $0x1  }
0x8a: {  	s1 =	srdreg.scid  }
0x8b: {  	s0 =	sand.u32 $0x1, s1  }
0x8c: {  	s17 =	sshll.u32 s0, $0xA;
	s2 =	sadd.s32 s3, s2  }
0x8d: {  	s2 =	sadd.s32 s2, s17  }
0x8e: {  	[smem:$0x3FC1] =	sst s2  }
0x8f: {  	_ = 	snop  }
0x90: {  	s2 =	sld [smem:$0x3FD0];
	(tm) =	ssettm $0x1  }
0x91: {  	s18 =	sld [smem:$0x3FFB];
	_ =	sdelay $0x3  }
0x92: {  	_ =	strace s18  }
0x93: {  	s3 =	sld [smem:$0x3FFC];
	_ =	sdelay $0x3  }
0x94: {  	_ =	strace s3  }
0x95: {  	s3 =	sld [smem:$0x3FFD];
	_ =	sdelay $0x3  }
0x96: {  	_ =	strace s3  }
0x97: {  	_ =	strace $0x8FFFFFFF  }
0x98: {  	s19 =	sld [smem:$0x3FDB];
	_ =	sdelay $0x1  }
0x99: {  	s4 =	simm.s32 $_scs_section_size  }
0x9a: {  	s5 =	simm.s32 $_size__tile_overlayer_lowered;
	s6 =	simm.s32 $_tile_overlayer_lowered  }
0x9b: {  	s22 =	simm.s32 $0x1BFF;
	s21 =	sshll.u32 s6, $0x1;
	s3 =	sadd.s32 s4, s19  }
0x9c: {  	s7 =	simm.s32 $0x0;
	s20 =	sshll.u32 s5, $0x1;
	s5 =	sadd.s32 s21, s3  }
0x9d: {  	[timem:s7], [sflag:s22] =	dma.local [hbm:s5], s20  }
0x9e: {  	_ =	swait.ge [sflag:s22], s20  }
0x9f: {  	s4 =	ssub.s32 $0x0, s20;
	[sflag:s22] =	ssyncset.done $0x0  }
0xa0: {  	[sflag:s22] =	ssyncadd.s32 s4;
	_ =	sdelay $0x1  }
0xa1: {  	s23 =	simm.s32 $0x1B8B  }
0xa2: {  	_ =	swait.ge [sflag:s23], $0x1  }
0xa3: {  	[sflag:s23] =	ssyncset.done $0x0  }
0xa4: {  	s25 =	simm.s32 $0x1B8E;
	s24 =	sld [smem:$0x3FFE];
	[sflag:s23] =	ssyncadd.s32 $0xFFFFFFFF  }
0xa5: {  	s26 =	simm.s32 $execute0_lowered;
	[smem:$0x3FD2] =	sst s25  }
0xa6: {  	s5 =	sshll.u32 s26, $0x1;
	_ =	strace $0x80000046;
	[dreg:$0x1] =	wrdreg $0xFFFFFFFF  }
0xa7: {  	s28 =	simm.s32 $_size_execute0_lowered;
	s3 =	sadd.s32 s3, s5;
	[dreg:$0x0] =	wrdreg $0x0  }
0xa8: {  	s5 =	sshll.u32 s28, $0x1;
	[dreg:$0x2] =	wrdreg s3  }
0xa9: {  	[dreg:$0x3] =	wrdreg s5  }
0xaa: {  	[dreg:$0x4] =	wrdreg $0xC0  }
0xab: {  	_ =	task [dreg:s7], $0x5FFFF  }
0xac: {  	[dreg:$0x1] =	wrdreg $0xFFFFFFFF  }
0xad: {  	[dreg:$0x0] =	wrdreg $0x60  }
0xae: {  	[dreg:$0x2] =	wrdreg s2  }
0xaf: {  	[dreg:$0x3] =	wrdreg s24  }
0xb0: {  	[dreg:$0x4] =	wrdreg $0x141400  }
0xb1: {  	[dreg:$0x5] =	wrdreg $0x1E1400  }
0xb2: {  	[dreg:$0x6] =	wrdreg $0x9  }
0xb3: {  	_ =	task.clear_ibuf [dreg:s7], $0x7FFFF;
	_ =	strace $0x90000046  }
0xb4: {  	s29 =	simm.s32 $0x9;
	_ =	strace $0x80000048  }
0xb5: {  	_ =	swait.ge [sflag:s29], $0x1  }
0xb6: {  	[sflag:s29] =	ssyncadd.s32 $0xFFFFFFFF  }
0xb7: {  	_ =	strace $0x90000048  }
0xb8: {  	_ =	sfence  }
0xb9: {  	s30 =	sld [smem:$0x0];
	_ =	sdelay $0x2  }
0xba: {  	s31 =	sshll.u32 s1, $0xD;
	s1 =	sshrl.u32 s1, $0x2  }
0xbb: {  	s3 =	sand.u32 $0x4000, s31;
	s1 =	sadd.s32 s1, s30  }
0xbc: {  	s0 =	sor.u32 s3, s0;
	s1 =	sshll.u32 s1, $0x11  }
0xbd: {  	s0 =	sor.u32 s1, s0  }
0xbe: {  	s0 =	sadd.s32 $0x8F2B, s0  }
0xbf: {  	[sflag:s0] =	ssyncadd.remote.s32 $0x1  }
0xc0: {  	_ =	sfence.sel $0xFFFF  }
0xc1: {  	[dreg:$0x0] =	wrdreg $0xFFFFFFFF;
	(pc) =	sbr.abs _section_cstart, $3  }
0xc2: {  	[dreg:$0x1] =	wrdreg $0xFFFFFFFF  }
0xc3: {  	_ =	task.clear_ibuf [dreg:s7], $0x2FFFF;
	_ =	strace $0x9FFFFFFF  }
0xc4: {  	(tm) =	ssettm $0x7FFFFFFF  }
0xc5: {  	_ =	shalt  }
tec
execute0_lowered:
.L_overlay_start_1:
0x0: {  	(tag) =	ssettag $0x1  }
0x1: {  	s0 =	rddreg [dreg:$0x0]  }
0x2: {  	s1 =	rddreg [dreg:$0x1];
	s11 =	stileid.u32  }
0x3: {  	s3 =	srdreg.scid;
	s4 =	smul.u32 $0x9C4, s11  }
0x4: {  	s2 =	rddreg [dreg:$0x2];
	s9 =	simm.s32 $0x0;
	s6 =	smul.u32 $0xA000, s11  }
0x5: {  	s29 =	simm.s32 $0x50;
	s30 =	simm.s32 $0xD840;
	s8 =	smul.u32 $0x1400, s11  }
0x6: {  	s5 =	sand.u32 $0x1, s3;
	s3 =	rddreg [dreg:$0x3];
	s11 =	smul.u32 $0x280, s11  }
0x7: {  	s31 =	simm.s32 $0xEC40;
	[smem:$0x7FF] =	sst s9;
	s7 =	smul.u32 $0xA0000, s5  }
0x8: {  	s13 =	smul.u32 $0x14000, s5;
	_ =	strace $0x80000047;
	s10 =	ssub.s32 $0x2, s5  }
0x9: {  	p0 =	sne.s32 s5, $0x0;
	p1 =	seq.s32 s5, $0x0;
	s4 =	sadd.s32 s4, s1  }
0xa: {  	s14 =	sshrl.u32 s10, $0x1;
	s23 =	sadd.s32 s6, s2;
	s24 =	sadd.s32 s8, s3  }
0xb: {  	s16 =	sor.u32 $0x50, s11;
	s18 =	sadd.s32 $0xA0, s11;
	s21 =	sadd.s32 $0xF0, s11  }
0xc: {  	s25 =	sadd.s32 $0x140, s11;
	s12 =	sadd.s32 $0x190, s11;
	s7 =	sadd.s32 s6, s7  }
0xd: {  	s9 =	sadd.s32 s8, s13;
	s15 =	sadd.s32 $0xAC00, s4;
	s4 =	sadd.s32 $0xE00, s4  }
0xe: {  	s17 =	sshll.u32 s16, $0x6;
	s19 =	sshll.u32 s18, $0x6;
	s20 =	sshll.u32 s18, $0x3  }
0xf: {  	s22 =	sshll.u32 s21, $0x6;
	s26 =	sshll.u32 s21, $0x3;
	[dreg:$0x7] =	wrdreg s23  }
0x10: {  	s28 =	sshll.u32 s25, $0x6;
	s13 =	sshll.u32 s25, $0x3;
	[dreg:$0x8] =	wrdreg s24  }
0x11: {  	s8 =	simm.s32 $0x13EC0;
	s7 =	sshrl.u32 s7, $0x3;
	[dreg:$0x5] =	wrdreg s15  }
0x12: {  	s9 =	sshrl.u32 s9, $0x3;
	[dreg:$0x6] =	wrdreg s4;
	s4 =	sshll.u32 s16, $0x3  }
0x13: {  	s6 =	sadd.s32 s17, s2;
	s15 =	smul.u32 $0x13880, s5;
	s17 =	sadd.s32 $0x1E0, s11  }
0x14: {  	s5 =	simm.s32 $0x12;
	s7 =	sadd.s32 s7, s1;
	s1 =	sadd.s32 s9, s1  }
0x15: {  	s9 =	ssub.s32 s10, s14;
	[dreg:$0x9] =	wrdreg s6;
	s4 =	sadd.s32 s4, s3  }
0x16: {  	s10 =	sadd.s32 s28, s2;
	s14 =	sshll.u32 s12, $0x6;
	[dreg:$0xa] =	wrdreg s4  }
0x17: {  	s6 =	sadd.s32 s13, s3;
	s18 =	sshll.u32 s17, $0x6;
	[dreg:$0xf] =	wrdreg s10  }
0x18: {  	s13 =	simm.s32 $0x3;
	s4 =	sadd.s32 s19, s2;
	[dreg:$0x10] =	wrdreg s6  }
0x19: {  	s16 =	sadd.s32 s14, s2;
	s19 =	sadd.s32 s0, s15;
	s0 =	sshll.u32 s17, $0x3  }
0x1a: {  	s25 =	sadd.s32 $0x14A00, s7;
	s28 =	smax.u32 s9, $0x1;
	[dreg:$0xb] =	wrdreg s4  }
0x1b: {  	s6 =	simm.s32 $0x13C40;
	s10 =	simm.s32 $0x9C40;
	[dreg:$0x11] =	wrdreg s16  }
0x1c: {  	s14 =	simm.s32 $0xC440;
	s9 =	simm.s32 $0x1;
	[dreg:$0x17] =	wrdreg s25  }
0x1d: {  	s15 =	simm.s32 $0x4;
	s4 =	sadd.s32 s20, s3;
	[dreg:$0x19] =	wrdreg s28  }
0x1e: {  	s17 =	simm.s32 $0x9;
	s0 =	sadd.s32 s0, s3;
	[dreg:$0xc] =	wrdreg s4  }
0x1f: {  	s20 =	sadd.s32 $0x230, s11;
	s4 =	sadd.s32 s22, s2;
	[dreg:$0x14] =	wrdreg s0  }
0x20: {  	s21 =	sshll.u32 s20, $0x6;
	[dreg:$0xd] =	wrdreg s4;
	s4 =	sadd.s32 s26, s3  }
0x21: {  	s0 =	sadd.s32 s21, s2;
	[dreg:$0xe] =	wrdreg s4;
	s4 =	sshll.u32 s12, $0x3  }
0x22: {  	s16 =	simm.s32 $0x12840;
	[dreg:$0x15] =	wrdreg s0;
	s4 =	sadd.s32 s4, s3  }
0x23: {  	s26 =	sadd.s32 $0x3CA00, s1;
	[dreg:$0x12] =	wrdreg s4;
	s4 =	sadd.s32 s18, s2  }
0x24: {  	s1 =	simm.s32 $0x0;
	[dreg:$0x13] =	wrdreg s4;
	s4 =	sshll.u32 s20, $0x3  }
0x25: {  	[dreg:$0x18] =	wrdreg s26;
	s12 =	simm.s32 $0xB040;
	s22 =	sadd.s32 s4, s3  }
0x26: {  	v0 =	vimm.f32 $0.0e+00;
	v1 =	vlaneseq.u32;
	v2 =	vimm.f32 $1.000000000e+00;
	s20 =	simm.s32 $0xA;
	[dreg:$0x16] =	wrdreg s22;
	s22 =	simm.s32 $0x7  }
.LBB2_1:
0x27: {  	[dreg:$0x1a] =	wrdreg s1  }
0x28: {  	s0 =	simm.s32 $0x0;
	s26 =	rddreg [dreg:$0x5]  }
0x29: {  	[tilespmem:s0], [sflag:$0x12] =	stream.linear.gather [hbm4b:s26+s0], $0x4E20, $0x38;
	[tilespmem:$0x1F540] =	vst v63  }
0x2a: {  	_ =	swait.ge [sflag:s5], $0x4E20  }
0x2b: {  	[sflag:s5] =	ssyncset.done $0x0  }
0x2c: {  	s4 =	simm.s32 $0x4E20;
	s28 =	rddreg [dreg:$0x6];
	[sflag:s5] =	ssyncadd.s32 $0xFFFFB1E0  }
0x2d: {  	[tilespmem:s4], [sflag:$0x12] =	stream.linear.gather [hbm4b:s28+s0], $0x4E20, $0x38;
	[tilespmem:$0x1F540] =	vst v63  }
0x2e: {  	_ =	swait.ge [sflag:s5], $0x4E20  }
0x2f: {  	[sflag:s5] =	ssyncset.done $0x0  }
0x30: {  	s4 =	simm.s32 $0x0;
	[sflag:s5] =	ssyncadd.s32 $0xFFFFB1E0  }
.LBB2_2:
0x31: {  	p2 =	sne.s32 s4, $0x4F00  }
.Ltmp0:
0x32: {  	s7 =	sshra.s32 s4, $0x2;
	(pc) =	sbr.rel @p2 .LBB2_2-.Ltmp0, $4  }
0x33: {  	[tilespmem:s7+$0x9C40] =	vst v0  }
0x34: {  	[tilespmem:s7+$0x9C50] =	vst v0  }
0x35: {  	[tilespmem:s7+$0x9C60] =	vst v0  }
0x36: {  	s4 =	sadd.s32 $0x100, s4;
	[tilespmem:s7+$0x9C70] =	vst v0  }
0x37: {  	s4 =	simm.s32 $0x0  }
0x38: {  	v3 =	vor.u32 s4, v1;
	_ =	sdelay $0x3  }
0x39: {  	s1 =	simm.s32 $0x11440;
	s11 =	simm.s32 $0x2  }
0x3a: {  	s18 =	simm.s32 $0x5;
	s21 =	simm.s32 $0x6;
	s4 =	simm.s32 $0x10;
	[tilespmem:v3+s6+$0x0] =	vst.idx.msk $0xffff, v2  }
.LBB2_4:
0x3b: {  	[tilespmem:v3+s8+$0x0] =	vst.idx.msk $0xffff, v0;
	v3 =	vor.u32 s4, v1;
	p2 =	sne.s32 s4, $0x270  }
.Ltmp1:
0x3c: {  	s4 =	sadd.s32 $0x10, s4;
	(pc) =	sbr.rel @p2 .LBB2_4-.Ltmp1, $2  }
0x3d: {  	_ =	sdelay $0x2  }
0x3e: {  	[tilespmem:v3+s6+$0x0] =	vst.idx.msk $0xffff, v2  }
0x3f: {  	_ =	sdelay $0x3  }
0x40: {  	[tilespmem:v3+s8+$0x0] =	vst.idx.msk $0xffff, v0  }
0x41: {  	[spmem:s23] =	stream.linear.scatter [tilespmem:s10], [sflag:$0x12], $0x1400, $0x38;
	[tilespmem:$0x1F540] =	vst v63  }
0x42: {  	_ =	swait.ge [sflag:s5], $0x1400  }
0x43: {  	[sflag:s5] =	ssyncset.done $0x0  }
0x44: {  	[sflag:s5] =	ssyncadd.s32 $0xFFFFEC00  }
0x45: {  	[spmem:s24] =	stream.linear.scatter [tilespmem:s8], [sflag:$0x12], $0x280, $0x38;
	[tilespmem:$0x1F540] =	vst v63  }
0x46: {  	_ =	swait.ge [sflag:s5], $0x280  }
0x47: {  	[sflag:s5] =	ssyncset.done $0x0  }
0x48: {  	s0 =	rddreg [dreg:$0x9];
	[sflag:s5] =	ssyncadd.s32 $0xFFFFFD80  }
0x49: {  	[spmem:s0] =	stream.linear.scatter [tilespmem:s10], [sflag:$0x12], $0x1400, $0x38;
	[tilespmem:$0x1F540] =	vst v63  }
0x4a: {  	_ =	swait.ge [sflag:s5], $0x1400  }
0x4b: {  	[sflag:s5] =	ssyncset.done $0x0  }
0x4c: {  	s23 =	rddreg [dreg:$0xa];
	[sflag:s5] =	ssyncadd.s32 $0xFFFFEC00  }
0x4d: {  	[spmem:s23] =	stream.linear.scatter [tilespmem:s8], [sflag:$0x12], $0x280, $0x38;
	[tilespmem:$0x1F540] =	vst v63  }
0x4e: {  	_ =	swait.ge [sflag:s5], $0x280  }
0x4f: {  	[sflag:s5] =	ssyncset.done $0x0  }
0x50: {  	s24 =	rddreg [dreg:$0xb];
	[sflag:s5] =	ssyncadd.s32 $0xFFFFFD80  }
0x51: {  	[spmem:s24] =	stream.linear.scatter [tilespmem:s10], [sflag:$0x12], $0x1400, $0x38;
	[tilespmem:$0x1F540] =	vst v63  }
0x52: {  	_ =	swait.ge [sflag:s5], $0x1400  }
0x53: {  	[sflag:s5] =	ssyncset.done $0x0  }
0x54: {  	s25 =	rddreg [dreg:$0xc];
	[sflag:s5] =	ssyncadd.s32 $0xFFFFEC00  }
0x55: {  	[spmem:s25] =	stream.linear.scatter [tilespmem:s8], [sflag:$0x12], $0x280, $0x38;
	[tilespmem:$0x1F540] =	vst v63  }
0x56: {  	_ =	swait.ge [sflag:s5], $0x280  }
0x57: {  	[sflag:s5] =	ssyncset.done $0x0  }
0x58: {  	s26 =	rddreg [dreg:$0xd];
	[sflag:s5] =	ssyncadd.s32 $0xFFFFFD80  }
0x59: {  	[spmem:s26] =	stream.linear.scatter [tilespmem:s10], [sflag:$0x12], $0x1400, $0x38;
	[tilespmem:$0x1F540] =	vst v63  }
0x5a: {  	_ =	swait.ge [sflag:s5], $0x1400  }
0x5b: {  	[sflag:s5] =	ssyncset.done $0x0  }
0x5c: {  	s4 =	rddreg [dreg:$0xe];
	[sflag:s5] =	ssyncadd.s32 $0xFFFFEC00  }
0x5d: {  	[spmem:s4] =	stream.linear.scatter [tilespmem:s8], [sflag:$0x12], $0x280, $0x38;
	[tilespmem:$0x1F540] =	vst v63  }
0x5e: {  	_ =	swait.ge [sflag:s5], $0x280  }
0x5f: {  	[sflag:s5] =	ssyncset.done $0x0  }
0x60: {  	s6 =	rddreg [dreg:$0xf];
	[sflag:s5] =	ssyncadd.s32 $0xFFFFFD80  }
0x61: {  	[spmem:s6] =	stream.linear.scatter [tilespmem:s10], [sflag:$0x12], $0x1400, $0x38;
	[tilespmem:$0x1F540] =	vst v63  }
0x62: {  	_ =	swait.ge [sflag:s5], $0x1400  }
0x63: {  	[sflag:s5] =	ssyncset.done $0x0  }
0x64: {  	s7 =	rddreg [dreg:$0x10];
	[sflag:s5] =	ssyncadd.s32 $0xFFFFEC00  }
0x65: {  	[spmem:s7] =	stream.linear.scatter [tilespmem:s8], [sflag:$0x12], $0x280, $0x38;
	[tilespmem:$0x1F540] =	vst v63  }
0x66: {  	_ =	swait.ge [sflag:s5], $0x280  }
0x67: {  	[sflag:s5] =	ssyncset.done $0x0  }
0x68: {  	s23 =	rddreg [dreg:$0x11];
	[sflag:s5] =	ssyncadd.s32 $0xFFFFFD80  }
0x69: {  	[spmem:s23] =	stream.linear.scatter [tilespmem:s10], [sflag:$0x12], $0x1400, $0x38;
	[tilespmem:$0x1F540] =	vst v63  }
0x6a: {  	_ =	swait.ge [sflag:s5], $0x1400  }
0x6b: {  	[sflag:s5] =	ssyncset.done $0x0  }
0x6c: {  	s24 =	rddreg [dreg:$0x12];
	[sflag:s5] =	ssyncadd.s32 $0xFFFFEC00  }
0x6d: {  	[spmem:s24] =	stream.linear.scatter [tilespmem:s8], [sflag:$0x12], $0x280, $0x38;
	[tilespmem:$0x1F540] =	vst v63  }
0x6e: {  	_ =	swait.ge [sflag:s5], $0x280  }
0x6f: {  	[sflag:s5] =	ssyncset.done $0x0  }
0x70: {  	s25 =	rddreg [dreg:$0x13];
	[sflag:s5] =	ssyncadd.s32 $0xFFFFFD80  }
0x71: {  	[spmem:s25] =	stream.linear.scatter [tilespmem:s10], [sflag:$0x12], $0x1400, $0x38;
	[tilespmem:$0x1F540] =	vst v63  }
0x72: {  	_ =	swait.ge [sflag:s5], $0x1400  }
0x73: {  	[sflag:s5] =	ssyncset.done $0x0  }
0x74: {  	s26 =	rddreg [dreg:$0x14];
	[sflag:s5] =	ssyncadd.s32 $0xFFFFEC00  }
0x75: {  	[spmem:s26] =	stream.linear.scatter [tilespmem:s8], [sflag:$0x12], $0x280, $0x38;
	[tilespmem:$0x1F540] =	vst v63  }
0x76: {  	_ =	swait.ge [sflag:s5], $0x280  }
0x77: {  	[sflag:s5] =	ssyncset.done $0x0  }
0x78: {  	s4 =	rddreg [dreg:$0x15];
	[sflag:s5] =	ssyncadd.s32 $0xFFFFFD80  }
0x79: {  	[spmem:s4] =	stream.linear.scatter [tilespmem:s10], [sflag:$0x12], $0x1400, $0x38;
	[tilespmem:$0x1F540] =	vst v63  }
0x7a: {  	_ =	swait.ge [sflag:s5], $0x1400  }
0x7b: {  	[sflag:s5] =	ssyncset.done $0x0  }
0x7c: {  	s6 =	rddreg [dreg:$0x16];
	[sflag:s5] =	ssyncadd.s32 $0xFFFFEC00  }
0x7d: {  	[spmem:s6] =	stream.linear.scatter [tilespmem:s8], [sflag:$0x12], $0x280, $0x38;
	[tilespmem:$0x1F540] =	vst v63  }
0x7e: {  	_ =	swait.ge [sflag:s5], $0x280  }
0x7f: {  	[sflag:s5] =	ssyncset.done $0x0  }
0x80: {  	[sflag:s5] =	ssyncadd.s32 $0xFFFFFD80  }
0x81: {  	s4 =	simm.s32 $0x0;
	[bflag:$0x0] =	sbarrier.arrive $0xFFFF  }
0x82: {  	[tilespmem:s10], [sflag:$0x1] =	stream.indirect.gather [hbm4b:s19+s29], $0x40, s4, s29, $0xb8;
	[tilespmem:$0x1F540] =	vst v63  }
0x83: {  	_ = 	snop  }
0x84: {  	[tilespmem:s12], [sflag:$0x2] =	stream.indirect.gather [hbm4b:s19+s29], $0x40, s29, s29, $0xb8;
	[tilespmem:$0x1F540] =	vst v63  }
0x85: {  	p2 =	por $0x1, $0x1;
	s7 =	simm.s32 $0xA0  }
0x86: {  	[tilespmem:s14], [sflag:$0x3] =	stream.indirect.gather [hbm4b:s19+s29], $0x40, s7, s29, $0xb8;
	[tilespmem:$0x1F540] =	vst v63  }
0x87: {  	s8 =	simm.s32 $0xF0;
	s4 =	simm.s32 @!p2 $0xD  }
0x88: {  	[tilespmem:s30], [sflag:$0x4] =	stream.indirect.gather [hbm4b:s19+s29], $0x40, s8, s29, $0xb8;
	[tilespmem:$0x1F540] =	vst v63  }
0x89: {  	_ =	swait.ge @!p2 [sflag:s4], $0x1400  }
0x8a: {  	[sflag:s4] =	ssyncset.done @!p2 $0x0  }
0x8b: {  	s7 =	simm.s32 $0x140;
	[sflag:s4] =	ssyncadd.s32 @!p2 $0xFFFFEC00  }
0x8c: {  	[tilespmem:s31], [sflag:$0x5] =	stream.indirect.gather [hbm4b:s19+s29], $0x40, s7, s29, $0xb8;
	[tilespmem:$0x1F540] =	vst v63  }
0x8d: {  	p3 =	por @!p0 $0x1, $0x1;
	_ =	swait.ge [sflag:s9], $0x1400  }
0x8e: {  	p3 =	por p3, p0;
	[sflag:s9] =	ssyncset.done $0x0  }
0x8f: {  	s4 =	simm.s32 $0x4E20;
	s7 =	simm.s32 @!p3 $0x11;
	[sflag:s9] =	ssyncadd.s32 $0xFFFFEC00  }
0x90: {  	[spmem:s2] =	stream.indirect.scatter.add.f32 [tilespmem:s10], [sflag:$0x9], $0x40, s4, s29, $0xb8;
	[tilespmem:$0x1F540] =	vst v63  }
0x91: {  	_ =	swait.ge @!p3 [sflag:s7], $0x280  }
0x92: {  	s23 =	simm.s32 @!p0 $0x13C40;
	[sflag:s7] =	ssyncset.done @!p3 $0x0  }
0x93: {  	s24 =	simm.s32 @!p0 $0x50;
	s8 =	simm.s32 @!p2 $0xE;
	[sflag:s7] =	ssyncadd.s32 @!p3 $0xFFFFFD80  }
0x94: {  	[spmem:s3] =	stream.indirect.scatter.add.f32 @!p0 [tilespmem:s23], [sflag:$0x11], $0x8, s4, s24, $0xb8;
	[tilespmem:$0x1F540] =	vst v63  }
0x95: {  	_ =	swait.ge @!p2 [sflag:s8], $0x1400  }
0x96: {  	[sflag:s8] =	ssyncset.done @!p2 $0x0  }
0x97: {  	s6 =	simm.s32 $0x10040;
	s9 =	simm.s32 $0x190;
	[sflag:s8] =	ssyncadd.s32 @!p2 $0xFFFFEC00  }
0x98: {  	[tilespmem:s6], [sflag:$0x6] =	stream.indirect.gather [hbm4b:s19+s29], $0x40, s9, s29, $0xb8;
	[tilespmem:$0x1F540] =	vst v63  }
0x99: {  	p3 =	por @!p1 $0x1, $0x1;
	_ =	swait.ge [sflag:s11], $0x1400  }
0x9a: {  	p3 =	por p3, p1;
	[sflag:s11] =	ssyncset.done $0x0  }
0x9b: {  	s4 =	simm.s32 $0x4E70;
	s8 =	simm.s32 @!p3 $0x11;
	[sflag:s11] =	ssyncadd.s32 $0xFFFFEC00  }
0x9c: {  	[spmem:s2] =	stream.indirect.scatter.add.f32 [tilespmem:s12], [sflag:$0xA], $0x40, s4, s29, $0xb8;
	[tilespmem:$0x1F540] =	vst v63  }
0x9d: {  	_ =	swait.ge @!p3 [sflag:s8], $0x280  }
0x9e: {  	s25 =	simm.s32 @!p1 $0x13C40;
	[sflag:s8] =	ssyncset.done @!p3 $0x0  }
0x9f: {  	s26 =	simm.s32 @!p2 $0xF;
	s7 =	simm.s32 @!p1 $0x50;
	[sflag:s8] =	ssyncadd.s32 @!p3 $0xFFFFFD80  }
0xa0: {  	[spmem:s3] =	stream.indirect.scatter.add.f32 @!p1 [tilespmem:s25], [sflag:$0x11], $0x8, s4, s7, $0xb8;
	[tilespmem:$0x1F540] =	vst v63  }
0xa1: {  	_ =	swait.ge @!p2 [sflag:s26], $0x1400  }
0xa2: {  	[sflag:s26] =	ssyncset.done @!p2 $0x0  }
0xa3: {  	s11 =	simm.s32 $0x1E0;
	[sflag:s26] =	ssyncadd.s32 @!p2 $0xFFFFEC00  }
0xa4: {  	[tilespmem:s1], [sflag:$0x7] =	stream.indirect.gather [hbm4b:s19+s29], $0x40, s11, s29, $0xb8;
	[tilespmem:$0x1F540] =	vst v63  }
0xa5: {  	_ =	swait.ge [sflag:s13], $0x1400  }
0xa6: {  	[sflag:s13] =	ssyncset.done $0x0  }
0xa7: {  	s4 =	simm.s32 $0x4EC0;
	s26 =	simm.s32 @!p0 $0x11;
	[sflag:s13] =	ssyncadd.s32 $0xFFFFEC00  }
0xa8: {  	[spmem:s2] =	stream.indirect.scatter.add.f32 [tilespmem:s14], [sflag:$0xB], $0x40, s4, s29, $0xb8;
	[tilespmem:$0x1F540] =	vst v63  }
0xa9: {  	_ =	swait.ge @!p0 [sflag:s26], $0x280  }
0xaa: {  	[sflag:s26] =	ssyncset.done @!p0 $0x0  }
0xab: {  	s8 =	simm.s32 @!p2 $0x10;
	[sflag:s26] =	ssyncadd.s32 @!p0 $0xFFFFFD80  }
0xac: {  	[spmem:s3] =	stream.indirect.scatter.add.f32 @!p0 [tilespmem:s23], [sflag:$0x11], $0x8, s4, s24, $0xb8;
	[tilespmem:$0x1F540] =	vst v63  }
0xad: {  	_ =	swait.ge @!p2 [sflag:s8], $0x1400  }
0xae: {  	[sflag:s8] =	ssyncset.done @!p2 $0x0  }
0xaf: {  	s14 =	simm.s32 $0x230;
	[sflag:s8] =	ssyncadd.s32 @!p2 $0xFFFFEC00  }
0xb0: {  	[tilespmem:s16], [sflag:$0x8] =	stream.indirect.gather [hbm4b:s19+s29], $0x40, s14, s29, $0xb8;
	[tilespmem:$0x1F540] =	vst v63  }
0xb1: {  	_ =	swait.ge [sflag:s15], $0x1400  }
0xb2: {  	[sflag:s15] =	ssyncset.done $0x0  }
0xb3: {  	s28 =	simm.s32 @!p1 $0x11;
	s4 =	simm.s32 $0x4F10;
	[sflag:s15] =	ssyncadd.s32 $0xFFFFEC00  }
0xb4: {  	[spmem:s2] =	stream.indirect.scatter.add.f32 [tilespmem:s30], [sflag:$0xC], $0x40, s4, s29, $0xb8;
	[tilespmem:$0x1F540] =	vst v63  }
0xb5: {  	_ =	swait.ge @!p1 [sflag:s28], $0x280  }
0xb6: {  	[sflag:s28] =	ssyncset.done @!p1 $0x0  }
0xb7: {  	[sflag:s28] =	ssyncadd.s32 @!p1 $0xFFFFFD80  }
0xb8: {  	[spmem:s3] =	stream.indirect.scatter.add.f32 @!p1 [tilespmem:s25], [sflag:$0x11], $0x8, s4, s7, $0xb8;
	[tilespmem:$0x1F540] =	vst v63  }
0xb9: {  	_ =	swait.ge [sflag:s17], $0x1400  }
0xba: {  	[sflag:s17] =	ssyncset.done $0x0  }
0xbb: {  	s15 =	simm.s32 $0x280;
	[sflag:s17] =	ssyncadd.s32 $0xFFFFEC00  }
0xbc: {  	[tilespmem:s10], [sflag:$0x1] =	stream.indirect.gather [hbm4b:s19+s29], $0x40, s15, s29, $0xb8;
	[tilespmem:$0x1F540] =	vst v63  }
0xbd: {  	_ =	swait.ge [sflag:s18], $0x1400  }
0xbe: {  	[sflag:s18] =	ssyncset.done $0x0  }
0xbf: {  	s4 =	simm.s32 $0x4F60;
	[sflag:s18] =	ssyncadd.s32 $0xFFFFEC00  }
0xc0: {  	[spmem:s2] =	stream.indirect.scatter.add.f32 [tilespmem:s31], [sflag:$0xD], $0x40, s4, s29, $0xb8;
	[tilespmem:$0x1F540] =	vst v63  }
0xc1: {  	_ =	swait.ge @!p0 [sflag:s26], $0x280  }
0xc2: {  	[sflag:s26] =	ssyncset.done @!p0 $0x0  }
0xc3: {  	[sflag:s26] =	ssyncadd.s32 @!p0 $0xFFFFFD80  }
0xc4: {  	[spmem:s3] =	stream.indirect.scatter.add.f32 @!p0 [tilespmem:s23], [sflag:$0x11], $0x8, s4, s24, $0xb8;
	[tilespmem:$0x1F540] =	vst v63  }
0xc5: {  	_ =	swait.ge [sflag:s20], $0x1400  }
0xc6: {  	[sflag:s20] =	ssyncset.done $0x0  }
0xc7: {  	s18 =	simm.s32 $0x2D0;
	[sflag:s20] =	ssyncadd.s32 $0xFFFFEC00  }
0xc8: {  	[tilespmem:s12], [sflag:$0x2] =	stream.indirect.gather [hbm4b:s19+s29], $0x40, s18, s29, $0xb8;
	[tilespmem:$0x1F540] =	vst v63  }
0xc9: {  	_ =	swait.ge [sflag:s21], $0x1400  }
0xca: {  	[sflag:s21] =	ssyncset.done $0x0  }
0xcb: {  	s4 =	simm.s32 $0x4FB0;
	[sflag:s21] =	ssyncadd.s32 $0xFFFFEC00  }
0xcc: {  	[spmem:s2] =	stream.indirect.scatter.add.f32 [tilespmem:s6], [sflag:$0xE], $0x40, s4, s29, $0xb8;
	[tilespmem:$0x1F540] =	vst v63  }
0xcd: {  	_ =	swait.ge @!p1 [sflag:s28], $0x280  }
0xce: {  	p2 =	por $0x0, $0x0;
	[sflag:s28] =	ssyncset.done @!p1 $0x0  }
0xcf: {  	s8 =	simm.s32 @!p2 $0xB;
	[sflag:s28] =	ssyncadd.s32 @!p1 $0xFFFFFD80  }
0xd0: {  	[spmem:s3] =	stream.indirect.scatter.add.f32 @!p1 [tilespmem:s25], [sflag:$0x11], $0x8, s4, s7, $0xb8;
	[tilespmem:$0x1F540] =	vst v63  }
0xd1: {  	_ =	swait.ge @!p2 [sflag:s8], $0x1400  }
0xd2: {  	s30 =	simm.s32 @!p2 $0x50;
	[sflag:s8] =	ssyncset.done @!p2 $0x0  }
0xd3: {  	s4 =	simm.s32 @!p2 $0x320;
	[sflag:s8] =	ssyncadd.s32 @!p2 $0xFFFFEC00;
	s8 =	simm.s32 @!p2 $0xC440  }
0xd4: {  	[tilespmem:s8], [sflag:$0x3] =	stream.indirect.gather @!p2 [hbm4b:s19+s30], $0x40, s4, s30, $0xb8;
	[tilespmem:$0x1F540] =	vst v63  }
0xd5: {  	_ =	swait.ge [sflag:s22], $0x1400  }
0xd6: {  	[sflag:s22] =	ssyncset.done $0x0  }
0xd7: {  	s4 =	simm.s32 $0x5000;
	[sflag:s22] =	ssyncadd.s32 $0xFFFFEC00  }
0xd8: {  	[spmem:s2] =	stream.indirect.scatter.add.f32 [tilespmem:s1], [sflag:$0xF], $0x40, s4, s29, $0xb8;
	[tilespmem:$0x1F540] =	vst v63  }
0xd9: {  	_ =	swait.ge @!p0 [sflag:s26], $0x280  }
0xda: {  	[sflag:s26] =	ssyncset.done @!p0 $0x0  }
0xdb: {  	s8 =	simm.s32 @!p2 $0xC;
	[sflag:s26] =	ssyncadd.s32 @!p0 $0xFFFFFD80  }
0xdc: {  	[spmem:s3] =	stream.indirect.scatter.add.f32 @!p0 [tilespmem:s23], [sflag:$0x11], $0x8, s4, s24, $0xb8;
	[tilespmem:$0x1F540] =	vst v63  }
0xdd: {  	p3 =	por $0x0, $0x0;
	s11 =	simm.s32 $0x1;
	_ =	swait.ge @!p2 [sflag:s8], $0x1400  }
0xde: {  	s13 =	simm.s32 $0x2;
	s12 =	simm.s32 $0x8;
	[sflag:s8] =	ssyncset.done @!p2 $0x0  }
0xdf: {  	s4 =	simm.s32 @!p2 $0x370;
	[sflag:s8] =	ssyncadd.s32 @!p2 $0xFFFFEC00;
	s8 =	simm.s32 @!p2 $0xD840  }
0xe0: {  	[tilespmem:s8], [sflag:$0x4] =	stream.indirect.gather @!p2 [hbm4b:s19+s30], $0x40, s4, s30, $0xb8;
	[tilespmem:$0x1F540] =	vst v63  }
0xe1: {  	s17 =	simm.s32 $0x7;
	s15 =	simm.s32 $0x3;
	_ =	swait.ge [sflag:s12], $0x1400  }
0xe2: {  	s31 =	simm.s32 $0x5050;
	s20 =	simm.s32 $0x5;
	[sflag:s12] =	ssyncset.done $0x0  }
0xe3: {  	s22 =	simm.s32 $0x6;
	s8 =	simm.s32 $0xA00;
	[sflag:s12] =	ssyncadd.s32 $0xFFFFEC00  }
0xe4: {  	[spmem:s2] =	stream.indirect.scatter.add.f32 [tilespmem:s16], [sflag:$0x10], $0x40, s31, s29, $0xb8;
	[tilespmem:$0x1F540] =	vst v63  }
0xe5: {  	s30 =	simm.s32 $0x1400;
	s16 =	simm.s32 $0x4;
	_ =	swait.ge @!p1 [sflag:s28], $0x280  }
.LBB2_6:
0xe6: {  	s5 =	simm.s32 @!p3 $0xD  }
0xe7: {  	[sflag:s28] =	ssyncset.done @!p1 $0x0;
	s4 =	smov.u32 s30;
	s30 =	sadd.s32 $0xA00, s30  }
0xe8: {  	p2 =	sne.s32 s30, $0x13600;
	[sflag:s28] =	ssyncadd.s32 @!p1 $0xFFFFFD80  }
0xe9: {  	[spmem:s3] =	stream.indirect.scatter.add.f32 @!p1 [tilespmem:s25], [sflag:$0x11], $0x8, s31, s7, $0xb8;
	[tilespmem:$0x1F540] =	vst v63  }
0xea: {  	s31 =	sshra.s32 s8, $0x2;
	_ =	swait.ge @!p3 [sflag:s5], $0x1400  }
0xeb: {  	s0 =	sadd.s32 $0x140, s31;
	[sflag:s5] =	ssyncset.done @!p3 $0x0  }
0xec: {  	s18 =	simm.s32 $0xEC40;
	[sflag:s5] =	ssyncadd.s32 @!p3 $0xFFFFEC00  }
0xed: {  	[tilespmem:s18], [sflag:$0x5] =	stream.indirect.gather [hbm4b:s19+s29], $0x40, s0, s29, $0xb8;
	[tilespmem:$0x1F540] =	vst v63  }
0xee: {  	p4 =	seq.s32 @!p0 s8, $0x0;
	_ =	swait.ge [sflag:s11], $0x1400  }
0xef: {  	p4 =	por p4, p0;
	s0 =	sadd.s32 $0x4E20, s31;
	[sflag:s11] =	ssyncset.done $0x0  }
0xf0: {  	s5 =	simm.s32 @!p4 $0x11;
	[sflag:s11] =	ssyncadd.s32 $0xFFFFEC00  }
0xf1: {  	[spmem:s2] =	stream.indirect.scatter.add.f32 [tilespmem:s10], [sflag:$0x9], $0x40, s0, s29, $0xb8;
	[tilespmem:$0x1F540] =	vst v63  }
0xf2: {  	_ =	swait.ge @!p4 [sflag:s5], $0x280  }
0xf3: {  	s1 =	simm.s32 @!p3 $0xE;
	[sflag:s5] =	ssyncset.done @!p4 $0x0  }
0xf4: {  	[sflag:s5] =	ssyncadd.s32 @!p4 $0xFFFFFD80  }
0xf5: {  	[spmem:s3] =	stream.indirect.scatter.add.f32 @!p0 [tilespmem:s23], [sflag:$0x11], $0x8, s0, s24, $0xb8;
	[tilespmem:$0x1F540] =	vst v63  }
0xf6: {  	_ =	swait.ge @!p3 [sflag:s1], $0x1400  }
0xf7: {  	s0 =	sadd.s32 $0x190, s31;
	[sflag:s1] =	ssyncset.done @!p3 $0x0  }
0xf8: {  	[sflag:s1] =	ssyncadd.s32 @!p3 $0xFFFFEC00  }
0xf9: {  	[tilespmem:s6], [sflag:$0x6] =	stream.indirect.gather [hbm4b:s19+s29], $0x40, s0, s29, $0xb8;
	[tilespmem:$0x1F540] =	vst v63  }
0xfa: {  	p4 =	seq.s32 @!p1 s8, $0x0;
	_ =	swait.ge [sflag:s13], $0x1400  }
0xfb: {  	p4 =	por p4, p1;
	s0 =	sadd.s32 $0x4E70, s31;
	[sflag:s13] =	ssyncset.done $0x0  }
0xfc: {  	s14 =	simm.s32 $0xB040;
	s1 =	simm.s32 @!p4 $0x11;
	[sflag:s13] =	ssyncadd.s32 $0xFFFFEC00  }
0xfd: {  	[spmem:s2] =	stream.indirect.scatter.add.f32 [tilespmem:s14], [sflag:$0xA], $0x40, s0, s29, $0xb8;
	[tilespmem:$0x1F540] =	vst v63  }
0xfe: {  	_ =	swait.ge @!p4 [sflag:s1], $0x280  }
0xff: {  	s5 =	simm.s32 @!p3 $0xF;
	[sflag:s1] =	ssyncset.done @!p4 $0x0  }
0x100: {  	[sflag:s1] =	ssyncadd.s32 @!p4 $0xFFFFFD80  }
0x101: {  	[spmem:s3] =	stream.indirect.scatter.add.f32 @!p1 [tilespmem:s25], [sflag:$0x11], $0x8, s0, s7, $0xb8;
	[tilespmem:$0x1F540] =	vst v63  }
0x102: {  	_ =	swait.ge @!p3 [sflag:s5], $0x1400  }
0x103: {  	s0 =	sadd.s32 $0x1E0, s31;
	[sflag:s5] =	ssyncset.done @!p3 $0x0  }
0x104: {  	s21 =	simm.s32 $0x11440;
	[sflag:s5] =	ssyncadd.s32 @!p3 $0xFFFFEC00  }
0x105: {  	[tilespmem:s21], [sflag:$0x7] =	stream.indirect.gather [hbm4b:s19+s29], $0x40, s0, s29, $0xb8;
	[tilespmem:$0x1F540] =	vst v63  }
0x106: {  	_ =	swait.ge [sflag:s15], $0x1400  }
0x107: {  	s0 =	sadd.s32 $0x4EC0, s31;
	[sflag:s15] =	ssyncset.done $0x0  }
0x108: {  	s1 =	simm.s32 $0xC440;
	[sflag:s15] =	ssyncadd.s32 $0xFFFFEC00  }
0x109: {  	[spmem:s2] =	stream.indirect.scatter.add.f32 [tilespmem:s1], [sflag:$0xB], $0x40, s0, s29, $0xb8;
	[tilespmem:$0x1F540] =	vst v63  }
0x10a: {  	_ =	swait.ge @!p0 [sflag:s26], $0x280  }
0x10b: {  	s1 =	simm.s32 @!p3 $0x10;
	[sflag:s26] =	ssyncset.done @!p0 $0x0  }
0x10c: {  	[sflag:s26] =	ssyncadd.s32 @!p0 $0xFFFFFD80  }
0x10d: {  	[spmem:s3] =	stream.indirect.scatter.add.f32 @!p0 [tilespmem:s23], [sflag:$0x11], $0x8, s0, s24, $0xb8;
	[tilespmem:$0x1F540] =	vst v63  }
0x10e: {  	_ =	swait.ge @!p3 [sflag:s1], $0x1400  }
0x10f: {  	s0 =	sadd.s32 $0x230, s31;
	[sflag:s1] =	ssyncset.done @!p3 $0x0  }
0x110: {  	s9 =	simm.s32 $0x12840;
	[sflag:s1] =	ssyncadd.s32 @!p3 $0xFFFFEC00  }
0x111: {  	[tilespmem:s9], [sflag:$0x8] =	stream.indirect.gather [hbm4b:s19+s29], $0x40, s0, s29, $0xb8;
	[tilespmem:$0x1F540] =	vst v63  }
0x112: {  	_ =	swait.ge [sflag:s16], $0x1400  }
0x113: {  	s0 =	sadd.s32 $0x4F10, s31;
	[sflag:s16] =	ssyncset.done $0x0  }
0x114: {  	s1 =	simm.s32 $0xD840;
	[sflag:s16] =	ssyncadd.s32 $0xFFFFEC00  }
0x115: {  	[spmem:s2] =	stream.indirect.scatter.add.f32 [tilespmem:s1], [sflag:$0xC], $0x40, s0, s29, $0xb8;
	[tilespmem:$0x1F540] =	vst v63  }
0x116: {  	_ =	swait.ge @!p1 [sflag:s28], $0x280  }
0x117: {  	[sflag:s28] =	ssyncset.done @!p1 $0x0  }
0x118: {  	s1 =	simm.s32 $0x9;
	[sflag:s28] =	ssyncadd.s32 @!p1 $0xFFFFFD80  }
0x119: {  	[spmem:s3] =	stream.indirect.scatter.add.f32 @!p1 [tilespmem:s25], [sflag:$0x11], $0x8, s0, s7, $0xb8;
	[tilespmem:$0x1F540] =	vst v63  }
0x11a: {  	_ =	swait.ge [sflag:s1], $0x1400  }
0x11b: {  	s0 =	sadd.s32 $0x280, s31;
	[sflag:s1] =	ssyncset.done $0x0  }
0x11c: {  	[sflag:s1] =	ssyncadd.s32 $0xFFFFEC00  }
0x11d: {  	[tilespmem:s10], [sflag:$0x1] =	stream.indirect.gather [hbm4b:s19+s29], $0x40, s0, s29, $0xb8;
	[tilespmem:$0x1F540] =	vst v63  }
0x11e: {  	_ =	swait.ge [sflag:s20], $0x1400  }
0x11f: {  	s0 =	sadd.s32 $0x4F60, s31;
	[sflag:s20] =	ssyncset.done $0x0  }
0x120: {  	[sflag:s20] =	ssyncadd.s32 $0xFFFFEC00  }
0x121: {  	[spmem:s2] =	stream.indirect.scatter.add.f32 [tilespmem:s18], [sflag:$0xD], $0x40, s0, s29, $0xb8;
	[tilespmem:$0x1F540] =	vst v63  }
0x122: {  	_ =	swait.ge @!p0 [sflag:s26], $0x280  }
0x123: {  	[sflag:s26] =	ssyncset.done @!p0 $0x0  }
0x124: {  	s1 =	simm.s32 $0xA;
	[sflag:s26] =	ssyncadd.s32 @!p0 $0xFFFFFD80  }
0x125: {  	[spmem:s3] =	stream.indirect.scatter.add.f32 @!p0 [tilespmem:s23], [sflag:$0x11], $0x8, s0, s24, $0xb8;
	[tilespmem:$0x1F540] =	vst v63  }
0x126: {  	_ =	swait.ge [sflag:s1], $0x1400  }
0x127: {  	s0 =	sadd.s32 $0x2D0, s31;
	[sflag:s1] =	ssyncset.done $0x0  }
0x128: {  	[sflag:s1] =	ssyncadd.s32 $0xFFFFEC00  }
0x129: {  	[tilespmem:s14], [sflag:$0x2] =	stream.indirect.gather [hbm4b:s19+s29], $0x40, s0, s29, $0xb8;
	[tilespmem:$0x1F540] =	vst v63  }
0x12a: {  	_ =	swait.ge [sflag:s22], $0x1400  }
0x12b: {  	s0 =	sadd.s32 $0x4FB0, s31;
	[sflag:s22] =	ssyncset.done $0x0  }
0x12c: {  	[sflag:s22] =	ssyncadd.s32 $0xFFFFEC00  }
0x12d: {  	[spmem:s2] =	stream.indirect.scatter.add.f32 [tilespmem:s6], [sflag:$0xE], $0x40, s0, s29, $0xb8;
	[tilespmem:$0x1F540] =	vst v63  }
0x12e: {  	_ =	swait.ge @!p1 [sflag:s28], $0x280  }
0x12f: {  	p3 =	seq.s32 s8, $0x12C00;
	[sflag:s28] =	ssyncset.done @!p1 $0x0  }
0x130: {  	s5 =	sshra.s32 @!p3 s8, $0x2;
	s1 =	simm.s32 @!p3 $0xB;
	[sflag:s28] =	ssyncadd.s32 @!p1 $0xFFFFFD80  }
0x131: {  	[spmem:s3] =	stream.indirect.scatter.add.f32 @!p1 [tilespmem:s25], [sflag:$0x11], $0x8, s0, s7, $0xb8;
	[tilespmem:$0x1F540] =	vst v63  }
0x132: {  	s0 =	sadd.s32 @!p3 $0x320, s5;
	s5 =	sadd.s32 @!p3 $0x370, s5;
	_ =	swait.ge @!p3 [sflag:s1], $0x1400  }
0x133: {  	s10 =	simm.s32 @!p3 $0xC440;
	s6 =	simm.s32 @!p3 $0x50;
	[sflag:s1] =	ssyncset.done @!p3 $0x0  }
0x134: {  	s8 =	smov.u32 s4;
	[sflag:s1] =	ssyncadd.s32 @!p3 $0xFFFFEC00  }
0x135: {  	[tilespmem:s10], [sflag:$0x3] =	stream.indirect.gather @!p3 [hbm4b:s19+s6], $0x40, s0, s6, $0xb8;
	[tilespmem:$0x1F540] =	vst v63  }
0x136: {  	s10 =	simm.s32 $0x9C40  }
0x137: {  	_ =	swait.ge [sflag:s17], $0x1400  }
0x138: {  	s0 =	sadd.s32 $0x5000, s31;
	[sflag:s17] =	ssyncset.done $0x0  }
0x139: {  	[sflag:s17] =	ssyncadd.s32 $0xFFFFEC00  }
0x13a: {  	[spmem:s2] =	stream.indirect.scatter.add.f32 [tilespmem:s21], [sflag:$0xF], $0x40, s0, s29, $0xb8;
	[tilespmem:$0x1F540] =	vst v63  }
0x13b: {  	_ =	swait.ge @!p0 [sflag:s26], $0x280  }
0x13c: {  	[sflag:s26] =	ssyncset.done @!p0 $0x0  }
0x13d: {  	s1 =	simm.s32 @!p3 $0xC;
	[sflag:s26] =	ssyncadd.s32 @!p0 $0xFFFFFD80  }
0x13e: {  	[spmem:s3] =	stream.indirect.scatter.add.f32 @!p0 [tilespmem:s23], [sflag:$0x11], $0x8, s0, s24, $0xb8;
	[tilespmem:$0x1F540] =	vst v63  }
0x13f: {  	_ =	swait.ge @!p3 [sflag:s1], $0x1400  }
0x140: {  	s0 =	simm.s32 @!p3 $0xD840;
	[sflag:s1] =	ssyncset.done @!p3 $0x0  }
0x141: {  	[sflag:s1] =	ssyncadd.s32 @!p3 $0xFFFFEC00  }
0x142: {  	[tilespmem:s0], [sflag:$0x4] =	stream.indirect.gather @!p3 [hbm4b:s19+s6], $0x40, s5, s6, $0xb8;
	[tilespmem:$0x1F540] =	vst v63  }
0x143: {  	s6 =	simm.s32 $0x10040  }
.Ltmp2:
0x144: {  	_ =	swait.ge [sflag:s12], $0x1400;
	(pc) =	sbr.rel @p2 .LBB2_6-.Ltmp2, $4  }
0x145: {  	s31 =	sadd.s32 $0x5050, s31;
	[sflag:s12] =	ssyncset.done $0x0  }
0x146: {  	[sflag:s12] =	ssyncadd.s32 $0xFFFFEC00  }
0x147: {  	[spmem:s2] =	stream.indirect.scatter.add.f32 [tilespmem:s9], [sflag:$0x10], $0x40, s31, s29, $0xb8;
	[tilespmem:$0x1F540] =	vst v63  }
0x148: {  	p3 =	seq.s32 s8, $0x0;
	_ =	swait.ge @!p1 [sflag:s28], $0x280  }
0x149: {  	[sflag:s28] =	ssyncset.done @!p1 $0x0  }
0x14a: {  	s0 =	simm.s32 @!p3 $0xD;
	[sflag:s28] =	ssyncadd.s32 @!p1 $0xFFFFFD80  }
0x14b: {  	[spmem:s3] =	stream.indirect.scatter.add.f32 @!p1 [tilespmem:s25], [sflag:$0x11], $0x8, s31, s7, $0xb8;
	[tilespmem:$0x1F540] =	vst v63  }
0x14c: {  	_ =	swait.ge @!p3 [sflag:s0], $0x1400  }
0x14d: {  	s23 =	sshra.s32 s8, $0x2;
	[sflag:s0] =	ssyncset.done @!p3 $0x0  }
0x14e: {  	s18 =	simm.s32 $0xEC40;
	s1 =	sadd.s32 $0x140, s23;
	[sflag:s0] =	ssyncadd.s32 @!p3 $0xFFFFEC00  }
0x14f: {  	[tilespmem:s18], [sflag:$0x5] =	stream.indirect.gather [hbm4b:s19+s29], $0x40, s1, s29, $0xb8;
	[tilespmem:$0x1F540] =	vst v63  }
0x150: {  	p2 =	seq.s32 @!p0 s8, $0x0;
	_ =	swait.ge [sflag:s11], $0x1400  }
0x151: {  	p2 =	por p2, p0;
	[sflag:s11] =	ssyncset.done $0x0  }
0x152: {  	s0 =	sadd.s32 $0x4E20, s23;
	s1 =	simm.s32 @!p2 $0x11;
	[sflag:s11] =	ssyncadd.s32 $0xFFFFEC00  }
0x153: {  	[spmem:s2] =	stream.indirect.scatter.add.f32 [tilespmem:s10], [sflag:$0x9], $0x40, s0, s29, $0xb8;
	[tilespmem:$0x1F540] =	vst v63  }
0x154: {  	_ =	swait.ge @!p2 [sflag:s1], $0x280  }
0x155: {  	s4 =	simm.s32 @!p0 $0x50;
	[sflag:s1] =	ssyncset.done @!p2 $0x0  }
0x156: {  	s5 =	simm.s32 @!p3 $0xE;
	s7 =	simm.s32 @!p0 $0x13C40;
	[sflag:s1] =	ssyncadd.s32 @!p2 $0xFFFFFD80  }
0x157: {  	[spmem:s3] =	stream.indirect.scatter.add.f32 @!p0 [tilespmem:s7], [sflag:$0x11], $0x8, s0, s4, $0xb8;
	[tilespmem:$0x1F540] =	vst v63  }
0x158: {  	_ =	swait.ge @!p3 [sflag:s5], $0x1400  }
0x159: {  	[sflag:s5] =	ssyncset.done @!p3 $0x0  }
0x15a: {  	s1 =	sadd.s32 $0x190, s23;
	[sflag:s5] =	ssyncadd.s32 @!p3 $0xFFFFEC00  }
0x15b: {  	[tilespmem:s6], [sflag:$0x6] =	stream.indirect.gather [hbm4b:s19+s29], $0x40, s1, s29, $0xb8;
	[tilespmem:$0x1F540] =	vst v63  }
0x15c: {  	p2 =	seq.s32 @!p1 s8, $0x0;
	_ =	swait.ge [sflag:s13], $0x1400  }
0x15d: {  	p2 =	por p2, p1;
	s0 =	sadd.s32 $0x4E70, s23;
	[sflag:s13] =	ssyncset.done $0x0  }
0x15e: {  	s1 =	simm.s32 @!p2 $0x11;
	[sflag:s13] =	ssyncadd.s32 $0xFFFFEC00;
	s13 =	simm.s32 $0xB040  }
0x15f: {  	[spmem:s2] =	stream.indirect.scatter.add.f32 [tilespmem:s13], [sflag:$0xA], $0x40, s0, s29, $0xb8;
	[tilespmem:$0x1F540] =	vst v63  }
0x160: {  	_ =	swait.ge @!p2 [sflag:s1], $0x280  }
0x161: {  	s26 =	simm.s32 @!p1 $0x50;
	[sflag:s1] =	ssyncset.done @!p2 $0x0  }
0x162: {  	s25 =	simm.s32 @!p1 $0x13C40;
	s5 =	simm.s32 @!p3 $0xF;
	[sflag:s1] =	ssyncadd.s32 @!p2 $0xFFFFFD80  }
0x163: {  	[spmem:s3] =	stream.indirect.scatter.add.f32 @!p1 [tilespmem:s25], [sflag:$0x11], $0x8, s0, s26, $0xb8;
	[tilespmem:$0x1F540] =	vst v63  }
0x164: {  	_ =	swait.ge @!p3 [sflag:s5], $0x1400  }
0x165: {  	[sflag:s5] =	ssyncset.done @!p3 $0x0  }
0x166: {  	s14 =	simm.s32 $0x11440;
	s9 =	sadd.s32 $0x1E0, s23;
	[sflag:s5] =	ssyncadd.s32 @!p3 $0xFFFFEC00  }
0x167: {  	[tilespmem:s14], [sflag:$0x7] =	stream.indirect.gather [hbm4b:s19+s29], $0x40, s9, s29, $0xb8;
	[tilespmem:$0x1F540] =	vst v63  }
0x168: {  	_ =	swait.ge [sflag:s15], $0x1400  }
0x169: {  	s24 =	simm.s32 @!p0 $0x11;
	[sflag:s15] =	ssyncset.done $0x0  }
0x16a: {  	s21 =	simm.s32 $0xC440;
	s0 =	sadd.s32 $0x4EC0, s23;
	[sflag:s15] =	ssyncadd.s32 $0xFFFFEC00  }
0x16b: {  	[spmem:s2] =	stream.indirect.scatter.add.f32 [tilespmem:s21], [sflag:$0xB], $0x40, s0, s29, $0xb8;
	[tilespmem:$0x1F540] =	vst v63  }
0x16c: {  	_ =	swait.ge @!p0 [sflag:s24], $0x280  }
0x16d: {  	[sflag:s24] =	ssyncset.done @!p0 $0x0  }
0x16e: {  	s1 =	simm.s32 @!p3 $0x10;
	[sflag:s24] =	ssyncadd.s32 @!p0 $0xFFFFFD80  }
0x16f: {  	[spmem:s3] =	stream.indirect.scatter.add.f32 @!p0 [tilespmem:s7], [sflag:$0x11], $0x8, s0, s4, $0xb8;
	[tilespmem:$0x1F540] =	vst v63  }
0x170: {  	_ =	swait.ge @!p3 [sflag:s1], $0x1400  }
0x171: {  	[sflag:s1] =	ssyncset.done @!p3 $0x0  }
0x172: {  	s28 =	sadd.s32 $0x230, s23;
	s9 =	simm.s32 $0x12840;
	[sflag:s1] =	ssyncadd.s32 @!p3 $0xFFFFEC00  }
0x173: {  	[tilespmem:s9], [sflag:$0x8] =	stream.indirect.gather [hbm4b:s19+s29], $0x40, s28, s29, $0xb8;
	[tilespmem:$0x1F540] =	vst v63  }
0x174: {  	_ =	swait.ge [sflag:s16], $0x1400  }
0x175: {  	s5 =	simm.s32 $0xD840;
	[sflag:s16] =	ssyncset.done $0x0  }
0x176: {  	s0 =	sadd.s32 $0x4F10, s23;
	s28 =	simm.s32 @!p1 $0x11;
	[sflag:s16] =	ssyncadd.s32 $0xFFFFEC00  }
0x177: {  	[spmem:s2] =	stream.indirect.scatter.add.f32 [tilespmem:s5], [sflag:$0xC], $0x40, s0, s29, $0xb8;
	[tilespmem:$0x1F540] =	vst v63  }
0x178: {  	_ =	swait.ge @!p1 [sflag:s28], $0x280  }
0x179: {  	[sflag:s28] =	ssyncset.done @!p1 $0x0  }
0x17a: {  	s16 =	simm.s32 $0x9;
	[sflag:s28] =	ssyncadd.s32 @!p1 $0xFFFFFD80  }
0x17b: {  	[spmem:s3] =	stream.indirect.scatter.add.f32 @!p1 [tilespmem:s25], [sflag:$0x11], $0x8, s0, s26, $0xb8;
	[tilespmem:$0x1F540] =	vst v63  }
0x17c: {  	_ =	swait.ge [sflag:s16], $0x1400  }
0x17d: {  	[sflag:s16] =	ssyncset.done $0x0  }
0x17e: {  	s15 =	sadd.s32 $0x280, s23;
	[sflag:s16] =	ssyncadd.s32 $0xFFFFEC00  }
0x17f: {  	[tilespmem:s10], [sflag:$0x1] =	stream.indirect.gather [hbm4b:s19+s29], $0x40, s15, s29, $0xb8;
	[tilespmem:$0x1F540] =	vst v63  }
0x180: {  	_ =	swait.ge [sflag:s20], $0x1400  }
0x181: {  	[sflag:s20] =	ssyncset.done $0x0  }
0x182: {  	s0 =	sadd.s32 $0x4F60, s23;
	[sflag:s20] =	ssyncadd.s32 $0xFFFFEC00  }
0x183: {  	[spmem:s2] =	stream.indirect.scatter.add.f32 [tilespmem:s18], [sflag:$0xD], $0x40, s0, s29, $0xb8;
	[tilespmem:$0x1F540] =	vst v63  }
0x184: {  	_ =	swait.ge @!p0 [sflag:s24], $0x280  }
0x185: {  	[sflag:s24] =	ssyncset.done @!p0 $0x0  }
0x186: {  	s21 =	simm.s32 $0xA;
	[sflag:s24] =	ssyncadd.s32 @!p0 $0xFFFFFD80  }
0x187: {  	[spmem:s3] =	stream.indirect.scatter.add.f32 @!p0 [tilespmem:s7], [sflag:$0x11], $0x8, s0, s4, $0xb8;
	[tilespmem:$0x1F540] =	vst v63  }
0x188: {  	_ =	swait.ge [sflag:s21], $0x1400  }
0x189: {  	[sflag:s21] =	ssyncset.done $0x0  }
0x18a: {  	s5 =	sadd.s32 $0x2D0, s23;
	[sflag:s21] =	ssyncadd.s32 $0xFFFFEC00  }
0x18b: {  	[tilespmem:s13], [sflag:$0x2] =	stream.indirect.gather [hbm4b:s19+s29], $0x40, s5, s29, $0xb8;
	[tilespmem:$0x1F540] =	vst v63  }
0x18c: {  	_ =	swait.ge [sflag:s22], $0x1400  }
0x18d: {  	[sflag:s22] =	ssyncset.done $0x0  }
0x18e: {  	s0 =	sadd.s32 $0x4FB0, s23;
	[sflag:s22] =	ssyncadd.s32 $0xFFFFEC00  }
0x18f: {  	[spmem:s2] =	stream.indirect.scatter.add.f32 [tilespmem:s6], [sflag:$0xE], $0x40, s0, s29, $0xb8;
	[tilespmem:$0x1F540] =	vst v63  }
0x190: {  	_ =	swait.ge @!p1 [sflag:s28], $0x280  }
0x191: {  	p2 =	seq.s32 s8, $0x12C00;
	[sflag:s28] =	ssyncset.done @!p1 $0x0  }
0x192: {  	s1 =	simm.s32 @!p2 $0xB;
	[sflag:s28] =	ssyncadd.s32 @!p1 $0xFFFFFD80  }
0x193: {  	[spmem:s3] =	stream.indirect.scatter.add.f32 @!p1 [tilespmem:s25], [sflag:$0x11], $0x8, s0, s26, $0xb8;
	[tilespmem:$0x1F540] =	vst v63  }
0x194: {  	_ =	swait.ge @!p2 [sflag:s1], $0x1400  }
0x195: {  	s6 =	simm.s32 @!p2 $0x50;
	s0 =	sshra.s32 @!p2 s8, $0x2;
	[sflag:s1] =	ssyncset.done @!p2 $0x0  }
0x196: {  	s5 =	sadd.s32 @!p2 $0x320, s0;
	[sflag:s1] =	ssyncadd.s32 @!p2 $0xFFFFEC00;
	s1 =	simm.s32 @!p2 $0xC440  }
0x197: {  	[tilespmem:s1], [sflag:$0x3] =	stream.indirect.gather @!p2 [hbm4b:s19+s6], $0x40, s5, s6, $0xb8;
	[tilespmem:$0x1F540] =	vst v63  }
0x198: {  	_ =	swait.ge [sflag:s17], $0x1400  }
0x199: {  	[sflag:s17] =	ssyncset.done $0x0  }
0x19a: {  	s1 =	sadd.s32 $0x5000, s23;
	[sflag:s17] =	ssyncadd.s32 $0xFFFFEC00  }
0x19b: {  	[spmem:s2] =	stream.indirect.scatter.add.f32 [tilespmem:s14], [sflag:$0xF], $0x40, s1, s29, $0xb8;
	[tilespmem:$0x1F540] =	vst v63  }
0x19c: {  	_ =	swait.ge @!p0 [sflag:s24], $0x280  }
0x19d: {  	[sflag:s24] =	ssyncset.done @!p0 $0x0  }
0x19e: {  	[sflag:s24] =	ssyncadd.s32 @!p0 $0xFFFFFD80  }
0x19f: {  	[spmem:s3] =	stream.indirect.scatter.add.f32 @!p0 [tilespmem:s7], [sflag:$0x11], $0x8, s1, s4, $0xb8;
	[tilespmem:$0x1F540] =	vst v63  }
0x1a0: {  	s1 =	simm.s32 @!p2 $0xC  }
0x1a1: {  	_ =	swait.ge @!p2 [sflag:s1], $0x1400  }
0x1a2: {  	[sflag:s1] =	ssyncset.done @!p2 $0x0  }
0x1a3: {  	s0 =	sadd.s32 @!p2 $0x370, s0;
	[sflag:s1] =	ssyncadd.s32 @!p2 $0xFFFFEC00;
	s1 =	simm.s32 @!p2 $0xD840  }
0x1a4: {  	[tilespmem:s1], [sflag:$0x4] =	stream.indirect.gather @!p2 [hbm4b:s19+s6], $0x40, s0, s6, $0xb8;
	[tilespmem:$0x1F540] =	vst v63  }
0x1a5: {  	_ =	swait.ge [sflag:s12], $0x1400  }
0x1a6: {  	[sflag:s12] =	ssyncset.done $0x0  }
0x1a7: {  	s0 =	sadd.s32 $0x5050, s23;
	[sflag:s12] =	ssyncadd.s32 $0xFFFFEC00  }
0x1a8: {  	[spmem:s2] =	stream.indirect.scatter.add.f32 [tilespmem:s9], [sflag:$0x10], $0x40, s0, s29, $0xb8;
	[tilespmem:$0x1F540] =	vst v63  }
0x1a9: {  	_ =	swait.ge @!p1 [sflag:s28], $0x280  }
0x1aa: {  	[sflag:s28] =	ssyncset.done @!p1 $0x0  }
0x1ab: {  	[sflag:s28] =	ssyncadd.s32 @!p1 $0xFFFFFD80  }
0x1ac: {  	[spmem:s3] =	stream.indirect.scatter.add.f32 @!p1 [tilespmem:s25], [sflag:$0x11], $0x8, s0, s26, $0xb8;
	[tilespmem:$0x1F540] =	vst v63  }
0x1ad: {  	_ =	swait.ge [sflag:s11], $0x1400  }
0x1ae: {  	[sflag:s11] =	ssyncset.done $0x0  }
0x1af: {  	s9 =	simm.s32 $0x9BA0;
	s0 =	simm.s32 @p0 $0x2;
	[sflag:s11] =	ssyncadd.s32 $0xFFFFEC00  }
0x1b0: {  	[spmem:s2] =	stream.indirect.scatter.add.f32 [tilespmem:s10], [sflag:$0x9], $0x40, s9, s29, $0xb8;
	[tilespmem:$0x1F540] =	vst v63  }
0x1b1: {  	_ =	swait.ge @p0 [sflag:s0], $0x1400  }
0x1b2: {  	s5 =	simm.s32 @p0 $0xB040;
	[sflag:s0] =	ssyncset.done @p0 $0x0  }
0x1b3: {  	s1 =	simm.s32 @p0 $0x9BF0;
	[sflag:s0] =	ssyncadd.s32 @p0 $0xFFFFEC00;
	s0 =	simm.s32 @p0 $0x50  }
0x1b4: {  	[spmem:s2] =	stream.indirect.scatter.add.f32 @p0 [tilespmem:s5], [sflag:$0xA], $0x40, s1, s0, $0xb8;
	[tilespmem:$0x1F540] =	vst v63  }
0x1b5: {  	s5 =	simm.s32 @p0 $0x11  }
0x1b6: {  	_ =	swait.ge @p0 [sflag:s5], $0x280  }
0x1b7: {  	[sflag:s5] =	ssyncset.done @p0 $0x0  }
0x1b8: {  	[sflag:s5] =	ssyncadd.s32 @p0 $0xFFFFFD80;
	s5 =	simm.s32 @p0 $0x13C40  }
0x1b9: {  	[spmem:s3] =	stream.indirect.scatter.add.f32 @p0 [tilespmem:s5], [sflag:$0x11], $0x8, s1, s0, $0xb8;
	[tilespmem:$0x1F540] =	vst v63  }
0x1ba: {  	_ =	swait.ge @!p0 [sflag:s24], $0x280  }
0x1bb: {  	[sflag:s24] =	ssyncset.done @!p0 $0x0  }
0x1bc: {  	s0 =	simm.s32 @!p0 $0x9BA0;
	[sflag:s24] =	ssyncadd.s32 @!p0 $0xFFFFFD80  }
0x1bd: {  	[spmem:s3] =	stream.indirect.scatter.add.f32 @!p0 [tilespmem:s7], [sflag:$0x11], $0x8, s0, s4, $0xb8;
	[tilespmem:$0x1F540] =	vst v63  }
0x1be: {  	s0 =	simm.s32 @!p0 $0x2  }
0x1bf: {  	_ =	swait.ge @!p0 [sflag:s0], $0x1400  }
0x1c0: {  	[sflag:s0] =	ssyncset.done @!p0 $0x0  }
0x1c1: {  	s1 =	simm.s32 @!p0 $0xB040;
	[sflag:s0] =	ssyncadd.s32 @!p0 $0xFFFFEC00;
	s0 =	simm.s32 @!p0 $0x9BF0  }
0x1c2: {  	[spmem:s2] =	stream.indirect.scatter.add.f32 @!p0 [tilespmem:s1], [sflag:$0xA], $0x40, s0, s4, $0xb8;
	[tilespmem:$0x1F540] =	vst v63  }
0x1c3: {  	_ =	swait.ge [sflag:s16], $0x1400  }
0x1c4: {  	[sflag:s16] =	ssyncset.done $0x0  }
0x1c5: {  	[sflag:s16] =	ssyncadd.s32 $0xFFFFEC00  }
0x1c6: {  	_ =	swait.ge [sflag:s21], $0x1400  }
0x1c7: {  	[sflag:s21] =	ssyncset.done $0x0  }
0x1c8: {  	s11 =	simm.s32 $0xB;
	[sflag:s21] =	ssyncadd.s32 $0xFFFFEC00  }
0x1c9: {  	_ =	swait.ge [sflag:s11], $0x1400  }
0x1ca: {  	[sflag:s11] =	ssyncset.done $0x0  }
0x1cb: {  	s12 =	simm.s32 $0xC;
	[sflag:s11] =	ssyncadd.s32 $0xFFFFEC00  }
0x1cc: {  	_ =	swait.ge [sflag:s12], $0x1400  }
0x1cd: {  	[sflag:s12] =	ssyncset.done $0x0  }
0x1ce: {  	s13 =	simm.s32 $0xD;
	[sflag:s12] =	ssyncadd.s32 $0xFFFFEC00  }
0x1cf: {  	_ =	swait.ge [sflag:s13], $0x1400  }
0x1d0: {  	[sflag:s13] =	ssyncset.done $0x0  }
0x1d1: {  	s14 =	simm.s32 $0xE;
	[sflag:s13] =	ssyncadd.s32 $0xFFFFEC00  }
0x1d2: {  	_ =	swait.ge [sflag:s14], $0x1400  }
0x1d3: {  	[sflag:s14] =	ssyncset.done $0x0  }
0x1d4: {  	s15 =	simm.s32 $0xF;
	[sflag:s14] =	ssyncadd.s32 $0xFFFFEC00  }
0x1d5: {  	_ =	swait.ge [sflag:s15], $0x1400  }
0x1d6: {  	[sflag:s15] =	ssyncset.done $0x0  }
0x1d7: {  	s16 =	simm.s32 $0x10;
	[sflag:s15] =	ssyncadd.s32 $0xFFFFEC00  }
0x1d8: {  	_ =	swait.ge [sflag:s16], $0x1400  }
0x1d9: {  	[sflag:s16] =	ssyncset.done $0x0  }
0x1da: {  	s17 =	simm.s32 $0x11;
	[sflag:s16] =	ssyncadd.s32 $0xFFFFEC00  }
0x1db: {  	_ =	swait.ge [sflag:s17], $0x280  }
0x1dc: {  	[sflag:s17] =	ssyncset.done $0x0  }
0x1dd: {  	[sflag:s17] =	ssyncadd.s32 $0xFFFFFD80  }
0x1de: {  	s18 =	stileid.u32;
	[bflag:$0x0] =	sbarrier.arrive $0xFFFF  }
0x1df: {  	s5 =	simm.s32 $0x12;
	s0 =	sshll.u32 s18, $0x6;
	s23 =	rddreg [dreg:$0x7]  }
0x1e0: {  	s0 =	sor.u32 $0x1C12, s0;
	s21 =	rddreg [dreg:$0x17];
	s20 =	sshrl.u32 s23, $0x3  }
0x1e1: {  	[hbm:s21], [sflag:s0] =	dma.local [spmem:s20], $0x1400  }
0x1e2: {  	_ =	swait.ge [sflag:s5], $0x1400  }
0x1e3: {  	[sflag:s5] =	ssyncset.done $0x0;
	s24 =	rddreg [dreg:$0x8]  }
0x1e4: {  	s25 =	rddreg [dreg:$0x18];
	[sflag:s5] =	ssyncadd.s32 $0xFFFFEC00;
	s22 =	sshrl.u32 s24, $0x3  }
0x1e5: {  	[hbm:s25], [sflag:s0] =	dma.local [spmem:s22], $0x280  }
0x1e6: {  	_ =	swait.ge [sflag:s5], $0x280  }
0x1e7: {  	s26 =	rddreg [dreg:$0x1a]  }
0x1e8: {  	s28 =	rddreg [dreg:$0x19];
	s1 =	sadd.s32 $0x1, s26  }
0x1e9: {  	s30 =	simm.s32 $0xD840;
	p2 =	sne.s32 s1, s28  }
.Ltmp3:
0x1ea: {  	s31 =	simm.s32 $0xEC40;
	s8 =	simm.s32 $0x13EC0;
	(pc) =	sbr.rel @p2 .LBB2_1-.Ltmp3, $4  }
0x1eb: {  	s6 =	simm.s32 $0x13C40;
	s9 =	simm.s32 $0x1;
	s12 =	simm.s32 $0xB040  }
0x1ec: {  	s13 =	simm.s32 $0x3;
	s14 =	simm.s32 $0xC440;
	s15 =	simm.s32 $0x4  }
0x1ed: {  	s16 =	simm.s32 $0x12840;
	s17 =	simm.s32 $0x9;
	[sflag:s5] =	ssyncset.done $0x0  }
0x1ee: {  	s20 =	simm.s32 $0xA;
	s22 =	simm.s32 $0x7;
	[sflag:s5] =	ssyncadd.s32 $0xFFFFFD80  }
0x1ef: {  	_ =	sfence.sel $0x180000  }
0x1f0: {  	[bflag:$0x0] =	sbarrier.arrive $0xFFFF  }
0x1f1: {  	_ =	strace $0x90000047  }
0x1f2: {  	s0 =	stileid.u32;
	[bflag:$0x2] =	sbarrier.arrive $0xFFFF  }
0x1f3: {  	p0 =	sne.s32 s0, $0x0;
	s0 =	rddreg [dreg:$0x4]  }
0x1f4: {  	s0 =	sadd.s32 @!p0 $0x100000, s0  }
0x1f5: {  	[sflag:s0] =	ssyncadd.tile.s32 @!p0 $0x1;
	_ =	shalt  }
.Lfunc_end2:
_tile_overlayer_lowered:
.L_overlay_start_2:
0x1f6: {  	(tag) =	ssettag $0x2  }
0x1f7: {  	s0 =	rddreg [dreg:$0x0];
	s2 =	stileid.u32  }
0x1f8: {  	s1 =	rddreg [dreg:$0x1];
	p0 =	sne.s32 s2, $0x0  }
0x1f9: {  	s3 =	rddreg [dreg:$0x2];
	[bflag:$0x3] =	sbarrier.arrive $0xFFFF;
	s2 =	simm.s32 @!p0 $0x1C12  }
0x1fa: {  	[timem:s3], [sflag:s2] =	dma.local @!p0 [hbm:s0], s1  }
0x1fb: {  	s0 =	simm.s32 @!p0 $0x12  }
0x1fc: {  	_ =	swait.ge @!p0 [sflag:s0], s1  }
0x1fd: {  	s1 =	ssub.s32 @!p0 $0x0, s1;
	[sflag:s0] =	ssyncset.done @!p0 $0x0  }
0x1fe: {  	[sflag:s0] =	ssyncadd.s32 @!p0 s1  }
0x1ff: {  	[bflag:$0x3] =	sbarrier.arrive $0xFFFF  }
0x200: {  	_ =	shalt  }

</sc_bundles>
